<compile_context>
chip_gen: v7x
topology: tpu7x:2x2x1
jax: 0.10.2.dev20260603
libtpu: 0.0.44.dev20260713+nightly
codegen_flags: <defaults>
</compile_context>

<pallas_src>
import functools

import jax
import jax.numpy as jnp
from jax import lax
from jax.experimental import pallas as pl
from jax.experimental.pallas import tpu as pltpu
from jax.experimental.pallas import tpu_sc as plsc

_RATIO = 0.3
_ROW_BLOCK = 1024


def _stats_kernel(eos_ref, a_ref, mask_ref, idx_ref, s_ref, e_ref, sel_ref):
    b = pl.program_id(0)
    i = pl.program_id(1)
    bs = pl.num_programs(0)
    nrb = pl.num_programs(1)
    rb, seq = a_ref.shape[1], a_ref.shape[2]
    kpad = idx_ref.shape[1]
    x = a_ref[0]

    @pl.when(i == 0)
    def _init():
        s_ref[...] = jnp.zeros((1, seq), jnp.float32)

    ex = jnp.exp2(x * jnp.float32(1.4426950408889634))
    s_ref[...] = s_ref[...] + jnp.sum(ex, axis=0, keepdims=True)

    eos = eos_ref[b]

    @pl.when(i == eos // rb)
    def _extract():
        rows = i * rb + lax.broadcasted_iota(jnp.int32, (rb, seq), 0)
        e_ref[...] = jnp.sum(jnp.where(rows == eos, x, 0.0), axis=0,
                             keepdims=True)

    @pl.when(i == nrb - 1)
    def _finalize():
        p = jnp.exp(e_ref[...]) / s_ref[...]
        j_r = lax.broadcasted_iota(jnp.int32, (1, seq), 1)
        unif = jnp.float32(1.0 / seq)
        sel = jnp.where((j_r == 0) | (j_r == eos), unif, p)
        sel_ref[pl.ds(b, 1), :] = jnp.where(mask_ref[0] == 0.0, 0.0, sel)

    @pl.when(jnp.logical_and(b == bs - 1, i == nrb - 1))
    def _select():
        key = lax.bitcast_convert_type(sel_ref[...], jnp.int32)
        idx = lax.broadcasted_iota(jnp.int32, (bs, seq), 1)
        iota = idx
        nbits = seq.bit_length() - 1
        for lk in range(1, nbits + 1):
            for ld in range(lk - 1, -1, -1):
                d = 1 << ld
                lo = (iota & d) == 0
                pkey = jnp.where(lo, pltpu.roll(key, seq - d, 1),
                                 pltpu.roll(key, d, 1))
                pidx = jnp.where(lo, pltpu.roll(idx, seq - d, 1),
                                 pltpu.roll(idx, d, 1))
                a_less = (key > pkey) | ((key == pkey) & (idx < pidx))
                al = a_less.astype(jnp.int32)
                xorbit = ((iota >> ld) ^ (iota >> lk)) & 1
                takeself = (al ^ xorbit) == 1
                key = jnp.where(takeself, key, pkey)
                idx = jnp.where(takeself, idx, pidx)
        bofs = lax.broadcasted_iota(jnp.int32, (bs, kpad), 0) * seq
        idx_ref[...] = idx[:, :kpad] + bofs


def _mlp_kernel(pool_ref, x_ref, wl_ref, bl_ref, w0_ref, b0_ref, g0_ref,
                bt_ref, w1_ref, b1_ref, o_ref, *, k, kpad, bs):
    x = x_ref[...]
    n = x.shape[0]
    nrm = jnp.sqrt(jnp.sum(x * x, axis=1, keepdims=True))
    nrm = jnp.maximum(nrm, 1e-6)
    xn = x / nrm

    dn = (((1,), (1,)), ((), ()))
    xnb = xn.astype(jnp.bfloat16)
    cap = lax.dot_general(xnb, wl_ref[...].astype(jnp.bfloat16), dn,
                          preferred_element_type=jnp.float32) + bl_ref[...]
    h = lax.dot_general(xnb, w0_ref[...].astype(jnp.bfloat16), dn,
                        preferred_element_type=jnp.float32) + b0_ref[...]

    slot = lax.broadcasted_iota(jnp.int32, (n, 1), 0) % kpad
    rmask = (slot < k).astype(jnp.float32)
    cnt = jnp.float32(bs * k)
    mu = jnp.sum(h * rmask, axis=0, keepdims=True) / cnt
    d = h - mu
    var = jnp.sum(d * d * rmask, axis=0, keepdims=True) / cnt
    xb = d / jnp.sqrt(var + 1e-5) * g0_ref[...] + bt_ref[...]
    xb = jnp.maximum(xb, 0.0)
    y = lax.dot_general(xb.astype(jnp.bfloat16), w1_ref[...].astype(jnp.bfloat16),
                        dn, preferred_element_type=jnp.float32) + b1_ref[...]
    fused = cap + y

    bidx = lax.broadcasted_iota(jnp.int32, (n, 1), 0) // kpad
    pv = jnp.zeros((n, 1), jnp.int32)
    for b in range(bs):
        pv = jnp.where(bidx == b, pool_ref[b], pv)
    valid = slot < pv
    fm = jnp.where(valid, fused, -jnp.inf)
    for b in range(bs):
        o_ref[b, :] = jnp.max(fm[b * kpad:(b + 1) * kpad, :], axis=0)


def _gather_rows(idx_flat, table):
    nrows, d = idx_flat.shape[0], table.shape[1]
    info = plsc.get_sparse_core_info()
    nw = info.num_cores * info.num_subcores
    b_per_w = nrows // nw
    mesh = plsc.VectorSubcoreMesh(core_axis_name="c", subcore_axis_name="s")

    @functools.partial(
        pl.kernel, mesh=mesh,
        out_type=jax.ShapeDtypeStruct((nrows, d), jnp.float32),
        scratch_types=[
            pltpu.VMEM((b_per_w,), jnp.int32),
            pltpu.VMEM((b_per_w, d), jnp.float32),
            pltpu.SemaphoreType.DMA,
        ],
    )
    def _g(idx_hbm, tab_hbm, out_hbm, idx_v, rows_v, sem):
        wid = lax.axis_index("s") * info.num_cores + lax.axis_index("c")
        base = wid * b_per_w
        pltpu.sync_copy(idx_hbm.at[pl.ds(base, b_per_w)], idx_v)
        pltpu.async_copy(tab_hbm.at[idx_v], rows_v, sem).wait()
        pltpu.sync_copy(rows_v, out_hbm.at[pl.ds(base, b_per_w)])

    return _g(idx_flat, table)


def kernel(features, text, atten, W_lin, b_lin, W0, b0, g0, beta0, W1, b1):
    bs, seq, dim = features.shape
    emb = W_lin.shape[0]
    hid = W0.shape[0]
    k = max(1, int((seq - 2) * _RATIO))
    kpad = ((k + 127) // 128) * 128

    maskf = (text != 0).astype(jnp.float32)
    token_lens = jnp.clip(jnp.sum(maskf, axis=1).astype(jnp.int32), 1, None)
    eos = jnp.clip(token_lens - 1, 0, seq - 1).astype(jnp.int32)
    pool = jnp.clip(token_lens - 2, 1, k).astype(jnp.int32)

    mask3 = maskf.reshape(bs, 1, seq)
    nrb = seq // _ROW_BLOCK
    idx = pl.pallas_call(
        _stats_kernel,
        grid=(bs, nrb),
        in_specs=[
            pl.BlockSpec(memory_space=pltpu.SMEM),
            pl.BlockSpec((1, _ROW_BLOCK, seq), lambda b, i: (b, i, 0)),
            pl.BlockSpec((1, 1, seq), lambda b, i: (b, 0, 0)),
        ],
        out_specs=pl.BlockSpec((bs, kpad), lambda b, i: (0, 0)),
        out_shape=jax.ShapeDtypeStruct((bs, kpad), jnp.int32),
        scratch_shapes=[
            pltpu.VMEM((1, seq), jnp.float32),
            pltpu.VMEM((1, seq), jnp.float32),
            pltpu.VMEM((bs, seq), jnp.float32),
        ],
    )(eos, atten, mask3)

    gathered = _gather_rows(idx.reshape(bs * kpad),
                            features.reshape(bs * seq, dim))

    out = pl.pallas_call(
        functools.partial(_mlp_kernel, k=k, kpad=kpad, bs=bs),
        in_specs=[
            pl.BlockSpec(memory_space=pltpu.SMEM),
            pl.BlockSpec((bs * kpad, dim), lambda: (0, 0)),
            pl.BlockSpec((emb, dim), lambda: (0, 0)),
            pl.BlockSpec((1, emb), lambda: (0, 0)),
            pl.BlockSpec((hid, dim), lambda: (0, 0)),
            pl.BlockSpec((1, hid), lambda: (0, 0)),
            pl.BlockSpec((1, hid), lambda: (0, 0)),
            pl.BlockSpec((1, hid), lambda: (0, 0)),
            pl.BlockSpec((emb, hid), lambda: (0, 0)),
            pl.BlockSpec((1, emb), lambda: (0, 0)),
        ],
        out_specs=pl.BlockSpec((bs, emb), lambda: (0, 0)),
        out_shape=jax.ShapeDtypeStruct((bs, emb), jnp.float32),
    )(pool, gathered, W_lin, b_lin.reshape(1, -1), W0, b0.reshape(1, -1),
      g0.reshape(1, -1), beta0.reshape(1, -1), W1, b1.reshape(1, -1))
    return out

# --- scband reference (transcript-rebuilt; emitter-appended) ---
"""Pipeline reference for scband-texual-embedding-layer-41609643163657 (READ-ONLY COPY).

The authoritative reference and input builder live on the scoring server;
editing this copy changes nothing except your own understanding.
"""

import jax, jax.numpy as jnp
import numpy as np

INPUT_DIM = 512
EMBED_DIM = 1024
RATIO = 0.3


def setup_inputs(seed: int = 0) -> dict:
    key = jax.random.key(seed)
    ks = jax.random.split(key, 12)
    bs, seq_len, D = 4, 2048, INPUT_DIM
    features = jax.random.normal(ks[0], (bs, seq_len, D), dtype=jnp.float32)
    text = jax.random.randint(ks[1], (bs, seq_len), 0, 30000).astype(jnp.int64)
    atten = jax.random.normal(ks[2], (bs, seq_len, seq_len), dtype=jnp.float32)
    hidden = EMBED_DIM // 2
    W_lin = jax.random.normal(ks[3], (EMBED_DIM, D), dtype=jnp.float32) * 0.02
    b_lin = jnp.zeros((EMBED_DIM,), dtype=jnp.float32)
    W0 = jax.random.normal(ks[4], (hidden, D), dtype=jnp.float32) * 0.02
    b0 = jnp.zeros((hidden,), dtype=jnp.float32)
    g0 = jnp.ones((hidden,), dtype=jnp.float32)
    beta0 = jnp.zeros((hidden,), dtype=jnp.float32)
    W1 = jax.random.normal(ks[5], (EMBED_DIM, hidden), dtype=jnp.float32) * 0.02
    b1 = jnp.zeros((EMBED_DIM,), dtype=jnp.float32)
    return {"features": features, "text": text, "atten": atten,
            "W_lin": W_lin, "b_lin": b_lin, "W0": W0, "b0": b0,
            "g0": g0, "beta0": beta0, "W1": W1, "b1": b1}


def reference(features, text, atten, W_lin, b_lin, W0, b0, g0, beta0, W1, b1):
    bs, seq_len, D = features.shape
    atten = jnp.nan_to_num(atten, nan=0.0, posinf=0.0, neginf=0.0).astype(jnp.float32)
    pad_id = 0
    mask = (text != pad_id).astype(jnp.float32)
    token_lens = jnp.clip(mask.sum(axis=1).astype(jnp.int32), 1, None)
    eos_pos = jnp.clip(token_lens - 1, 0, seq_len - 1)
    batch_idx = jnp.arange(bs)
    mask_value = -10000.0
    atten = atten.at[:, :, 0].set(mask_value)
    atten = atten.at[batch_idx, :, eos_pos].set(mask_value)
    atten = jnp.where(mask[:, None, :] == 0, mask_value, atten)
    atten = jax.nn.softmax(atten, axis=1)
    k = max(1, int((seq_len - 2) * RATIO))
    atten_sel = atten[batch_idx, eos_pos, :] * mask
    topk_vals, topk_idx = jax.lax.top_k(atten_sel, k)
    feats_k = jnp.take_along_axis(features, topk_idx[:, :, None], axis=1)
    norm = jnp.clip(jnp.linalg.norm(feats_k, axis=-1, keepdims=True), 1e-6, None)
    feats_k = feats_k / norm
    cap_emb = feats_k @ W_lin.T + b_lin
    # MLP with BatchNorm1d in training mode (batch statistics, biased var)
    x = feats_k.reshape(bs * k, D)
    x = x @ W0.T + b0
    mu = x.mean(axis=0)
    var = x.var(axis=0)
    x = (x - mu) / jnp.sqrt(var + 1e-5) * g0 + beta0
    x = jax.nn.relu(x)
    x = x @ W1.T + b1
    feats_mlp = x.reshape(bs, k, -1)
    fused = cap_emb + feats_mlp
    pool_lens = jnp.clip(token_lens - 2, 1, k)
    # maxk_pool1d_var with k=1 == masked max over first pool_lens[i] rows
    pos = jnp.arange(k)[None, :]
    valid = pos < pool_lens[:, None]
    out = jnp.max(jnp.where(valid[:, :, None], fused, -jnp.inf), axis=1)
    return out.astype(jnp.float32)

if __name__ == "__main__":
    import jax
    _d = setup_inputs()
    print(jax.jit(kernel)(*tuple(_d.values())))

</pallas_src>

<mosaic_0001>
#map = affine_map<(d0, d1) -> (0)>
#map1 = affine_map<(d0, d1) -> (0, 0)>
module attributes {stable_mosaic.version = 14 : i64} {
  func.func @_g(%arg0: i32, %arg1: i32, %arg2: memref<2560xi32, #tpu.memory_space<hbm>>, %arg3: memref<8192x512xf32, #tpu.memory_space<hbm>>, %arg4: memref<2560x512xf32, #tpu.memory_space<hbm>>, %arg5: memref<80xi32, #tpu.memory_space<vmem>>, %arg6: memref<80x512xf32, #tpu.memory_space<vmem>>, %arg7: memref<!tpu.dma_semaphore, #tpu.memory_space<semaphore_mem>>) attributes {dimension_semantics = [#tpu.dimension_semantics<core_parallel>, #tpu.dimension_semantics<subcore_parallel>], iteration_bounds = array<i64: 2, 16>, scalar_prefetch = 0 : i64, scratch_operands = 3 : i64, tpu.core_type = #tpu.core_type<sc_vector_subcore>, window_params = [{transform_indices = #map}, {transform_indices = #map1}, {transform_indices = #map1}]} {
    %mul3A = arith.constant 2 : i32
    %mul3A_0 = arith.muli %arg1, %mul3A : i32
    %add3A = arith.addi %mul3A_0, %arg0 : i32
    %mul3A_1 = arith.constant 80 : i32
    %mul3A_2 = arith.muli %add3A, %mul3A_1 : i32
    "tpu.region"() ({
      %run_scoped3A = tpu.sem_alloc : memref<!tpu.dma_semaphore, #tpu.memory_space<semaphore_mem>>
      %dma_start3A_7 = tpu.memref_slice %arg2[%mul3A_2] : memref<2560xi32, #tpu.memory_space<hbm>> -> memref<80xi32, #tpu.memory_space<hbm>>
      %dma_start3A_8 = tpu.memref_slice %arg2[%mul3A_2] : memref<2560xi32, #tpu.memory_space<hbm>> -> memref<80xi32, #tpu.memory_space<hbm>>
      tpu.enqueue_dma source(%dma_start3A_8 : memref<80xi32, #tpu.memory_space<hbm>>) target(%arg5 : memref<80xi32, #tpu.memory_space<vmem>>) target_semaphore(%run_scoped3A : memref<!tpu.dma_semaphore, #tpu.memory_space<semaphore_mem>>)
      %dma_wait3A_9 = tpu.memref_slice %arg2[%mul3A_2] : memref<2560xi32, #tpu.memory_space<hbm>> -> memref<80xi32, #tpu.memory_space<hbm>>
      %dma_wait3A_10 = tpu.memref_slice %arg2[%mul3A_2] : memref<2560xi32, #tpu.memory_space<hbm>> -> memref<80xi32, #tpu.memory_space<hbm>>
      tpu.wait_dma2 semaphore(%run_scoped3A : memref<!tpu.dma_semaphore, #tpu.memory_space<semaphore_mem>>) src(%dma_wait3A_10 : memref<80xi32, #tpu.memory_space<hbm>>) dst(%arg5 : memref<80xi32, #tpu.memory_space<vmem>>)
      tpu.yield
    }) : () -> ()
    %dma_start3A = arith.constant 0 : i32
    %dma_start3A_3 = arith.constant 0 : i32
    %dma_start3A_4 = tpu.memref_slice %arg3[%dma_start3A, %dma_start3A_3] : memref<8192x512xf32, #tpu.memory_space<hbm>> -> memref<8192x512xf32, #tpu.memory_space<hbm>>
    tpu.enqueue_indirect_dma source(%dma_start3A_4 : memref<8192x512xf32, #tpu.memory_space<hbm>>) target(%arg6 : memref<80x512xf32, #tpu.memory_space<vmem>>) offsets(%arg5 : memref<80xi32, #tpu.memory_space<vmem>>) semaphore(%arg7 : memref<!tpu.dma_semaphore, #tpu.memory_space<semaphore_mem>>)
    %dma_wait3A = arith.constant 0 : i32
    %dma_wait3A_5 = arith.constant 0 : i32
    %dma_wait3A_6 = tpu.memref_slice %arg3[%dma_wait3A, %dma_wait3A_5] : memref<8192x512xf32, #tpu.memory_space<hbm>> -> memref<8192x512xf32, #tpu.memory_space<hbm>>
    tpu.wait_indirect_dma semaphore(%arg7 : memref<!tpu.dma_semaphore, #tpu.memory_space<semaphore_mem>>) src(%dma_wait3A_6 : memref<8192x512xf32, #tpu.memory_space<hbm>>) dst(%arg6 : memref<80x512xf32, #tpu.memory_space<vmem>>)
    "tpu.region"() ({
      %run_scoped3A = tpu.sem_alloc : memref<!tpu.dma_semaphore, #tpu.memory_space<semaphore_mem>>
      %dma_start3A_7 = arith.constant 0 : i32
      %dma_start3A_8 = tpu.memref_slice %arg4[%mul3A_2, %dma_start3A_7] : memref<2560x512xf32, #tpu.memory_space<hbm>> -> memref<80x512xf32, #tpu.memory_space<hbm>>
      %dma_start3A_9 = arith.constant 0 : i32
      %dma_start3A_10 = tpu.memref_slice %arg4[%mul3A_2, %dma_start3A_9] : memref<2560x512xf32, #tpu.memory_space<hbm>> -> memref<80x512xf32, #tpu.memory_space<hbm>>
      tpu.enqueue_dma source(%arg6 : memref<80x512xf32, #tpu.memory_space<vmem>>) target(%dma_start3A_10 : memref<80x512xf32, #tpu.memory_space<hbm>>) target_semaphore(%run_scoped3A : memref<!tpu.dma_semaphore, #tpu.memory_space<semaphore_mem>>)
      %dma_wait3A_11 = arith.constant 0 : i32
      %dma_wait3A_12 = tpu.memref_slice %arg4[%mul3A_2, %dma_wait3A_11] : memref<2560x512xf32, #tpu.memory_space<hbm>> -> memref<80x512xf32, #tpu.memory_space<hbm>>
      %dma_wait3A_13 = arith.constant 0 : i32
      %dma_wait3A_14 = tpu.memref_slice %arg4[%mul3A_2, %dma_wait3A_13] : memref<2560x512xf32, #tpu.memory_space<hbm>> -> memref<80x512xf32, #tpu.memory_space<hbm>>
      tpu.wait_dma2 semaphore(%run_scoped3A : memref<!tpu.dma_semaphore, #tpu.memory_space<semaphore_mem>>) src(%arg6 : memref<80x512xf32, #tpu.memory_space<vmem>>) dst(%dma_wait3A_14 : memref<80x512xf32, #tpu.memory_space<hbm>>)
      tpu.yield
    }) : () -> ()
    return
  }
}

module attributes {stable_mosaic.version = 14 : i64} {
  func.func @_mlp_kernel(%arg0: memref<4xi32, #tpu.memory_space<smem>>, %arg1: memref<2560x512xf32, #tpu.memory_space<vmem>>, %arg2: memref<1024x512xf32, #tpu.memory_space<vmem>>, %arg3: memref<1x1024xf32, #tpu.memory_space<vmem>>, %arg4: memref<512x512xf32, #tpu.memory_space<vmem>>, %arg5: memref<1x512xf32, #tpu.memory_space<vmem>>, %arg6: memref<1x512xf32, #tpu.memory_space<vmem>>, %arg7: memref<1x512xf32, #tpu.memory_space<vmem>>, %arg8: memref<1024x512xf32, #tpu.memory_space<vmem>>, %arg9: memref<1x1024xf32, #tpu.memory_space<vmem>>, %arg10: memref<4x1024xf32, #tpu.memory_space<vmem>>) attributes {dimension_semantics = [], scalar_prefetch = 0 : i64, scratch_operands = 0 : i64, tpu.core_type = #tpu.core_type<tc>} {
    %get3A = arith.constant 0 : index
    %get3A_0 = arith.constant 0 : index
    %get3A_1 = vector.load %arg1[%get3A, %get3A_0] : memref<2560x512xf32, #tpu.memory_space<vmem>>, vector<2560x512xf32>
    %mul3A = arith.mulf %get3A_1, %get3A_1 : vector<2560x512xf32>
    %reduce_sum3A = arith.constant dense<0.000000e+00> : vector<2560xf32>
    %reduce_sum3A_2 = vector.multi_reduction <add>, %mul3A, %reduce_sum3A [1] : vector<2560x512xf32> to vector<2560xf32>
    %broadcast_in_dim3A = vector.shape_cast %reduce_sum3A_2 : vector<2560xf32> to vector<2560x1xf32>
    %sqrt3A = math.sqrt %broadcast_in_dim3A : vector<2560x1xf32>
    %max3A = arith.constant 9.99999997E-7 : f32
    %max3A_3 = vector.broadcast %max3A : f32 to vector<2560x1xf32>
    %max3A_4 = arith.maximumf %sqrt3A, %max3A_3 : vector<2560x1xf32>
    %div3A = vector.broadcast %max3A_4 : vector<2560x1xf32> to vector<2560x512xf32>
    %div3A_5 = arith.divf %get3A_1, %div3A : vector<2560x512xf32>
    %convert_element_type3A = arith.truncf %div3A_5 : vector<2560x512xf32> to vector<2560x512xbf16>
    %get3A_6 = arith.constant 0 : index
    %get3A_7 = arith.constant 0 : index
    %get3A_8 = vector.load %arg2[%get3A_6, %get3A_7] : memref<1024x512xf32, #tpu.memory_space<vmem>>, vector<1024x512xf32>
    %convert_element_type3A_9 = arith.truncf %get3A_8 : vector<1024x512xf32> to vector<1024x512xbf16>
    %dot_general3A = arith.constant dense<0.000000e+00> : vector<2560x1024xf32>
    %dot_general3A_10 = tpu.matmul %convert_element_type3A, %convert_element_type3A_9, %dot_general3A {dimension_numbers = #tpu.dot_dimension_numbers<[1], [1], [0], [0], [0, 0, 1, 0], [], []>, transpose_lhs_hint = false} : vector<2560x512xbf16>, vector<1024x512xbf16>, vector<2560x1024xf32> -> vector<2560x1024xf32>
    %get3A_11 = arith.constant 0 : index
    %get3A_12 = arith.constant 0 : index
    %get3A_13 = vector.load %arg3[%get3A_11, %get3A_12] : memref<1x1024xf32, #tpu.memory_space<vmem>>, vector<1x1024xf32>
    %add3A = vector.broadcast %get3A_13 : vector<1x1024xf32> to vector<2560x1024xf32>
    %add3A_14 = arith.addf %dot_general3A_10, %add3A : vector<2560x1024xf32>
    %get3A_15 = arith.constant 0 : index
    %get3A_16 = arith.constant 0 : index
    %get3A_17 = vector.load %arg4[%get3A_15, %get3A_16] : memref<512x512xf32, #tpu.memory_space<vmem>>, vector<512x512xf32>
    %convert_element_type3A_18 = arith.truncf %get3A_17 : vector<512x512xf32> to vector<512x512xbf16>
    %dot_general3A_19 = arith.constant dense<0.000000e+00> : vector<2560x512xf32>
    %dot_general3A_20 = tpu.matmul %convert_element_type3A, %convert_element_type3A_18, %dot_general3A_19 {dimension_numbers = #tpu.dot_dimension_numbers<[1], [1], [0], [0], [0, 0, 1, 0], [], []>, transpose_lhs_hint = false} : vector<2560x512xbf16>, vector<512x512xbf16>, vector<2560x512xf32> -> vector<2560x512xf32>
    %get3A_21 = arith.constant 0 : index
    %get3A_22 = arith.constant 0 : index
    %get3A_23 = vector.load %arg5[%get3A_21, %get3A_22] : memref<1x512xf32, #tpu.memory_space<vmem>>, vector<1x512xf32>
    %add3A_24 = vector.broadcast %get3A_23 : vector<1x512xf32> to vector<2560x512xf32>
    %add3A_25 = arith.addf %dot_general3A_20, %add3A_24 : vector<2560x512xf32>
    %iota3A = tpu.iota {dimensions = array<i32: 0>} : vector<2560x1xi32>
    %jit3A = arith.constant 640 : i32
    %eq3A = arith.constant 0 : i32
    %eq3A_26 = arith.cmpi eq, %jit3A, %eq3A : i32
    %jit3A_27 = arith.constant 1 : i32
    %select_n3A = arith.select %eq3A_26, %jit3A_27, %jit3A : i32
    %rem3A = vector.broadcast %select_n3A : i32 to vector<2560x1xi32>
    %rem3A_28 = arith.remsi %iota3A, %rem3A : vector<2560x1xi32>
    %ne3A = arith.constant 0 : i32
    %ne3A_29 = vector.broadcast %ne3A : i32 to vector<2560x1xi32>
    %ne3A_30 = arith.cmpi ne, %rem3A_28, %ne3A_29 : vector<2560x1xi32>
    %lt3A = arith.constant 0 : i32
    %lt3A_31 = vector.broadcast %lt3A : i32 to vector<2560x1xi32>
    %lt3A_32 = arith.cmpi slt, %rem3A_28, %lt3A_31 : vector<2560x1xi32>
    %lt3A_33 = arith.constant 0 : i32
    %lt3A_34 = arith.cmpi slt, %select_n3A, %lt3A_33 : i32
    %ne3A_35 = vector.broadcast %lt3A_34 : i1 to vector<2560x1xi1>
    %ne3A_36 = vector.broadcast %ne3A_35 : vector<2560x1xi1> to vector<2560x1xi1>
    %ne3A_37 = arith.xori %lt3A_32, %ne3A_36 : vector<2560x1xi1>
    %and3A = arith.andi %ne3A_37, %ne3A_30 : vector<2560x1xi1>
    %add3A_38 = vector.broadcast %select_n3A : i32 to vector<2560x1xi32>
    %add3A_39 = arith.addi %rem3A_28, %add3A_38 : vector<2560x1xi32>
    %select_n3A_40 = arith.select %and3A, %add3A_39, %rem3A_28 : vector<2560x1xi1>, vector<2560x1xi32>
    %lt3A_41 = arith.constant 613 : i32
    %lt3A_42 = vector.broadcast %lt3A_41 : i32 to vector<2560x1xi32>
    %lt3A_43 = arith.cmpi slt, %select_n3A_40, %lt3A_42 : vector<2560x1xi32>
    %convert_element_type3A_44 = arith.extui %lt3A_43 : vector<2560x1xi1> to vector<2560x1xi32>
    %convert_element_type3A_45 = arith.sitofp %convert_element_type3A_44 : vector<2560x1xi32> to vector<2560x1xf32>
    %mul3A_46 = vector.broadcast %convert_element_type3A_45 : vector<2560x1xf32> to vector<2560x512xf32>
    %mul3A_47 = arith.mulf %add3A_25, %mul3A_46 : vector<2560x512xf32>
    %reduce_sum3A_48 = arith.constant dense<0.000000e+00> : vector<512xf32>
    %reduce_sum3A_49 = vector.multi_reduction <add>, %mul3A_47, %reduce_sum3A_48 [0] : vector<2560x512xf32> to vector<512xf32>
    %broadcast_in_dim3A_50 = vector.shape_cast %reduce_sum3A_49 : vector<512xf32> to vector<1x512xf32>
    %div3A_51 = arith.constant 2.452000e+03 : f32
    %div3A_52 = vector.broadcast %div3A_51 : f32 to vector<1x512xf32>
    %div3A_53 = arith.divf %broadcast_in_dim3A_50, %div3A_52 : vector<1x512xf32>
    %sub3A = vector.broadcast %div3A_53 : vector<1x512xf32> to vector<2560x512xf32>
    %sub3A_54 = arith.subf %add3A_25, %sub3A : vector<2560x512xf32>
    %mul3A_55 = arith.mulf %sub3A_54, %sub3A_54 : vector<2560x512xf32>
    %mul3A_56 = vector.broadcast %convert_element_type3A_45 : vector<2560x1xf32> to vector<2560x512xf32>
    %mul3A_57 = arith.mulf %mul3A_55, %mul3A_56 : vector<2560x512xf32>
    %reduce_sum3A_58 = arith.constant dense<0.000000e+00> : vector<512xf32>
    %reduce_sum3A_59 = vector.multi_reduction <add>, %mul3A_57, %reduce_sum3A_58 [0] : vector<2560x512xf32> to vector<512xf32>
    %broadcast_in_dim3A_60 = vector.shape_cast %reduce_sum3A_59 : vector<512xf32> to vector<1x512xf32>
    %div3A_61 = arith.constant 2.452000e+03 : f32
    %div3A_62 = vector.broadcast %div3A_61 : f32 to vector<1x512xf32>
    %div3A_63 = arith.divf %broadcast_in_dim3A_60, %div3A_62 : vector<1x512xf32>
    %add3A_64 = arith.constant 9.99999974E-6 : f32
    %add3A_65 = vector.broadcast %add3A_64 : f32 to vector<1x512xf32>
    %add3A_66 = arith.addf %div3A_63, %add3A_65 : vector<1x512xf32>
    %sqrt3A_67 = math.sqrt %add3A_66 : vector<1x512xf32>
    %div3A_68 = vector.broadcast %sqrt3A_67 : vector<1x512xf32> to vector<2560x512xf32>
    %div3A_69 = arith.divf %sub3A_54, %div3A_68 : vector<2560x512xf32>
    %get3A_70 = arith.constant 0 : index
    %get3A_71 = arith.constant 0 : index
    %get3A_72 = vector.load %arg6[%get3A_70, %get3A_71] : memref<1x512xf32, #tpu.memory_space<vmem>>, vector<1x512xf32>
    %mul3A_73 = vector.broadcast %get3A_72 : vector<1x512xf32> to vector<2560x512xf32>
    %mul3A_74 = arith.mulf %div3A_69, %mul3A_73 : vector<2560x512xf32>
    %get3A_75 = arith.constant 0 : index
    %get3A_76 = arith.constant 0 : index
    %get3A_77 = vector.load %arg7[%get3A_75, %get3A_76] : memref<1x512xf32, #tpu.memory_space<vmem>>, vector<1x512xf32>
    %add3A_78 = vector.broadcast %get3A_77 : vector<1x512xf32> to vector<2560x512xf32>
    %add3A_79 = arith.addf %mul3A_74, %add3A_78 : vector<2560x512xf32>
    %max3A_80 = arith.constant 0.000000e+00 : f32
    %max3A_81 = vector.broadcast %max3A_80 : f32 to vector<2560x512xf32>
    %max3A_82 = arith.maximumf %add3A_79, %max3A_81 : vector<2560x512xf32>
    %convert_element_type3A_83 = arith.truncf %max3A_82 : vector<2560x512xf32> to vector<2560x512xbf16>
    %get3A_84 = arith.constant 0 : index
    %get3A_85 = arith.constant 0 : index
    %get3A_86 = vector.load %arg8[%get3A_84, %get3A_85] : memref<1024x512xf32, #tpu.memory_space<vmem>>, vector<1024x512xf32>
    %convert_element_type3A_87 = arith.truncf %get3A_86 : vector<1024x512xf32> to vector<1024x512xbf16>
    %dot_general3A_88 = arith.constant dense<0.000000e+00> : vector<2560x1024xf32>
    %dot_general3A_89 = tpu.matmul %convert_element_type3A_83, %convert_element_type3A_87, %dot_general3A_88 {dimension_numbers = #tpu.dot_dimension_numbers<[1], [1], [0], [0], [0, 0, 1, 0], [], []>, transpose_lhs_hint = false} : vector<2560x512xbf16>, vector<1024x512xbf16>, vector<2560x1024xf32> -> vector<2560x1024xf32>
    %get3A_90 = arith.constant 0 : index
    %get3A_91 = arith.constant 0 : index
    %get3A_92 = vector.load %arg9[%get3A_90, %get3A_91] : memref<1x1024xf32, #tpu.memory_space<vmem>>, vector<1x1024xf32>
    %add3A_93 = vector.broadcast %get3A_92 : vector<1x1024xf32> to vector<2560x1024xf32>
    %add3A_94 = arith.addf %dot_general3A_89, %add3A_93 : vector<2560x1024xf32>
    %add3A_95 = arith.addf %add3A_14, %add3A_94 : vector<2560x1024xf32>
    %iota3A_96 = tpu.iota {dimensions = array<i32: 0>} : vector<2560x1xi32>
    %jit3A_97 = arith.constant 640 : i32
    %div3A_98 = vector.broadcast %jit3A_97 : i32 to vector<2560x1xi32>
    %div3A_99 = arith.divsi %iota3A_96, %div3A_98 : vector<2560x1xi32>
    %sign3A = arith.constant 0 : i32
    %sign3A_100 = vector.broadcast %sign3A : i32 to vector<2560x1xi32>
    %sign3A_101 = arith.cmpi sgt, %iota3A_96, %sign3A_100 : vector<2560x1xi32>
    %sign3A_102 = arith.extui %sign3A_101 : vector<2560x1xi1> to vector<2560x1xi32>
    %sign3A_103 = arith.constant 0 : i32
    %sign3A_104 = vector.broadcast %sign3A_103 : i32 to vector<2560x1xi32>
    %sign3A_105 = arith.cmpi slt, %iota3A_96, %sign3A_104 : vector<2560x1xi32>
    %sign3A_106 = arith.extui %sign3A_105 : vector<2560x1xi1> to vector<2560x1xi32>
    %sign3A_107 = arith.subi %sign3A_102, %sign3A_106 : vector<2560x1xi32>
    %sign3A_108 = arith.constant 0 : i32
    %sign3A_109 = arith.cmpi sgt, %jit3A_97, %sign3A_108 : i32
    %sign3A_110 = arith.extui %sign3A_109 : i1 to i32
    %sign3A_111 = arith.constant 0 : i32
    %sign3A_112 = arith.cmpi slt, %jit3A_97, %sign3A_111 : i32
    %sign3A_113 = arith.extui %sign3A_112 : i1 to i32
    %sign3A_114 = arith.subi %sign3A_110, %sign3A_113 : i32
    %ne3A_115 = vector.broadcast %sign3A_114 : i32 to vector<2560x1xi32>
    %ne3A_116 = arith.cmpi ne, %sign3A_107, %ne3A_115 : vector<2560x1xi32>
    %rem3A_117 = vector.broadcast %jit3A_97 : i32 to vector<2560x1xi32>
    %rem3A_118 = arith.remsi %iota3A_96, %rem3A_117 : vector<2560x1xi32>
    %ne3A_119 = arith.constant 0 : i32
    %ne3A_120 = vector.broadcast %ne3A_119 : i32 to vector<2560x1xi32>
    %ne3A_121 = arith.cmpi ne, %rem3A_118, %ne3A_120 : vector<2560x1xi32>
    %and3A_122 = arith.andi %ne3A_116, %ne3A_121 : vector<2560x1xi1>
    %sub3A_123 = arith.constant 1 : i32
    %sub3A_124 = vector.broadcast %sub3A_123 : i32 to vector<2560x1xi32>
    %sub3A_125 = arith.subi %div3A_99, %sub3A_124 : vector<2560x1xi32>
    %select_n3A_126 = arith.select %and3A_122, %sub3A_125, %div3A_99 : vector<2560x1xi1>, vector<2560x1xi32>
    %broadcast_in_dim3A_127 = arith.constant 0 : i32
    %broadcast_in_dim3A_128 = vector.broadcast %broadcast_in_dim3A_127 : i32 to vector<2560x1xi32>
    %eq3A_129 = arith.constant 0 : i32
    %eq3A_130 = vector.broadcast %eq3A_129 : i32 to vector<2560x1xi32>
    %eq3A_131 = arith.cmpi eq, %select_n3A_126, %eq3A_130 : vector<2560x1xi32>
    %get3A_132 = arith.constant 0 : index
    %get3A_133 = memref.load %arg0[%get3A_132] : memref<4xi32, #tpu.memory_space<smem>>
    %broadcast_in_dim3A_134 = vector.broadcast %get3A_133 : i32 to vector<2560x1xi32>
    %select_n3A_135 = arith.select %eq3A_131, %broadcast_in_dim3A_134, %broadcast_in_dim3A_128 : vector<2560x1xi1>, vector<2560x1xi32>
    %eq3A_136 = arith.constant 1 : i32
    %eq3A_137 = vector.broadcast %eq3A_136 : i32 to vector<2560x1xi32>
    %eq3A_138 = arith.cmpi eq, %select_n3A_126, %eq3A_137 : vector<2560x1xi32>
    %get3A_139 = arith.constant 1 : index
    %get3A_140 = memref.load %arg0[%get3A_139] : memref<4xi32, #tpu.memory_space<smem>>
    %broadcast_in_dim3A_141 = vector.broadcast %get3A_140 : i32 to vector<2560x1xi32>
    %select_n3A_142 = arith.select %eq3A_138, %broadcast_in_dim3A_141, %select_n3A_135 : vector<2560x1xi1>, vector<2560x1xi32>
    %eq3A_143 = arith.constant 2 : i32
    %eq3A_144 = vector.broadcast %eq3A_143 : i32 to vector<2560x1xi32>
    %eq3A_145 = arith.cmpi eq, %select_n3A_126, %eq3A_144 : vector<2560x1xi32>
    %get3A_146 = arith.constant 2 : index
    %get3A_147 = memref.load %arg0[%get3A_146] : memref<4xi32, #tpu.memory_space<smem>>
    %broadcast_in_dim3A_148 = vector.broadcast %get3A_147 : i32 to vector<2560x1xi32>
    %select_n3A_149 = arith.select %eq3A_145, %broadcast_in_dim3A_148, %select_n3A_142 : vector<2560x1xi1>, vector<2560x1xi32>
    %eq3A_150 = arith.constant 3 : i32
    %eq3A_151 = vector.broadcast %eq3A_150 : i32 to vector<2560x1xi32>
    %eq3A_152 = arith.cmpi eq, %select_n3A_126, %eq3A_151 : vector<2560x1xi32>
    %get3A_153 = arith.constant 3 : index
    %get3A_154 = memref.load %arg0[%get3A_153] : memref<4xi32, #tpu.memory_space<smem>>
    %broadcast_in_dim3A_155 = vector.broadcast %get3A_154 : i32 to vector<2560x1xi32>
    %select_n3A_156 = arith.select %eq3A_152, %broadcast_in_dim3A_155, %select_n3A_149 : vector<2560x1xi1>, vector<2560x1xi32>
    %lt3A_157 = arith.cmpi slt, %select_n3A_40, %select_n3A_156 : vector<2560x1xi32>
    %jit3A_158 = arith.constant 0xFF800000 : f32
    %broadcast_in_dim3A_159 = vector.shape_cast %lt3A_157 : vector<2560x1xi1> to vector<2560x1xi1>
    %broadcast_in_dim3A_160 = vector.broadcast %broadcast_in_dim3A_159 : vector<2560x1xi1> to vector<2560x1024xi1>
    %broadcast_in_dim3A_161 = vector.broadcast %jit3A_158 : f32 to vector<2560x1024xf32>
    %select_n3A_162 = arith.select %broadcast_in_dim3A_160, %add3A_95, %broadcast_in_dim3A_161 : vector<2560x1024xi1>, vector<2560x1024xf32>
    %slice3A = vector.extract_strided_slice %select_n3A_162 {offsets = [0, 0], sizes = [640, 1024], strides = [1, 1]} : vector<2560x1024xf32> to vector<640x1024xf32>
    %reduce_max3A = arith.constant dense<0xFF800000> : vector<1024xf32>
    %reduce_max3A_163 = vector.multi_reduction <maximumf>, %slice3A, %reduce_max3A [0] : vector<640x1024xf32> to vector<1024xf32>
    %swap3A = arith.constant 0 : index
    %swap3A_164 = arith.constant 0 : index
    %swap3A_165 = vector.load %arg10[%swap3A, %swap3A_164] : memref<4x1024xf32, #tpu.memory_space<vmem>>, vector<1x1024xf32>
    %swap3A_166 = vector.shape_cast %swap3A_165 : vector<1x1024xf32> to vector<1024xf32>
    %swap3A_167 = vector.shape_cast %reduce_max3A_163 : vector<1024xf32> to vector<1x1024xf32>
    tpu.vector_store %arg10[%swap3A, %swap3A_164], %swap3A_167 {strides = array<i32>} : memref<4x1024xf32, #tpu.memory_space<vmem>>, vector<1x1024xf32>,
    %slice3A_168 = vector.extract_strided_slice %select_n3A_162 {offsets = [640, 0], sizes = [640, 1024], strides = [1, 1]} : vector<2560x1024xf32> to vector<640x1024xf32>
    %reduce_max3A_169 = arith.constant dense<0xFF800000> : vector<1024xf32>
    %reduce_max3A_170 = vector.multi_reduction <maximumf>, %slice3A_168, %reduce_max3A_169 [0] : vector<640x1024xf32> to vector<1024xf32>
    %swap3A_171 = arith.constant 1 : index
    %swap3A_172 = arith.constant 0 : index
    %swap3A_173 = vector.load %arg10[%swap3A_171, %swap3A_172] : memref<4x1024xf32, #tpu.memory_space<vmem>>, vector<1x1024xf32>
    %swap3A_174 = vector.shape_cast %swap3A_173 : vector<1x1024xf32> to vector<1024xf32>
    %swap3A_175 = vector.shape_cast %reduce_max3A_170 : vector<1024xf32> to vector<1x1024xf32>
    tpu.vector_store %arg10[%swap3A_171, %swap3A_172], %swap3A_175 {strides = array<i32>} : memref<4x1024xf32, #tpu.memory_space<vmem>>, vector<1x1024xf32>,
    %slice3A_176 = vector.extract_strided_slice %select_n3A_162 {offsets = [1280, 0], sizes = [640, 1024], strides = [1, 1]} : vector<2560x1024xf32> to vector<640x1024xf32>
    %reduce_max3A_177 = arith.constant dense<0xFF800000> : vector<1024xf32>
    %reduce_max3A_178 = vector.multi_reduction <maximumf>, %slice3A_176, %reduce_max3A_177 [0] : vector<640x1024xf32> to vector<1024xf32>
    %swap3A_179 = arith.constant 2 : index
    %swap3A_180 = arith.constant 0 : index
    %swap3A_181 = vector.load %arg10[%swap3A_179, %swap3A_180] : memref<4x1024xf32, #tpu.memory_space<vmem>>, vector<1x1024xf32>
    %swap3A_182 = vector.shape_cast %swap3A_181 : vector<1x1024xf32> to vector<1024xf32>
    %swap3A_183 = vector.shape_cast %reduce_max3A_178 : vector<1024xf32> to vector<1x1024xf32>
    tpu.vector_store %arg10[%swap3A_179, %swap3A_180], %swap3A_183 {strides = array<i32>} : memref<4x1024xf32, #tpu.memory_space<vmem>>, vector<1x1024xf32>,
    %slice3A_184 = vector.extract_strided_slice %select_n3A_162 {offsets = [1920, 0], sizes = [640, 1024], strides = [1, 1]} : vector<2560x1024xf32> to vector<640x1024xf32>
    %reduce_max3A_185 = arith.constant dense<0xFF800000> : vector<1024xf32>
    %reduce_max3A_186 = vector.multi_reduction <maximumf>, %slice3A_184, %reduce_max3A_185 [0] : vector<640x1024xf32> to vector<1024xf32>
    %swap3A_187 = arith.constant 3 : index
    %swap3A_188 = arith.constant 0 : index
    %swap3A_189 = vector.load %arg10[%swap3A_187, %swap3A_188] : memref<4x1024xf32, #tpu.memory_space<vmem>>, vector<1x1024xf32>
    %swap3A_190 = vector.shape_cast %swap3A_189 : vector<1x1024xf32> to vector<1024xf32>
    %swap3A_191 = vector.shape_cast %reduce_max3A_186 : vector<1024xf32> to vector<1x1024xf32>
    tpu.vector_store %arg10[%swap3A_187, %swap3A_188], %swap3A_191 {strides = array<i32>} : memref<4x1024xf32, #tpu.memory_space<vmem>>, vector<1x1024xf32>,
    return
  }
}

module attributes {stable_mosaic.version = 14 : i64} {
  func.func @_stats_kernel(%arg0: i32, %arg1: i32, %arg2: memref<4xi32, #tpu.memory_space<smem>>, %arg3: memref<1x1024x2048xf32, #tpu.memory_space<vmem>>, %arg4: memref<1x1x2048xf32, #tpu.memory_space<vmem>>, %arg5: memref<4x640xi32, #tpu.memory_space<vmem>>, %arg6: memref<1x2048xf32, #tpu.memory_space<vmem>>, %arg7: memref<1x2048xf32, #tpu.memory_space<vmem>>, %arg8: memref<4x2048xf32, #tpu.memory_space<vmem>>) attributes {dimension_semantics = [#tpu.dimension_semantics<arbitrary>, #tpu.dimension_semantics<arbitrary>], iteration_bounds = array<i64: 4, 2>, scalar_prefetch = 0 : i64, scratch_operands = 3 : i64, tpu.core_type = #tpu.core_type<tc>, window_params = [{transform_indices = @transform_0, window_bounds = array<i64: 4>}, {transform_indices = @transform_1, window_bounds = array<i64: 1, 1024, 2048>}, {transform_indices = @transform_2, window_bounds = array<i64: 1, 1, 2048>}, {pipeline_mode = #tpu.pipeline_mode<synchronous>, transform_indices = @transform_3, window_bounds = array<i64: 4, 640>}]} {
    %get3A = arith.constant 0 : index
    %get3A_0 = arith.constant 0 : index
    %get3A_1 = arith.constant 0 : index
    %get3A_2 = vector.load %arg3[%get3A, %get3A_0, %get3A_1] : memref<1x1024x2048xf32, #tpu.memory_space<vmem>>, vector<1x1024x2048xf32>
    %get3A_3 = vector.shape_cast %get3A_2 : vector<1x1024x2048xf32> to vector<1024x2048xf32>
    %eq3A = arith.constant 0 : i32
    %eq3A_4 = arith.cmpi eq, %arg1, %eq3A : i32
    %convert_element_type3A = arith.extui %eq3A_4 : i1 to i32
    %cond3A = arith.constant 0 : i32
    %cond3A_5 = arith.cmpi ne, %convert_element_type3A, %cond3A : i32
    scf.if %cond3A_5 {
      %broadcast_in_dim3A_49 = arith.constant 0.000000e+00 : f32
      %broadcast_in_dim3A_50 = vector.broadcast %broadcast_in_dim3A_49 : f32 to vector<1x2048xf32>
      %swap3A_51 = arith.constant 0 : index
      %swap3A_52 = arith.constant 0 : index
      %swap3A_53 = vector.load %arg6[%swap3A_51, %swap3A_52] : memref<1x2048xf32, #tpu.memory_space<vmem>>, vector<1x2048xf32>
      tpu.vector_store %arg6[%swap3A_51, %swap3A_52], %broadcast_in_dim3A_50 {strides = array<i32>} : memref<1x2048xf32, #tpu.memory_space<vmem>>, vector<1x2048xf32>,
    } else {
    }
    %mul3A = arith.constant 1.44269502 : f32
    %mul3A_6 = vector.broadcast %mul3A : f32 to vector<1024x2048xf32>
    %mul3A_7 = arith.mulf %get3A_3, %mul3A_6 : vector<1024x2048xf32>
    %exp23A = math.exp2 %mul3A_7 : vector<1024x2048xf32>
    %get3A_8 = arith.constant 0 : index
    %get3A_9 = arith.constant 0 : index
    %get3A_10 = vector.load %arg6[%get3A_8, %get3A_9] : memref<1x2048xf32, #tpu.memory_space<vmem>>, vector<1x2048xf32>
    %reduce_sum3A = arith.constant dense<0.000000e+00> : vector<2048xf32>
    %reduce_sum3A_11 = vector.multi_reduction <add>, %exp23A, %reduce_sum3A [0] : vector<1024x2048xf32> to vector<2048xf32>
    %broadcast_in_dim3A = vector.shape_cast %reduce_sum3A_11 : vector<2048xf32> to vector<1x2048xf32>
    %add3A = arith.addf %get3A_10, %broadcast_in_dim3A : vector<1x2048xf32>
    %swap3A = arith.constant 0 : index
    %swap3A_12 = arith.constant 0 : index
    %swap3A_13 = vector.load %arg6[%swap3A, %swap3A_12] : memref<1x2048xf32, #tpu.memory_space<vmem>>, vector<1x2048xf32>
    tpu.vector_store %arg6[%swap3A, %swap3A_12], %add3A {strides = array<i32>} : memref<1x2048xf32, #tpu.memory_space<vmem>>, vector<1x2048xf32>,
    %get3A_14 = arith.index_cast %arg0 : i32 to index
    %get3A_15 = memref.load %arg2[%get3A_14] : memref<4xi32, #tpu.memory_space<smem>>
    %jit3A = arith.constant 1024 : i32
    %div3A = arith.divsi %get3A_15, %jit3A : i32
    %sign3A = arith.constant 0 : i32
    %sign3A_16 = arith.cmpi sgt, %get3A_15, %sign3A : i32
    %sign3A_17 = arith.extui %sign3A_16 : i1 to i32
    %sign3A_18 = arith.constant 0 : i32
    %sign3A_19 = arith.cmpi slt, %get3A_15, %sign3A_18 : i32
    %sign3A_20 = arith.extui %sign3A_19 : i1 to i32
    %sign3A_21 = arith.subi %sign3A_17, %sign3A_20 : i32
    %sign3A_22 = arith.constant 0 : i32
    %sign3A_23 = arith.cmpi sgt, %jit3A, %sign3A_22 : i32
    %sign3A_24 = arith.extui %sign3A_23 : i1 to i32
    %sign3A_25 = arith.constant 0 : i32
    %sign3A_26 = arith.cmpi slt, %jit3A, %sign3A_25 : i32
    %sign3A_27 = arith.extui %sign3A_26 : i1 to i32
    %sign3A_28 = arith.subi %sign3A_24, %sign3A_27 : i32
    %ne3A = arith.cmpi ne, %sign3A_21, %sign3A_28 : i32
    %rem3A = arith.remsi %get3A_15, %jit3A : i32
    %ne3A_29 = arith.constant 0 : i32
    %ne3A_30 = arith.cmpi ne, %rem3A, %ne3A_29 : i32
    %and3A = arith.andi %ne3A, %ne3A_30 : i1
    %sub3A = arith.constant 1 : i32
    %sub3A_31 = arith.subi %div3A, %sub3A : i32
    %select_n3A = arith.select %and3A, %sub3A_31, %div3A : i32
    %eq3A_32 = arith.cmpi eq, %arg1, %select_n3A : i32
    %convert_element_type3A_33 = arith.extui %eq3A_32 : i1 to i32
    %cond3A_34 = arith.constant 0 : i32
    %cond3A_35 = arith.cmpi ne, %convert_element_type3A_33, %cond3A_34 : i32
    scf.if %cond3A_35 {
      %mul3A_49 = arith.constant 1024 : i32
      %mul3A_50 = arith.muli %arg1, %mul3A_49 : i32
      %iota3A = tpu.iota {dimensions = array<i32: 0>} : vector<1024x2048xi32>
      %add3A_51 = vector.broadcast %mul3A_50 : i32 to vector<1024x2048xi32>
      %add3A_52 = arith.addi %add3A_51, %iota3A : vector<1024x2048xi32>
      %eq3A_53 = vector.broadcast %get3A_15 : i32 to vector<1024x2048xi32>
      %eq3A_54 = arith.cmpi eq, %add3A_52, %eq3A_53 : vector<1024x2048xi32>
      %jit3A_55 = arith.constant 0.000000e+00 : f32
      %broadcast_in_dim3A_56 = vector.broadcast %jit3A_55 : f32 to vector<1024x2048xf32>
      %select_n3A_57 = arith.select %eq3A_54, %get3A_3, %broadcast_in_dim3A_56 : vector<1024x2048xi1>, vector<1024x2048xf32>
      %reduce_sum3A_58 = arith.constant dense<0.000000e+00> : vector<2048xf32>
      %reduce_sum3A_59 = vector.multi_reduction <add>, %select_n3A_57, %reduce_sum3A_58 [0] : vector<1024x2048xf32> to vector<2048xf32>
      %broadcast_in_dim3A_60 = vector.shape_cast %reduce_sum3A_59 : vector<2048xf32> to vector<1x2048xf32>
      %swap3A_61 = arith.constant 0 : index
      %swap3A_62 = arith.constant 0 : index
      %swap3A_63 = vector.load %arg7[%swap3A_61, %swap3A_62] : memref<1x2048xf32, #tpu.memory_space<vmem>>, vector<1x2048xf32>
      tpu.vector_store %arg7[%swap3A_61, %swap3A_62], %broadcast_in_dim3A_60 {strides = array<i32>} : memref<1x2048xf32, #tpu.memory_space<vmem>>, vector<1x2048xf32>,
    } else {
    }
    %eq3A_36 = arith.constant 1 : i32
    %eq3A_37 = arith.cmpi eq, %arg1, %eq3A_36 : i32
    %convert_element_type3A_38 = arith.extui %eq3A_37 : i1 to i32
    %cond3A_39 = arith.constant 0 : i32
    %cond3A_40 = arith.cmpi ne, %convert_element_type3A_38, %cond3A_39 : i32
    scf.if %cond3A_40 {
      %get3A_49 = arith.constant 0 : index
      %get3A_50 = arith.constant 0 : index
      %get3A_51 = vector.load %arg7[%get3A_49, %get3A_50] : memref<1x2048xf32, #tpu.memory_space<vmem>>, vector<1x2048xf32>
      %exp3A = math.exp %get3A_51 : vector<1x2048xf32>
      %get3A_52 = arith.constant 0 : index
      %get3A_53 = arith.constant 0 : index
      %get3A_54 = vector.load %arg6[%get3A_52, %get3A_53] : memref<1x2048xf32, #tpu.memory_space<vmem>>, vector<1x2048xf32>
      %div3A_55 = arith.divf %exp3A, %get3A_54 : vector<1x2048xf32>
      %iota3A = tpu.iota {dimensions = array<i32: 1>} : vector<1x2048xi32>
      %eq3A_56 = arith.constant 0 : i32
      %eq3A_57 = vector.broadcast %eq3A_56 : i32 to vector<1x2048xi32>
      %eq3A_58 = arith.cmpi eq, %iota3A, %eq3A_57 : vector<1x2048xi32>
      %eq3A_59 = vector.broadcast %get3A_15 : i32 to vector<1x2048xi32>
      %eq3A_60 = arith.cmpi eq, %iota3A, %eq3A_59 : vector<1x2048xi32>
      %or3A = arith.ori %eq3A_58, %eq3A_60 : vector<1x2048xi1>
      %jit3A_61 = arith.constant 4.8828125E-4 : f32
      %broadcast_in_dim3A_62 = vector.broadcast %jit3A_61 : f32 to vector<1x2048xf32>
      %select_n3A_63 = arith.select %or3A, %broadcast_in_dim3A_62, %div3A_55 : vector<1x2048xi1>, vector<1x2048xf32>
      %get3A_64 = arith.constant 0 : index
      %get3A_65 = arith.constant 0 : index
      %get3A_66 = arith.constant 0 : index
      %get3A_67 = vector.load %arg4[%get3A_64, %get3A_65, %get3A_66] : memref<1x1x2048xf32, #tpu.memory_space<vmem>>, vector<1x1x2048xf32>
      %get3A_68 = vector.shape_cast %get3A_67 : vector<1x1x2048xf32> to vector<1x2048xf32>
      %eq3A_69 = arith.constant 0.000000e+00 : f32
      %eq3A_70 = vector.broadcast %eq3A_69 : f32 to vector<1x2048xf32>
      %eq3A_71 = arith.cmpf oeq, %get3A_68, %eq3A_70 : vector<1x2048xf32>
      %jit3A_72 = arith.constant 0.000000e+00 : f32
      %broadcast_in_dim3A_73 = vector.broadcast %jit3A_72 : f32 to vector<1x2048xf32>
      %select_n3A_74 = arith.select %eq3A_71, %broadcast_in_dim3A_73, %select_n3A_63 : vector<1x2048xi1>, vector<1x2048xf32>
      %swap3A_75 = arith.index_cast %arg0 : i32 to index
      %swap3A_76 = arith.constant 0 : index
      %swap3A_77 = vector.load %arg8[%swap3A_75, %swap3A_76] : memref<4x2048xf32, #tpu.memory_space<vmem>>, vector<1x2048xf32>
      tpu.vector_store %arg8[%swap3A_75, %swap3A_76], %select_n3A_74 {strides = array<i32>} : memref<4x2048xf32, #tpu.memory_space<vmem>>, vector<1x2048xf32>,
    } else {
    }
    %eq3A_41 = arith.constant 3 : i32
    %eq3A_42 = arith.cmpi eq, %arg0, %eq3A_41 : i32
    %eq3A_43 = arith.constant 1 : i32
    %eq3A_44 = arith.cmpi eq, %arg1, %eq3A_43 : i32
    %and3A_45 = arith.andi %eq3A_42, %eq3A_44 : i1
    %convert_element_type3A_46 = arith.extui %and3A_45 : i1 to i32
    %cond3A_47 = arith.constant 0 : i32
    %cond3A_48 = arith.cmpi ne, %convert_element_type3A_46, %cond3A_47 : i32
    scf.if %cond3A_48 {
      %get3A_49 = arith.constant 0 : index
      %get3A_50 = arith.constant 0 : index
      %get3A_51 = vector.load %arg8[%get3A_49, %get3A_50] : memref<4x2048xf32, #tpu.memory_space<vmem>>, vector<4x2048xf32>
      %bitcast_convert_type3A = tpu.bitcast %get3A_51 : vector<4x2048xf32> -> vector<4x2048xi32>
      %iota3A = tpu.iota {dimensions = array<i32: 1>} : vector<4x2048xi32>
      %and3A_52 = arith.constant 1 : i32
      %and3A_53 = vector.broadcast %and3A_52 : i32 to vector<4x2048xi32>
      %and3A_54 = arith.andi %iota3A, %and3A_53 : vector<4x2048xi32>
      %eq3A_55 = arith.constant 0 : i32
      %eq3A_56 = vector.broadcast %eq3A_55 : i32 to vector<4x2048xi32>
      %eq3A_57 = arith.cmpi eq, %and3A_54, %eq3A_56 : vector<4x2048xi32>
      %roll3A = arith.constant 2047 : i32
      %roll3A_58 = tpu.dynamic_rotate %bitcast_convert_type3A by %roll3A dim 1 : vector<4x2048xi32>, i32 -> vector<4x2048xi32>
      %roll3A_59 = arith.constant 1 : i32
      %roll3A_60 = tpu.dynamic_rotate %bitcast_convert_type3A by %roll3A_59 dim 1 : vector<4x2048xi32>, i32 -> vector<4x2048xi32>
      %select_n3A_61 = arith.select %eq3A_57, %roll3A_58, %roll3A_60 : vector<4x2048xi1>, vector<4x2048xi32>
      %roll3A_62 = arith.constant 2047 : i32
      %roll3A_63 = tpu.dynamic_rotate %iota3A by %roll3A_62 dim 1 : vector<4x2048xi32>, i32 -> vector<4x2048xi32>
      %roll3A_64 = arith.constant 1 : i32
      %roll3A_65 = tpu.dynamic_rotate %iota3A by %roll3A_64 dim 1 : vector<4x2048xi32>, i32 -> vector<4x2048xi32>
      %select_n3A_66 = arith.select %eq3A_57, %roll3A_63, %roll3A_65 : vector<4x2048xi1>, vector<4x2048xi32>
      %gt3A = arith.cmpi sgt, %bitcast_convert_type3A, %select_n3A_61 : vector<4x2048xi32>
      %eq3A_67 = arith.cmpi eq, %bitcast_convert_type3A, %select_n3A_61 : vector<4x2048xi32>
      %lt3A = arith.cmpi slt, %iota3A, %select_n3A_66 : vector<4x2048xi32>
      %and3A_68 = arith.andi %eq3A_67, %lt3A : vector<4x2048xi1>
      %or3A = arith.ori %gt3A, %and3A_68 : vector<4x2048xi1>
      %convert_element_type3A_69 = arith.extui %or3A : vector<4x2048xi1> to vector<4x2048xi32>
      %shift_right_arithmetic3A = arith.constant 0 : i32
      %shift_right_arithmetic3A_70 = vector.broadcast %shift_right_arithmetic3A : i32 to vector<4x2048xi32>
      %shift_right_arithmetic3A_71 = arith.shrsi %iota3A, %shift_right_arithmetic3A_70 : vector<4x2048xi32>
      %shift_right_arithmetic3A_72 = arith.constant 1 : i32
      %shift_right_arithmetic3A_73 = vector.broadcast %shift_right_arithmetic3A_72 : i32 to vector<4x2048xi32>
      %shift_right_arithmetic3A_74 = arith.shrsi %iota3A, %shift_right_arithmetic3A_73 : vector<4x2048xi32>
      %xor3A = arith.xori %shift_right_arithmetic3A_71, %shift_right_arithmetic3A_74 : vector<4x2048xi32>
      %and3A_75 = arith.constant 1 : i32
      %and3A_76 = vector.broadcast %and3A_75 : i32 to vector<4x2048xi32>
      %and3A_77 = arith.andi %xor3A, %and3A_76 : vector<4x2048xi32>
      %xor3A_78 = arith.xori %convert_element_type3A_69, %and3A_77 : vector<4x2048xi32>
      %eq3A_79 = arith.constant 1 : i32
      %eq3A_80 = vector.broadcast %eq3A_79 : i32 to vector<4x2048xi32>
      %eq3A_81 = arith.cmpi eq, %xor3A_78, %eq3A_80 : vector<4x2048xi32>
      %select_n3A_82 = arith.select %eq3A_81, %bitcast_convert_type3A, %select_n3A_61 : vector<4x2048xi1>, vector<4x2048xi32>
      %select_n3A_83 = arith.select %eq3A_81, %iota3A, %select_n3A_66 : vector<4x2048xi1>, vector<4x2048xi32>
      %and3A_84 = arith.constant 2 : i32
      %and3A_85 = vector.broadcast %and3A_84 : i32 to vector<4x2048xi32>
      %and3A_86 = arith.andi %iota3A, %and3A_85 : vector<4x2048xi32>
      %eq3A_87 = arith.constant 0 : i32
      %eq3A_88 = vector.broadcast %eq3A_87 : i32 to vector<4x2048xi32>
      %eq3A_89 = arith.cmpi eq, %and3A_86, %eq3A_88 : vector<4x2048xi32>
      %roll3A_90 = arith.constant 2046 : i32
      %roll3A_91 = tpu.dynamic_rotate %select_n3A_82 by %roll3A_90 dim 1 : vector<4x2048xi32>, i32 -> vector<4x2048xi32>
      %roll3A_92 = arith.constant 2 : i32
      %roll3A_93 = tpu.dynamic_rotate %select_n3A_82 by %roll3A_92 dim 1 : vector<4x2048xi32>, i32 -> vector<4x2048xi32>
      %select_n3A_94 = arith.select %eq3A_89, %roll3A_91, %roll3A_93 : vector<4x2048xi1>, vector<4x2048xi32>
      %roll3A_95 = arith.constant 2046 : i32
      %roll3A_96 = tpu.dynamic_rotate %select_n3A_83 by %roll3A_95 dim 1 : vector<4x2048xi32>, i32 -> vector<4x2048xi32>
      %roll3A_97 = arith.constant 2 : i32
      %roll3A_98 = tpu.dynamic_rotate %select_n3A_83 by %roll3A_97 dim 1 : vector<4x2048xi32>, i32 -> vector<4x2048xi32>
      %select_n3A_99 = arith.select %eq3A_89, %roll3A_96, %roll3A_98 : vector<4x2048xi1>, vector<4x2048xi32>
      %gt3A_100 = arith.cmpi sgt, %select_n3A_82, %select_n3A_94 : vector<4x2048xi32>
      %eq3A_101 = arith.cmpi eq, %select_n3A_82, %select_n3A_94 : vector<4x2048xi32>
      %lt3A_102 = arith.cmpi slt, %select_n3A_83, %select_n3A_99 : vector<4x2048xi32>
      %and3A_103 = arith.andi %eq3A_101, %lt3A_102 : vector<4x2048xi1>
      %or3A_104 = arith.ori %gt3A_100, %and3A_103 : vector<4x2048xi1>
      %convert_element_type3A_105 = arith.extui %or3A_104 : vector<4x2048xi1> to vector<4x2048xi32>
      %shift_right_arithmetic3A_106 = arith.constant 1 : i32
      %shift_right_arithmetic3A_107 = vector.broadcast %shift_right_arithmetic3A_106 : i32 to vector<4x2048xi32>
      %shift_right_arithmetic3A_108 = arith.shrsi %iota3A, %shift_right_arithmetic3A_107 : vector<4x2048xi32>
      %shift_right_arithmetic3A_109 = arith.constant 2 : i32
      %shift_right_arithmetic3A_110 = vector.broadcast %shift_right_arithmetic3A_109 : i32 to vector<4x2048xi32>
      %shift_right_arithmetic3A_111 = arith.shrsi %iota3A, %shift_right_arithmetic3A_110 : vector<4x2048xi32>
      %xor3A_112 = arith.xori %shift_right_arithmetic3A_108, %shift_right_arithmetic3A_111 : vector<4x2048xi32>
      %and3A_113 = arith.constant 1 : i32
      %and3A_114 = vector.broadcast %and3A_113 : i32 to vector<4x2048xi32>
      %and3A_115 = arith.andi %xor3A_112, %and3A_114 : vector<4x2048xi32>
      %xor3A_116 = arith.xori %convert_element_type3A_105, %and3A_115 : vector<4x2048xi32>
      %eq3A_117 = arith.constant 1 : i32
      %eq3A_118 = vector.broadcast %eq3A_117 : i32 to vector<4x2048xi32>
      %eq3A_119 = arith.cmpi eq, %xor3A_116, %eq3A_118 : vector<4x2048xi32>
      %select_n3A_120 = arith.select %eq3A_119, %select_n3A_82, %select_n3A_94 : vector<4x2048xi1>, vector<4x2048xi32>
      %select_n3A_121 = arith.select %eq3A_119, %select_n3A_83, %select_n3A_99 : vector<4x2048xi1>, vector<4x2048xi32>
      %and3A_122 = arith.constant 1 : i32
      %and3A_123 = vector.broadcast %and3A_122 : i32 to vector<4x2048xi32>
      %and3A_124 = arith.andi %iota3A, %and3A_123 : vector<4x2048xi32>
      %eq3A_125 = arith.constant 0 : i32
      %eq3A_126 = vector.broadcast %eq3A_125 : i32 to vector<4x2048xi32>
      %eq3A_127 = arith.cmpi eq, %and3A_124, %eq3A_126 : vector<4x2048xi32>
      %roll3A_128 = arith.constant 2047 : i32
      %roll3A_129 = tpu.dynamic_rotate %select_n3A_120 by %roll3A_128 dim 1 : vector<4x2048xi32>, i32 -> vector<4x2048xi32>
      %roll3A_130 = arith.constant 1 : i32
      %roll3A_131 = tpu.dynamic_rotate %select_n3A_120 by %roll3A_130 dim 1 : vector<4x2048xi32>, i32 -> vector<4x2048xi32>
      %select_n3A_132 = arith.select %eq3A_127, %roll3A_129, %roll3A_131 : vector<4x2048xi1>, vector<4x2048xi32>
      %roll3A_133 = arith.constant 2047 : i32
      %roll3A_134 = tpu.dynamic_rotate %select_n3A_121 by %roll3A_133 dim 1 : vector<4x2048xi32>, i32 -> vector<4x2048xi32>
      %roll3A_135 = arith.constant 1 : i32
      %roll3A_136 = tpu.dynamic_rotate %select_n3A_121 by %roll3A_135 dim 1 : vector<4x2048xi32>, i32 -> vector<4x2048xi32>
      %select_n3A_137 = arith.select %eq3A_127, %roll3A_134, %roll3A_136 : vector<4x2048xi1>, vector<4x2048xi32>
      %gt3A_138 = arith.cmpi sgt, %select_n3A_120, %select_n3A_132 : vector<4x2048xi32>
      %eq3A_139 = arith.cmpi eq, %select_n3A_120, %select_n3A_132 : vector<4x2048xi32>
      %lt3A_140 = arith.cmpi slt, %select_n3A_121, %select_n3A_137 : vector<4x2048xi32>
      %and3A_141 = arith.andi %eq3A_139, %lt3A_140 : vector<4x2048xi1>
      %or3A_142 = arith.ori %gt3A_138, %and3A_141 : vector<4x2048xi1>
      %convert_element_type3A_143 = arith.extui %or3A_142 : vector<4x2048xi1> to vector<4x2048xi32>
      %shift_right_arithmetic3A_144 = arith.constant 0 : i32
      %shift_right_arithmetic3A_145 = vector.broadcast %shift_right_arithmetic3A_144 : i32 to vector<4x2048xi32>
      %shift_right_arithmetic3A_146 = arith.shrsi %iota3A, %shift_right_arithmetic3A_145 : vector<4x2048xi32>
      %shift_right_arithmetic3A_147 = arith.constant 2 : i32
      %shift_right_arithmetic3A_148 = vector.broadcast %shift_right_arithmetic3A_147 : i32 to vector<4x2048xi32>
      %shift_right_arithmetic3A_149 = arith.shrsi %iota3A, %shift_right_arithmetic3A_148 : vector<4x2048xi32>
      %xor3A_150 = arith.xori %shift_right_arithmetic3A_146, %shift_right_arithmetic3A_149 : vector<4x2048xi32>
      %and3A_151 = arith.constant 1 : i32
      %and3A_152 = vector.broadcast %and3A_151 : i32 to vector<4x2048xi32>
      %and3A_153 = arith.andi %xor3A_150, %and3A_152 : vector<4x2048xi32>
      %xor3A_154 = arith.xori %convert_element_type3A_143, %and3A_153 : vector<4x2048xi32>
      %eq3A_155 = arith.constant 1 : i32
      %eq3A_156 = vector.broadcast %eq3A_155 : i32 to vector<4x2048xi32>
      %eq3A_157 = arith.cmpi eq, %xor3A_154, %eq3A_156 : vector<4x2048xi32>
      %select_n3A_158 = arith.select %eq3A_157, %select_n3A_120, %select_n3A_132 : vector<4x2048xi1>, vector<4x2048xi32>
      %select_n3A_159 = arith.select %eq3A_157, %select_n3A_121, %select_n3A_137 : vector<4x2048xi1>, vector<4x2048xi32>
      %and3A_160 = arith.constant 4 : i32
      %and3A_161 = vector.broadcast %and3A_160 : i32 to vector<4x2048xi32>
      %and3A_162 = arith.andi %iota3A, %and3A_161 : vector<4x2048xi32>
      %eq3A_163 = arith.constant 0 : i32
      %eq3A_164 = vector.broadcast %eq3A_163 : i32 to vector<4x2048xi32>
      %eq3A_165 = arith.cmpi eq, %and3A_162, %eq3A_164 : vector<4x2048xi32>
      %roll3A_166 = arith.constant 2044 : i32
      %roll3A_167 = tpu.dynamic_rotate %select_n3A_158 by %roll3A_166 dim 1 : vector<4x2048xi32>, i32 -> vector<4x2048xi32>
      %roll3A_168 = arith.constant 4 : i32
      %roll3A_169 = tpu.dynamic_rotate %select_n3A_158 by %roll3A_168 dim 1 : vector<4x2048xi32>, i32 -> vector<4x2048xi32>
      %select_n3A_170 = arith.select %eq3A_165, %roll3A_167, %roll3A_169 : vector<4x2048xi1>, vector<4x2048xi32>
      %roll3A_171 = arith.constant 2044 : i32
      %roll3A_172 = tpu.dynamic_rotate %select_n3A_159 by %roll3A_171 dim 1 : vector<4x2048xi32>, i32 -> vector<4x2048xi32>
      %roll3A_173 = arith.constant 4 : i32
      %roll3A_174 = tpu.dynamic_rotate %select_n3A_159 by %roll3A_173 dim 1 : vector<4x2048xi32>, i32 -> vector<4x2048xi32>
      %select_n3A_175 = arith.select %eq3A_165, %roll3A_172, %roll3A_174 : vector<4x2048xi1>, vector<4x2048xi32>
      %gt3A_176 = arith.cmpi sgt, %select_n3A_158, %select_n3A_170 : vector<4x2048xi32>
      %eq3A_177 = arith.cmpi eq, %select_n3A_158, %select_n3A_170 : vector<4x2048xi32>
      %lt3A_178 = arith.cmpi slt, %select_n3A_159, %select_n3A_175 : vector<4x2048xi32>
      %and3A_179 = arith.andi %eq3A_177, %lt3A_178 : vector<4x2048xi1>
      %or3A_180 = arith.ori %gt3A_176, %and3A_179 : vector<4x2048xi1>
      %convert_element_type3A_181 = arith.extui %or3A_180 : vector<4x2048xi1> to vector<4x2048xi32>
      %shift_right_arithmetic3A_182 = arith.constant 2 : i32
      %shift_right_arithmetic3A_183 = vector.broadcast %shift_right_arithmetic3A_182 : i32 to vector<4x2048xi32>
      %shift_right_arithmetic3A_184 = arith.shrsi %iota3A, %shift_right_arithmetic3A_183 : vector<4x2048xi32>
      %shift_right_arithmetic3A_185 = arith.constant 3 : i32
      %shift_right_arithmetic3A_186 = vector.broadcast %shift_right_arithmetic3A_185 : i32 to vector<4x2048xi32>
      %shift_right_arithmetic3A_187 = arith.shrsi %iota3A, %shift_right_arithmetic3A_186 : vector<4x2048xi32>
      %xor3A_188 = arith.xori %shift_right_arithmetic3A_184, %shift_right_arithmetic3A_187 : vector<4x2048xi32>
      %and3A_189 = arith.constant 1 : i32
      %and3A_190 = vector.broadcast %and3A_189 : i32 to vector<4x2048xi32>
      %and3A_191 = arith.andi %xor3A_188, %and3A_190 : vector<4x2048xi32>
      %xor3A_192 = arith.xori %convert_element_type3A_181, %and3A_191 : vector<4x2048xi32>
      %eq3A_193 = arith.constant 1 : i32
      %eq3A_194 = vector.broadcast %eq3A_193 : i32 to vector<4x2048xi32>
      %eq3A_195 = arith.cmpi eq, %xor3A_192, %eq3A_194 : vector<4x2048xi32>
      %select_n3A_196 = arith.select %eq3A_195, %select_n3A_158, %select_n3A_170 : vector<4x2048xi1>, vector<4x2048xi32>
      %select_n3A_197 = arith.select %eq3A_195, %select_n3A_159, %select_n3A_175 : vector<4x2048xi1>, vector<4x2048xi32>
      %and3A_198 = arith.constant 2 : i32
      %and3A_199 = vector.broadcast %and3A_198 : i32 to vector<4x2048xi32>
      %and3A_200 = arith.andi %iota3A, %and3A_199 : vector<4x2048xi32>
      %eq3A_201 = arith.constant 0 : i32
      %eq3A_202 = vector.broadcast %eq3A_201 : i32 to vector<4x2048xi32>
      %eq3A_203 = arith.cmpi eq, %and3A_200, %eq3A_202 : vector<4x2048xi32>
      %roll3A_204 = arith.constant 2046 : i32
      %roll3A_205 = tpu.dynamic_rotate %select_n3A_196 by %roll3A_204 dim 1 : vector<4x2048xi32>, i32 -> vector<4x2048xi32>
      %roll3A_206 = arith.constant 2 : i32
      %roll3A_207 = tpu.dynamic_rotate %select_n3A_196 by %roll3A_206 dim 1 : vector<4x2048xi32>, i32 -> vector<4x2048xi32>
      %select_n3A_208 = arith.select %eq3A_203, %roll3A_205, %roll3A_207 : vector<4x2048xi1>, vector<4x2048xi32>
      %roll3A_209 = arith.constant 2046 : i32
      %roll3A_210 = tpu.dynamic_rotate %select_n3A_197 by %roll3A_209 dim 1 : vector<4x2048xi32>, i32 -> vector<4x2048xi32>
      %roll3A_211 = arith.constant 2 : i32
      %roll3A_212 = tpu.dynamic_rotate %select_n3A_197 by %roll3A_211 dim 1 : vector<4x2048xi32>, i32 -> vector<4x2048xi32>
      %select_n3A_213 = arith.select %eq3A_203, %roll3A_210, %roll3A_212 : vector<4x2048xi1>, vector<4x2048xi32>
      %gt3A_214 = arith.cmpi sgt, %select_n3A_196, %select_n3A_208 : vector<4x2048xi32>
      %eq3A_215 = arith.cmpi eq, %select_n3A_196, %select_n3A_208 : vector<4x2048xi32>
      %lt3A_216 = arith.cmpi slt, %select_n3A_197, %select_n3A_213 : vector<4x2048xi32>
      %and3A_217 = arith.andi %eq3A_215, %lt3A_216 : vector<4x2048xi1>
      %or3A_218 = arith.ori %gt3A_214, %and3A_217 : vector<4x2048xi1>
      %convert_element_type3A_219 = arith.extui %or3A_218 : vector<4x2048xi1> to vector<4x2048xi32>
      %shift_right_arithmetic3A_220 = arith.constant 1 : i32
      %shift_right_arithmetic3A_221 = vector.broadcast %shift_right_arithmetic3A_220 : i32 to vector<4x2048xi32>
      %shift_right_arithmetic3A_222 = arith.shrsi %iota3A, %shift_right_arithmetic3A_221 : vector<4x2048xi32>
      %shift_right_arithmetic3A_223 = arith.constant 3 : i32
      %shift_right_arithmetic3A_224 = vector.broadcast %shift_right_arithmetic3A_223 : i32 to vector<4x2048xi32>
      %shift_right_arithmetic3A_225 = arith.shrsi %iota3A, %shift_right_arithmetic3A_224 : vector<4x2048xi32>
      %xor3A_226 = arith.xori %shift_right_arithmetic3A_222, %shift_right_arithmetic3A_225 : vector<4x2048xi32>
      %and3A_227 = arith.constant 1 : i32
      %and3A_228 = vector.broadcast %and3A_227 : i32 to vector<4x2048xi32>
      %and3A_229 = arith.andi %xor3A_226, %and3A_228 : vector<4x2048xi32>
      %xor3A_230 = arith.xori %convert_element_type3A_219, %and3A_229 : vector<4x2048xi32>
      %eq3A_231 = arith.constant 1 : i32
      %eq3A_232 = vector.broadcast %eq3A_231 : i32 to vector<4x2048xi32>
      %eq3A_233 = arith.cmpi eq, %xor3A_230, %eq3A_232 : vector<4x2048xi32>
      %select_n3A_234 = arith.select %eq3A_233, %select_n3A_196, %select_n3A_208 : vector<4x2048xi1>, vector<4x2048xi32>
      %select_n3A_235 = arith.select %eq3A_233, %select_n3A_197, %select_n3A_213 : vector<4x2048xi1>, vector<4x2048xi32>
      %and3A_236 = arith.constant 1 : i32
      %and3A_237 = vector.broadcast %and3A_236 : i32 to vector<4x2048xi32>
      %and3A_238 = arith.andi %iota3A, %and3A_237 : vector<4x2048xi32>
      %eq3A_239 = arith.constant 0 : i32
      %eq3A_240 = vector.broadcast %eq3A_239 : i32 to vector<4x2048xi32>
      %eq3A_241 = arith.cmpi eq, %and3A_238, %eq3A_240 : vector<4x2048xi32>
      %roll3A_242 = arith.constant 2047 : i32
      %roll3A_243 = tpu.dynamic_rotate %select_n3A_234 by %roll3A_242 dim 1 : vector<4x2048xi32>, i32 -> vector<4x2048xi32>
      %roll3A_244 = arith.constant 1 : i32
      %roll3A_245 = tpu.dynamic_rotate %select_n3A_234 by %roll3A_244 dim 1 : vector<4x2048xi32>, i32 -> vector<4x2048xi32>
      %select_n3A_246 = arith.select %eq3A_241, %roll3A_243, %roll3A_245 : vector<4x2048xi1>, vector<4x2048xi32>
      %roll3A_247 = arith.constant 2047 : i32
      %roll3A_248 = tpu.dynamic_rotate %select_n3A_235 by %roll3A_247 dim 1 : vector<4x2048xi32>, i32 -> vector<4x2048xi32>
      %roll3A_249 = arith.constant 1 : i32
      %roll3A_250 = tpu.dynamic_rotate %select_n3A_235 by %roll3A_249 dim 1 : vector<4x2048xi32>, i32 -> vector<4x2048xi32>
      %select_n3A_251 = arith.select %eq3A_241, %roll3A_248, %roll3A_250 : vector<4x2048xi1>, vector<4x2048xi32>
      %gt3A_252 = arith.cmpi sgt, %select_n3A_234, %select_n3A_246 : vector<4x2048xi32>
      %eq3A_253 = arith.cmpi eq, %select_n3A_234, %select_n3A_246 : vector<4x2048xi32>
      %lt3A_254 = arith.cmpi slt, %select_n3A_235, %select_n3A_251 : vector<4x2048xi32>
      %and3A_255 = arith.andi %eq3A_253, %lt3A_254 : vector<4x2048xi1>
      %or3A_256 = arith.ori %gt3A_252, %and3A_255 : vector<4x2048xi1>
      %convert_element_type3A_257 = arith.extui %or3A_256 : vector<4x2048xi1> to vector<4x2048xi32>
      %shift_right_arithmetic3A_258 = arith.constant 0 : i32
      %shift_right_arithmetic3A_259 = vector.broadcast %shift_right_arithmetic3A_258 : i32 to vector<4x2048xi32>
      %shift_right_arithmetic3A_260 = arith.shrsi %iota3A, %shift_right_arithmetic3A_259 : vector<4x2048xi32>
      %shift_right_arithmetic3A_261 = arith.constant 3 : i32
      %shift_right_arithmetic3A_262 = vector.broadcast %shift_right_arithmetic3A_261 : i32 to vector<4x2048xi32>
      %shift_right_arithmetic3A_263 = arith.shrsi %iota3A, %shift_right_arithmetic3A_262 : vector<4x2048xi32>
      %xor3A_264 = arith.xori %shift_right_arithmetic3A_260, %shift_right_arithmetic3A_263 : vector<4x2048xi32>
      %and3A_265 = arith.constant 1 : i32
      %and3A_266 = vector.broadcast %and3A_265 : i32 to vector<4x2048xi32>
      %and3A_267 = arith.andi %xor3A_264, %and3A_266 : vector<4x2048xi32>
      %xor3A_268 = arith.xori %convert_element_type3A_257, %and3A_267 : vector<4x2048xi32>
      %eq3A_269 = arith.constant 1 : i32
      %eq3A_270 = vector.broadcast %eq3A_269 : i32 to vector<4x2048xi32>
      %eq3A_271 = arith.cmpi eq, %xor3A_268, %eq3A_270 : vector<4x2048xi32>
      %select_n3A_272 = arith.select %eq3A_271, %select_n3A_234, %select_n3A_246 : vector<4x2048xi1>, vector<4x2048xi32>
      %select_n3A_273 = arith.select %eq3A_271, %select_n3A_235, %select_n3A_251 : vector<4x2048xi1>, vector<4x2048xi32>
      %and3A_274 = arith.constant 8 : i32
      %and3A_275 = vector.broadcast %and3A_274 : i32 to vector<4x2048xi32>
      %and3A_276 = arith.andi %iota3A, %and3A_275 : vector<4x2048xi32>
      %eq3A_277 = arith.constant 0 : i32
      %eq3A_278 = vector.broadcast %eq3A_277 : i32 to vector<4x2048xi32>
      %eq3A_279 = arith.cmpi eq, %and3A_276, %eq3A_278 : vector<4x2048xi32>
      %roll3A_280 = arith.constant 2040 : i32
      %roll3A_281 = tpu.dynamic_rotate %select_n3A_272 by %roll3A_280 dim 1 : vector<4x2048xi32>, i32 -> vector<4x2048xi32>
      %roll3A_282 = arith.constant 8 : i32
      %roll3A_283 = tpu.dynamic_rotate %select_n3A_272 by %roll3A_282 dim 1 : vector<4x2048xi32>, i32 -> vector<4x2048xi32>
      %select_n3A_284 = arith.select %eq3A_279, %roll3A_281, %roll3A_283 : vector<4x2048xi1>, vector<4x2048xi32>
      %roll3A_285 = arith.constant 2040 : i32
      %roll3A_286 = tpu.dynamic_rotate %select_n3A_273 by %roll3A_285 dim 1 : vector<4x2048xi32>, i32 -> vector<4x2048xi32>
      %roll3A_287 = arith.constant 8 : i32
      %roll3A_288 = tpu.dynamic_rotate %select_n3A_273 by %roll3A_287 dim 1 : vector<4x2048xi32>, i32 -> vector<4x2048xi32>
      %select_n3A_289 = arith.select %eq3A_279, %roll3A_286, %roll3A_288 : vector<4x2048xi1>, vector<4x2048xi32>
      %gt3A_290 = arith.cmpi sgt, %select_n3A_272, %select_n3A_284 : vector<4x2048xi32>
      %eq3A_291 = arith.cmpi eq, %select_n3A_272, %select_n3A_284 : vector<4x2048xi32>
      %lt3A_292 = arith.cmpi slt, %select_n3A_273, %select_n3A_289 : vector<4x2048xi32>
      %and3A_293 = arith.andi %eq3A_291, %lt3A_292 : vector<4x2048xi1>
      %or3A_294 = arith.ori %gt3A_290, %and3A_293 : vector<4x2048xi1>
      %convert_element_type3A_295 = arith.extui %or3A_294 : vector<4x2048xi1> to vector<4x2048xi32>
      %shift_right_arithmetic3A_296 = arith.constant 3 : i32
      %shift_right_arithmetic3A_297 = vector.broadcast %shift_right_arithmetic3A_296 : i32 to vector<4x2048xi32>
      %shift_right_arithmetic3A_298 = arith.shrsi %iota3A, %shift_right_arithmetic3A_297 : vector<4x2048xi32>
      %shift_right_arithmetic3A_299 = arith.constant 4 : i32
      %shift_right_arithmetic3A_300 = vector.broadcast %shift_right_arithmetic3A_299 : i32 to vector<4x2048xi32>
      %shift_right_arithmetic3A_301 = arith.shrsi %iota3A, %shift_right_arithmetic3A_300 : vector<4x2048xi32>
      %xor3A_302 = arith.xori %shift_right_arithmetic3A_298, %shift_right_arithmetic3A_301 : vector<4x2048xi32>
      %and3A_303 = arith.constant 1 : i32
      %and3A_304 = vector.broadcast %and3A_303 : i32 to vector<4x2048xi32>
      %and3A_305 = arith.andi %xor3A_302, %and3A_304 : vector<4x2048xi32>
      %xor3A_306 = arith.xori %convert_element_type3A_295, %and3A_305 : vector<4x2048xi32>
      %eq3A_307 = arith.constant 1 : i32
      %eq3A_308 = vector.broadcast %eq3A_307 : i32 to vector<4x2048xi32>
      %eq3A_309 = arith.cmpi eq, %xor3A_306, %eq3A_308 : vector<4x2048xi32>
      %select_n3A_310 = arith.select %eq3A_309, %select_n3A_272, %select_n3A_284 : vector<4x2048xi1>, vector<4x2048xi32>
      %select_n3A_311 = arith.select %eq3A_309, %select_n3A_273, %select_n3A_289 : vector<4x2048xi1>, vector<4x2048xi32>
      %and3A_312 = arith.constant 4 : i32
      %and3A_313 = vector.broadcast %and3A_312 : i32 to vector<4x2048xi32>
      %and3A_314 = arith.andi %iota3A, %and3A_313 : vector<4x2048xi32>
      %eq3A_315 = arith.constant 0 : i32
      %eq3A_316 = vector.broadcast %eq3A_315 : i32 to vector<4x2048xi32>
      %eq3A_317 = arith.cmpi eq, %and3A_314, %eq3A_316 : vector<4x2048xi32>
      %roll3A_318 = arith.constant 2044 : i32
      %roll3A_319 = tpu.dynamic_rotate %select_n3A_310 by %roll3A_318 dim 1 : vector<4x2048xi32>, i32 -> vector<4x2048xi32>
      %roll3A_320 = arith.constant 4 : i32
      %roll3A_321 = tpu.dynamic_rotate %select_n3A_310 by %roll3A_320 dim 1 : vector<4x2048xi32>, i32 -> vector<4x2048xi32>
      %select_n3A_322 = arith.select %eq3A_317, %roll3A_319, %roll3A_321 : vector<4x2048xi1>, vector<4x2048xi32>
      %roll3A_323 = arith.constant 2044 : i32
      %roll3A_324 = tpu.dynamic_rotate %select_n3A_311 by %roll3A_323 dim 1 : vector<4x2048xi32>, i32 -> vector<4x2048xi32>
      %roll3A_325 = arith.constant 4 : i32
      %roll3A_326 = tpu.dynamic_rotate %select_n3A_311 by %roll3A_325 dim 1 : vector<4x2048xi32>, i32 -> vector<4x2048xi32>
      %select_n3A_327 = arith.select %eq3A_317, %roll3A_324, %roll3A_326 : vector<4x2048xi1>, vector<4x2048xi32>
      %gt3A_328 = arith.cmpi sgt, %select_n3A_310, %select_n3A_322 : vector<4x2048xi32>
      %eq3A_329 = arith.cmpi eq, %select_n3A_310, %select_n3A_322 : vector<4x2048xi32>
      %lt3A_330 = arith.cmpi slt, %select_n3A_311, %select_n3A_327 : vector<4x2048xi32>
      %and3A_331 = arith.andi %eq3A_329, %lt3A_330 : vector<4x2048xi1>
      %or3A_332 = arith.ori %gt3A_328, %and3A_331 : vector<4x2048xi1>
      %convert_element_type3A_333 = arith.extui %or3A_332 : vector<4x2048xi1> to vector<4x2048xi32>
      %shift_right_arithmetic3A_334 = arith.constant 2 : i32
      %shift_right_arithmetic3A_335 = vector.broadcast %shift_right_arithmetic3A_334 : i32 to vector<4x2048xi32>
      %shift_right_arithmetic3A_336 = arith.shrsi %iota3A, %shift_right_arithmetic3A_335 : vector<4x2048xi32>
      %shift_right_arithmetic3A_337 = arith.constant 4 : i32
      %shift_right_arithmetic3A_338 = vector.broadcast %shift_right_arithmetic3A_337 : i32 to vector<4x2048xi32>
      %shift_right_arithmetic3A_339 = arith.shrsi %iota3A, %shift_right_arithmetic3A_338 : vector<4x2048xi32>
      %xor3A_340 = arith.xori %shift_right_arithmetic3A_336, %shift_right_arithmetic3A_339 : vector<4x2048xi32>
      %and3A_341 = arith.constant 1 : i32
      %and3A_342 = vector.broadcast %and3A_341 : i32 to vector<4x2048xi32>
      %and3A_343 = arith.andi %xor3A_340, %and3A_342 : vector<4x2048xi32>
      %xor3A_344 = arith.xori %convert_element_type3A_333, %and3A_343 : vector<4x2048xi32>
      %eq3A_345 = arith.constant 1 : i32
      %eq3A_346 = vector.broadcast %eq3A_345 : i32 to vector<4x2048xi32>
      %eq3A_347 = arith.cmpi eq, %xor3A_344, %eq3A_346 : vector<4x2048xi32>
      %select_n3A_348 = arith.select %eq3A_347, %select_n3A_310, %select_n3A_322 : vector<4x2048xi1>, vector<4x2048xi32>
      %select_n3A_349 = arith.select %eq3A_347, %select_n3A_311, %select_n3A_327 : vector<4x2048xi1>, vector<4x2048xi32>
      %and3A_350 = arith.constant 2 : i32
      %and3A_351 = vector.broadcast %and3A_350 : i32 to vector<4x2048xi32>
      %and3A_352 = arith.andi %iota3A, %and3A_351 : vector<4x2048xi32>
      %eq3A_353 = arith.constant 0 : i32
      %eq3A_354 = vector.broadcast %eq3A_353 : i32 to vector<4x2048xi32>
      %eq3A_355 = arith.cmpi eq, %and3A_352, %eq3A_354 : vector<4x2048xi32>
      %roll3A_356 = arith.constant 2046 : i32
      %roll3A_357 = tpu.dynamic_rotate %select_n3A_348 by %roll3A_356 dim 1 : vector<4x2048xi32>, i32 -> vector<4x2048xi32>
      %roll3A_358 = arith.constant 2 : i32
      %roll3A_359 = tpu.dynamic_rotate %select_n3A_348 by %roll3A_358 dim 1 : vector<4x2048xi32>, i32 -> vector<4x2048xi32>
      %select_n3A_360 = arith.select %eq3A_355, %roll3A_357, %roll3A_359 : vector<4x2048xi1>, vector<4x2048xi32>
      %roll3A_361 = arith.constant 2046 : i32
      %roll3A_362 = tpu.dynamic_rotate %select_n3A_349 by %roll3A_361 dim 1 : vector<4x2048xi32>, i32 -> vector<4x2048xi32>
      %roll3A_363 = arith.constant 2 : i32
      %roll3A_364 = tpu.dynamic_rotate %select_n3A_349 by %roll3A_363 dim 1 : vector<4x2048xi32>, i32 -> vector<4x2048xi32>
      %select_n3A_365 = arith.select %eq3A_355, %roll3A_362, %roll3A_364 : vector<4x2048xi1>, vector<4x2048xi32>
      %gt3A_366 = arith.cmpi sgt, %select_n3A_348, %select_n3A_360 : vector<4x2048xi32>
      %eq3A_367 = arith.cmpi eq, %select_n3A_348, %select_n3A_360 : vector<4x2048xi32>
      %lt3A_368 = arith.cmpi slt, %select_n3A_349, %select_n3A_365 : vector<4x2048xi32>
      %and3A_369 = arith.andi %eq3A_367, %lt3A_368 : vector<4x2048xi1>
      %or3A_370 = arith.ori %gt3A_366, %and3A_369 : vector<4x2048xi1>
      %convert_element_type3A_371 = arith.extui %or3A_370 : vector<4x2048xi1> to vector<4x2048xi32>
      %shift_right_arithmetic3A_372 = arith.constant 1 : i32
      %shift_right_arithmetic3A_373 = vector.broadcast %shift_right_arithmetic3A_372 : i32 to vector<4x2048xi32>
      %shift_right_arithmetic3A_374 = arith.shrsi %iota3A, %shift_right_arithmetic3A_373 : vector<4x2048xi32>
      %shift_right_arithmetic3A_375 = arith.constant 4 : i32
      %shift_right_arithmetic3A_376 = vector.broadcast %shift_right_arithmetic3A_375 : i32 to vector<4x2048xi32>
      %shift_right_arithmetic3A_377 = arith.shrsi %iota3A, %shift_right_arithmetic3A_376 : vector<4x2048xi32>
      %xor3A_378 = arith.xori %shift_right_arithmetic3A_374, %shift_right_arithmetic3A_377 : vector<4x2048xi32>
      %and3A_379 = arith.constant 1 : i32
      %and3A_380 = vector.broadcast %and3A_379 : i32 to vector<4x2048xi32>
      %and3A_381 = arith.andi %xor3A_378, %and3A_380 : vector<4x2048xi32>
      %xor3A_382 = arith.xori %convert_element_type3A_371, %and3A_381 : vector<4x2048xi32>
      %eq3A_383 = arith.constant 1 : i32
      %eq3A_384 = vector.broadcast %eq3A_383 : i32 to vector<4x2048xi32>
      %eq3A_385 = arith.cmpi eq, %xor3A_382, %eq3A_384 : vector<4x2048xi32>
      %select_n3A_386 = arith.select %eq3A_385, %select_n3A_348, %select_n3A_360 : vector<4x2048xi1>, vector<4x2048xi32>
      %select_n3A_387 = arith.select %eq3A_385, %select_n3A_349, %select_n3A_365 : vector<4x2048xi1>, vector<4x2048xi32>
      %and3A_388 = arith.constant 1 : i32
      %and3A_389 = vector.broadcast %and3A_388 : i32 to vector<4x2048xi32>
      %and3A_390 = arith.andi %iota3A, %and3A_389 : vector<4x2048xi32>
      %eq3A_391 = arith.constant 0 : i32
      %eq3A_392 = vector.broadcast %eq3A_391 : i32 to vector<4x2048xi32>
      %eq3A_393 = arith.cmpi eq, %and3A_390, %eq3A_392 : vector<4x2048xi32>
      %roll3A_394 = arith.constant 2047 : i32
      %roll3A_395 = tpu.dynamic_rotate %select_n3A_386 by %roll3A_394 dim 1 : vector<4x2048xi32>, i32 -> vector<4x2048xi32>
      %roll3A_396 = arith.constant 1 : i32
      %roll3A_397 = tpu.dynamic_rotate %select_n3A_386 by %roll3A_396 dim 1 : vector<4x2048xi32>, i32 -> vector<4x2048xi32>
      %select_n3A_398 = arith.select %eq3A_393, %roll3A_395, %roll3A_397 : vector<4x2048xi1>, vector<4x2048xi32>
      %roll3A_399 = arith.constant 2047 : i32
      %roll3A_400 = tpu.dynamic_rotate %select_n3A_387 by %roll3A_399 dim 1 : vector<4x2048xi32>, i32 -> vector<4x2048xi32>
      %roll3A_401 = arith.constant 1 : i32
      %roll3A_402 = tpu.dynamic_rotate %select_n3A_387 by %roll3A_401 dim 1 : vector<4x2048xi32>, i32 -> vector<4x2048xi32>
      %select_n3A_403 = arith.select %eq3A_393, %roll3A_400, %roll3A_402 : vector<4x2048xi1>, vector<4x2048xi32>
      %gt3A_404 = arith.cmpi sgt, %select_n3A_386, %select_n3A_398 : vector<4x2048xi32>
      %eq3A_405 = arith.cmpi eq, %select_n3A_386, %select_n3A_398 : vector<4x2048xi32>
      %lt3A_406 = arith.cmpi slt, %select_n3A_387, %select_n3A_403 : vector<4x2048xi32>
      %and3A_407 = arith.andi %eq3A_405, %lt3A_406 : vector<4x2048xi1>
      %or3A_408 = arith.ori %gt3A_404, %and3A_407 : vector<4x2048xi1>
      %convert_element_type3A_409 = arith.extui %or3A_408 : vector<4x2048xi1> to vector<4x2048xi32>
      %shift_right_arithmetic3A_410 = arith.constant 0 : i32
      %shift_right_arithmetic3A_411 = vector.broadcast %shift_right_arithmetic3A_410 : i32 to vector<4x2048xi32>
      %shift_right_arithmetic3A_412 = arith.shrsi %iota3A, %shift_right_arithmetic3A_411 : vector<4x2048xi32>
      %shift_right_arithmetic3A_413 = arith.constant 4 : i32
      %shift_right_arithmetic3A_414 = vector.broadcast %shift_right_arithmetic3A_413 : i32 to vector<4x2048xi32>
      %shift_right_arithmetic3A_415 = arith.shrsi %iota3A, %shift_right_arithmetic3A_414 : vector<4x2048xi32>
      %xor3A_416 = arith.xori %shift_right_arithmetic3A_412, %shift_right_arithmetic3A_415 : vector<4x2048xi32>
      %and3A_417 = arith.constant 1 : i32
      %and3A_418 = vector.broadcast %and3A_417 : i32 to vector<4x2048xi32>
      %and3A_419 = arith.andi %xor3A_416, %and3A_418 : vector<4x2048xi32>
      %xor3A_420 = arith.xori %convert_element_type3A_409, %and3A_419 : vector<4x2048xi32>
      %eq3A_421 = arith.constant 1 : i32
      %eq3A_422 = vector.broadcast %eq3A_421 : i32 to vector<4x2048xi32>
      %eq3A_423 = arith.cmpi eq, %xor3A_420, %eq3A_422 : vector<4x2048xi32>
      %select_n3A_424 = arith.select %eq3A_423, %select_n3A_386, %select_n3A_398 : vector<4x2048xi1>, vector<4x2048xi32>
      %select_n3A_425 = arith.select %eq3A_423, %select_n3A_387, %select_n3A_403 : vector<4x2048xi1>, vector<4x2048xi32>
      %and3A_426 = arith.constant 16 : i32
      %and3A_427 = vector.broadcast %and3A_426 : i32 to vector<4x2048xi32>
      %and3A_428 = arith.andi %iota3A, %and3A_427 : vector<4x2048xi32>
      %eq3A_429 = arith.constant 0 : i32
      %eq3A_430 = vector.broadcast %eq3A_429 : i32 to vector<4x2048xi32>
      %eq3A_431 = arith.cmpi eq, %and3A_428, %eq3A_430 : vector<4x2048xi32>
      %roll3A_432 = arith.constant 2032 : i32
      %roll3A_433 = tpu.dynamic_rotate %select_n3A_424 by %roll3A_432 dim 1 : vector<4x2048xi32>, i32 -> vector<4x2048xi32>
      %roll3A_434 = arith.constant 16 : i32
      %roll3A_435 = tpu.dynamic_rotate %select_n3A_424 by %roll3A_434 dim 1 : vector<4x2048xi32>, i32 -> vector<4x2048xi32>
      %select_n3A_436 = arith.select %eq3A_431, %roll3A_433, %roll3A_435 : vector<4x2048xi1>, vector<4x2048xi32>
      %roll3A_437 = arith.constant 2032 : i32
      %roll3A_438 = tpu.dynamic_rotate %select_n3A_425 by %roll3A_437 dim 1 : vector<4x2048xi32>, i32 -> vector<4x2048xi32>
      %roll3A_439 = arith.constant 16 : i32
      %roll3A_440 = tpu.dynamic_rotate %select_n3A_425 by %roll3A_439 dim 1 : vector<4x2048xi32>, i32 -> vector<4x2048xi32>
      %select_n3A_441 = arith.select %eq3A_431, %roll3A_438, %roll3A_440 : vector<4x2048xi1>, vector<4x2048xi32>
      %gt3A_442 = arith.cmpi sgt, %select_n3A_424, %select_n3A_436 : vector<4x2048xi32>
      %eq3A_443 = arith.cmpi eq, %select_n3A_424, %select_n3A_436 : vector<4x2048xi32>
      %lt3A_444 = arith.cmpi slt, %select_n3A_425, %select_n3A_441 : vector<4x2048xi32>
      %and3A_445 = arith.andi %eq3A_443, %lt3A_444 : vector<4x2048xi1>
      %or3A_446 = arith.ori %gt3A_442, %and3A_445 : vector<4x2048xi1>
      %convert_element_type3A_447 = arith.extui %or3A_446 : vector<4x2048xi1> to vector<4x2048xi32>
      %shift_right_arithmetic3A_448 = arith.constant 4 : i32
      %shift_right_arithmetic3A_449 = vector.broadcast %shift_right_arithmetic3A_448 : i32 to vector<4x2048xi32>
      %shift_right_arithmetic3A_450 = arith.shrsi %iota3A, %shift_right_arithmetic3A_449 : vector<4x2048xi32>
      %shift_right_arithmetic3A_451 = arith.constant 5 : i32
      %shift_right_arithmetic3A_452 = vector.broadcast %shift_right_arithmetic3A_451 : i32 to vector<4x2048xi32>
      %shift_right_arithmetic3A_453 = arith.shrsi %iota3A, %shift_right_arithmetic3A_452 : vector<4x2048xi32>
      %xor3A_454 = arith.xori %shift_right_arithmetic3A_450, %shift_right_arithmetic3A_453 : vector<4x2048xi32>
      %and3A_455 = arith.constant 1 : i32
      %and3A_456 = vector.broadcast %and3A_455 : i32 to vector<4x2048xi32>
      %and3A_457 = arith.andi %xor3A_454, %and3A_456 : vector<4x2048xi32>
      %xor3A_458 = arith.xori %convert_element_type3A_447, %and3A_457 : vector<4x2048xi32>
      %eq3A_459 = arith.constant 1 : i32
      %eq3A_460 = vector.broadcast %eq3A_459 : i32 to vector<4x2048xi32>
      %eq3A_461 = arith.cmpi eq, %xor3A_458, %eq3A_460 : vector<4x2048xi32>
      %select_n3A_462 = arith.select %eq3A_461, %select_n3A_424, %select_n3A_436 : vector<4x2048xi1>, vector<4x2048xi32>
      %select_n3A_463 = arith.select %eq3A_461, %select_n3A_425, %select_n3A_441 : vector<4x2048xi1>, vector<4x2048xi32>
      %and3A_464 = arith.constant 8 : i32
      %and3A_465 = vector.broadcast %and3A_464 : i32 to vector<4x2048xi32>
      %and3A_466 = arith.andi %iota3A, %and3A_465 : vector<4x2048xi32>
      %eq3A_467 = arith.constant 0 : i32
      %eq3A_468 = vector.broadcast %eq3A_467 : i32 to vector<4x2048xi32>
      %eq3A_469 = arith.cmpi eq, %and3A_466, %eq3A_468 : vector<4x2048xi32>
      %roll3A_470 = arith.constant 2040 : i32
      %roll3A_471 = tpu.dynamic_rotate %select_n3A_462 by %roll3A_470 dim 1 : vector<4x2048xi32>, i32 -> vector<4x2048xi32>
      %roll3A_472 = arith.constant 8 : i32
      %roll3A_473 = tpu.dynamic_rotate %select_n3A_462 by %roll3A_472 dim 1 : vector<4x2048xi32>, i32 -> vector<4x2048xi32>
      %select_n3A_474 = arith.select %eq3A_469, %roll3A_471, %roll3A_473 : vector<4x2048xi1>, vector<4x2048xi32>
      %roll3A_475 = arith.constant 2040 : i32
      %roll3A_476 = tpu.dynamic_rotate %select_n3A_463 by %roll3A_475 dim 1 : vector<4x2048xi32>, i32 -> vector<4x2048xi32>
      %roll3A_477 = arith.constant 8 : i32
      %roll3A_478 = tpu.dynamic_rotate %select_n3A_463 by %roll3A_477 dim 1 : vector<4x2048xi32>, i32 -> vector<4x2048xi32>
      %select_n3A_479 = arith.select %eq3A_469, %roll3A_476, %roll3A_478 : vector<4x2048xi1>, vector<4x2048xi32>
      %gt3A_480 = arith.cmpi sgt, %select_n3A_462, %select_n3A_474 : vector<4x2048xi32>
      %eq3A_481 = arith.cmpi eq, %select_n3A_462, %select_n3A_474 : vector<4x2048xi32>
      %lt3A_482 = arith.cmpi slt, %select_n3A_463, %select_n3A_479 : vector<4x2048xi32>
      %and3A_483 = arith.andi %eq3A_481, %lt3A_482 : vector<4x2048xi1>
      %or3A_484 = arith.ori %gt3A_480, %and3A_483 : vector<4x2048xi1>
      %convert_element_type3A_485 = arith.extui %or3A_484 : vector<4x2048xi1> to vector<4x2048xi32>
      %shift_right_arithmetic3A_486 = arith.constant 3 : i32
      %shift_right_arithmetic3A_487 = vector.broadcast %shift_right_arithmetic3A_486 : i32 to vector<4x2048xi32>
      %shift_right_arithmetic3A_488 = arith.shrsi %iota3A, %shift_right_arithmetic3A_487 : vector<4x2048xi32>
      %shift_right_arithmetic3A_489 = arith.constant 5 : i32
      %shift_right_arithmetic3A_490 = vector.broadcast %shift_right_arithmetic3A_489 : i32 to vector<4x2048xi32>
      %shift_right_arithmetic3A_491 = arith.shrsi %iota3A, %shift_right_arithmetic3A_490 : vector<4x2048xi32>
      %xor3A_492 = arith.xori %shift_right_arithmetic3A_488, %shift_right_arithmetic3A_491 : vector<4x2048xi32>
      %and3A_493 = arith.constant 1 : i32
      %and3A_494 = vector.broadcast %and3A_493 : i32 to vector<4x2048xi32>
      %and3A_495 = arith.andi %xor3A_492, %and3A_494 : vector<4x2048xi32>
      %xor3A_496 = arith.xori %convert_element_type3A_485, %and3A_495 : vector<4x2048xi32>
      %eq3A_497 = arith.constant 1 : i32
      %eq3A_498 = vector.broadcast %eq3A_497 : i32 to vector<4x2048xi32>
      %eq3A_499 = arith.cmpi eq, %xor3A_496, %eq3A_498 : vector<4x2048xi32>
      %select_n3A_500 = arith.select %eq3A_499, %select_n3A_462, %select_n3A_474 : vector<4x2048xi1>, vector<4x2048xi32>
      %select_n3A_501 = arith.select %eq3A_499, %select_n3A_463, %select_n3A_479 : vector<4x2048xi1>, vector<4x2048xi32>
      %and3A_502 = arith.constant 4 : i32
      %and3A_503 = vector.broadcast %and3A_502 : i32 to vector<4x2048xi32>
      %and3A_504 = arith.andi %iota3A, %and3A_503 : vector<4x2048xi32>
      %eq3A_505 = arith.constant 0 : i32
      %eq3A_506 = vector.broadcast %eq3A_505 : i32 to vector<4x2048xi32>
      %eq3A_507 = arith.cmpi eq, %and3A_504, %eq3A_506 : vector<4x2048xi32>
      %roll3A_508 = arith.constant 2044 : i32
      %roll3A_509 = tpu.dynamic_rotate %select_n3A_500 by %roll3A_508 dim 1 : vector<4x2048xi32>, i32 -> vector<4x2048xi32>
      %roll3A_510 = arith.constant 4 : i32
      %roll3A_511 = tpu.dynamic_rotate %select_n3A_500 by %roll3A_510 dim 1 : vector<4x2048xi32>, i32 -> vector<4x2048xi32>
      %select_n3A_512 = arith.select %eq3A_507, %roll3A_509, %roll3A_511 : vector<4x2048xi1>, vector<4x2048xi32>
      %roll3A_513 = arith.constant 2044 : i32
      %roll3A_514 = tpu.dynamic_rotate %select_n3A_501 by %roll3A_513 dim 1 : vector<4x2048xi32>, i32 -> vector<4x2048xi32>
      %roll3A_515 = arith.constant 4 : i32
      %roll3A_516 = tpu.dynamic_rotate %select_n3A_501 by %roll3A_515 dim 1 : vector<4x2048xi32>, i32 -> vector<4x2048xi32>
      %select_n3A_517 = arith.select %eq3A_507, %roll3A_514, %roll3A_516 : vector<4x2048xi1>, vector<4x2048xi32>
      %gt3A_518 = arith.cmpi sgt, %select_n3A_500, %select_n3A_512 : vector<4x2048xi32>
      %eq3A_519 = arith.cmpi eq, %select_n3A_500, %select_n3A_512 : vector<4x2048xi32>
      %lt3A_520 = arith.cmpi slt, %select_n3A_501, %select_n3A_517 : vector<4x2048xi32>
      %and3A_521 = arith.andi %eq3A_519, %lt3A_520 : vector<4x2048xi1>
      %or3A_522 = arith.ori %gt3A_518, %and3A_521 : vector<4x2048xi1>
      %convert_element_type3A_523 = arith.extui %or3A_522 : vector<4x2048xi1> to vector<4x2048xi32>
      %shift_right_arithmetic3A_524 = arith.constant 2 : i32
      %shift_right_arithmetic3A_525 = vector.broadcast %shift_right_arithmetic3A_524 : i32 to vector<4x2048xi32>
      %shift_right_arithmetic3A_526 = arith.shrsi %iota3A, %shift_right_arithmetic3A_525 : vector<4x2048xi32>
      %shift_right_arithmetic3A_527 = arith.constant 5 : i32
      %shift_right_arithmetic3A_528 = vector.broadcast %shift_right_arithmetic3A_527 : i32 to vector<4x2048xi32>
      %shift_right_arithmetic3A_529 = arith.shrsi %iota3A, %shift_right_arithmetic3A_528 : vector<4x2048xi32>
      %xor3A_530 = arith.xori %shift_right_arithmetic3A_526, %shift_right_arithmetic3A_529 : vector<4x2048xi32>
      %and3A_531 = arith.constant 1 : i32
      %and3A_532 = vector.broadcast %and3A_531 : i32 to vector<4x2048xi32>
      %and3A_533 = arith.andi %xor3A_530, %and3A_532 : vector<4x2048xi32>
      %xor3A_534 = arith.xori %convert_element_type3A_523, %and3A_533 : vector<4x2048xi32>
      %eq3A_535 = arith.constant 1 : i32
      %eq3A_536 = vector.broadcast %eq3A_535 : i32 to vector<4x2048xi32>
      %eq3A_537 = arith.cmpi eq, %xor3A_534, %eq3A_536 : vector<4x2048xi32>
      %select_n3A_538 = arith.select %eq3A_537, %select_n3A_500, %select_n3A_512 : vector<4x2048xi1>, vector<4x2048xi32>
      %select_n3A_539 = arith.select %eq3A_537, %select_n3A_501, %select_n3A_517 : vector<4x2048xi1>, vector<4x2048xi32>
      %and3A_540 = arith.constant 2 : i32
      %and3A_541 = vector.broadcast %and3A_540 : i32 to vector<4x2048xi32>
      %and3A_542 = arith.andi %iota3A, %and3A_541 : vector<4x2048xi32>
      %eq3A_543 = arith.constant 0 : i32
      %eq3A_544 = vector.broadcast %eq3A_543 : i32 to vector<4x2048xi32>
      %eq3A_545 = arith.cmpi eq, %and3A_542, %eq3A_544 : vector<4x2048xi32>
      %roll3A_546 = arith.constant 2046 : i32
      %roll3A_547 = tpu.dynamic_rotate %select_n3A_538 by %roll3A_546 dim 1 : vector<4x2048xi32>, i32 -> vector<4x2048xi32>
      %roll3A_548 = arith.constant 2 : i32
      %roll3A_549 = tpu.dynamic_rotate %select_n3A_538 by %roll3A_548 dim 1 : vector<4x2048xi32>, i32 -> vector<4x2048xi32>
      %select_n3A_550 = arith.select %eq3A_545, %roll3A_547, %roll3A_549 : vector<4x2048xi1>, vector<4x2048xi32>
      %roll3A_551 = arith.constant 2046 : i32
      %roll3A_552 = tpu.dynamic_rotate %select_n3A_539 by %roll3A_551 dim 1 : vector<4x2048xi32>, i32 -> vector<4x2048xi32>
      %roll3A_553 = arith.constant 2 : i32
      %roll3A_554 = tpu.dynamic_rotate %select_n3A_539 by %roll3A_553 dim 1 : vector<4x2048xi32>, i32 -> vector<4x2048xi32>
      %select_n3A_555 = arith.select %eq3A_545, %roll3A_552, %roll3A_554 : vector<4x2048xi1>, vector<4x2048xi32>
      %gt3A_556 = arith.cmpi sgt, %select_n3A_538, %select_n3A_550 : vector<4x2048xi32>
      %eq3A_557 = arith.cmpi eq, %select_n3A_538, %select_n3A_550 : vector<4x2048xi32>
      %lt3A_558 = arith.cmpi slt, %select_n3A_539, %select_n3A_555 : vector<4x2048xi32>
      %and3A_559 = arith.andi %eq3A_557, %lt3A_558 : vector<4x2048xi1>
      %or3A_560 = arith.ori %gt3A_556, %and3A_559 : vector<4x2048xi1>
      %convert_element_type3A_561 = arith.extui %or3A_560 : vector<4x2048xi1> to vector<4x2048xi32>
      %shift_right_arithmetic3A_562 = arith.constant 1 : i32
      %shift_right_arithmetic3A_563 = vector.broadcast %shift_right_arithmetic3A_562 : i32 to vector<4x2048xi32>
      %shift_right_arithmetic3A_564 = arith.shrsi %iota3A, %shift_right_arithmetic3A_563 : vector<4x2048xi32>
      %shift_right_arithmetic3A_565 = arith.constant 5 : i32
      %shift_right_arithmetic3A_566 = vector.broadcast %shift_right_arithmetic3A_565 : i32 to vector<4x2048xi32>
      %shift_right_arithmetic3A_567 = arith.shrsi %iota3A, %shift_right_arithmetic3A_566 : vector<4x2048xi32>
      %xor3A_568 = arith.xori %shift_right_arithmetic3A_564, %shift_right_arithmetic3A_567 : vector<4x2048xi32>
      %and3A_569 = arith.constant 1 : i32
      %and3A_570 = vector.broadcast %and3A_569 : i32 to vector<4x2048xi32>
      %and3A_571 = arith.andi %xor3A_568, %and3A_570 : vector<4x2048xi32>
      %xor3A_572 = arith.xori %convert_element_type3A_561, %and3A_571 : vector<4x2048xi32>
      %eq3A_573 = arith.constant 1 : i32
      %eq3A_574 = vector.broadcast %eq3A_573 : i32 to vector<4x2048xi32>
      %eq3A_575 = arith.cmpi eq, %xor3A_572, %eq3A_574 : vector<4x2048xi32>
      %select_n3A_576 = arith.select %eq3A_575, %select_n3A_538, %select_n3A_550 : vector<4x2048xi1>, vector<4x2048xi32>
      %select_n3A_577 = arith.select %eq3A_575, %select_n3A_539, %select_n3A_555 : vector<4x2048xi1>, vector<4x2048xi32>
      %and3A_578 = arith.constant 1 : i32
      %and3A_579 = vector.broadcast %and3A_578 : i32 to vector<4x2048xi32>
      %and3A_580 = arith.andi %iota3A, %and3A_579 : vector<4x2048xi32>
      %eq3A_581 = arith.constant 0 : i32
      %eq3A_582 = vector.broadcast %eq3A_581 : i32 to vector<4x2048xi32>
      %eq3A_583 = arith.cmpi eq, %and3A_580, %eq3A_582 : vector<4x2048xi32>
      %roll3A_584 = arith.constant 2047 : i32
      %roll3A_585 = tpu.dynamic_rotate %select_n3A_576 by %roll3A_584 dim 1 : vector<4x2048xi32>, i32 -> vector<4x2048xi32>
      %roll3A_586 = arith.constant 1 : i32
      %roll3A_587 = tpu.dynamic_rotate %select_n3A_576 by %roll3A_586 dim 1 : vector<4x2048xi32>, i32 -> vector<4x2048xi32>
      %select_n3A_588 = arith.select %eq3A_583, %roll3A_585, %roll3A_587 : vector<4x2048xi1>, vector<4x2048xi32>
      %roll3A_589 = arith.constant 2047 : i32
      %roll3A_590 = tpu.dynamic_rotate %select_n3A_577 by %roll3A_589 dim 1 : vector<4x2048xi32>, i32 -> vector<4x2048xi32>
      %roll3A_591 = arith.constant 1 : i32
      %roll3A_592 = tpu.dynamic_rotate %select_n3A_577 by %roll3A_591 dim 1 : vector<4x2048xi32>, i32 -> vector<4x2048xi32>
      %select_n3A_593 = arith.select %eq3A_583, %roll3A_590, %roll3A_592 : vector<4x2048xi1>, vector<4x2048xi32>
      %gt3A_594 = arith.cmpi sgt, %select_n3A_576, %select_n3A_588 : vector<4x2048xi32>
      %eq3A_595 = arith.cmpi eq, %select_n3A_576, %select_n3A_588 : vector<4x2048xi32>
      %lt3A_596 = arith.cmpi slt, %select_n3A_577, %select_n3A_593 : vector<4x2048xi32>
      %and3A_597 = arith.andi %eq3A_595, %lt3A_596 : vector<4x2048xi1>
      %or3A_598 = arith.ori %gt3A_594, %and3A_597 : vector<4x2048xi1>
      %convert_element_type3A_599 = arith.extui %or3A_598 : vector<4x2048xi1> to vector<4x2048xi32>
      %shift_right_arithmetic3A_600 = arith.constant 0 : i32
      %shift_right_arithmetic3A_601 = vector.broadcast %shift_right_arithmetic3A_600 : i32 to vector<4x2048xi32>
      %shift_right_arithmetic3A_602 = arith.shrsi %iota3A, %shift_right_arithmetic3A_601 : vector<4x2048xi32>
      %shift_right_arithmetic3A_603 = arith.constant 5 : i32
      %shift_right_arithmetic3A_604 = vector.broadcast %shift_right_arithmetic3A_603 : i32 to vector<4x2048xi32>
      %shift_right_arithmetic3A_605 = arith.shrsi %iota3A, %shift_right_arithmetic3A_604 : vector<4x2048xi32>
      %xor3A_606 = arith.xori %shift_right_arithmetic3A_602, %shift_right_arithmetic3A_605 : vector<4x2048xi32>
      %and3A_607 = arith.constant 1 : i32
      %and3A_608 = vector.broadcast %and3A_607 : i32 to vector<4x2048xi32>
      %and3A_609 = arith.andi %xor3A_606, %and3A_608 : vector<4x2048xi32>
      %xor3A_610 = arith.xori %convert_element_type3A_599, %and3A_609 : vector<4x2048xi32>
      %eq3A_611 = arith.constant 1 : i32
      %eq3A_612 = vector.broadcast %eq3A_611 : i32 to vector<4x2048xi32>
      %eq3A_613 = arith.cmpi eq, %xor3A_610, %eq3A_612 : vector<4x2048xi32>
      %select_n3A_614 = arith.select %eq3A_613, %select_n3A_576, %select_n3A_588 : vector<4x2048xi1>, vector<4x2048xi32>
      %select_n3A_615 = arith.select %eq3A_613, %select_n3A_577, %select_n3A_593 : vector<4x2048xi1>, vector<4x2048xi32>
      %and3A_616 = arith.constant 32 : i32
      %and3A_617 = vector.broadcast %and3A_616 : i32 to vector<4x2048xi32>
      %and3A_618 = arith.andi %iota3A, %and3A_617 : vector<4x2048xi32>
      %eq3A_619 = arith.constant 0 : i32
      %eq3A_620 = vector.broadcast %eq3A_619 : i32 to vector<4x2048xi32>
      %eq3A_621 = arith.cmpi eq, %and3A_618, %eq3A_620 : vector<4x2048xi32>
      %roll3A_622 = arith.constant 2016 : i32
      %roll3A_623 = tpu.dynamic_rotate %select_n3A_614 by %roll3A_622 dim 1 : vector<4x2048xi32>, i32 -> vector<4x2048xi32>
      %roll3A_624 = arith.constant 32 : i32
      %roll3A_625 = tpu.dynamic_rotate %select_n3A_614 by %roll3A_624 dim 1 : vector<4x2048xi32>, i32 -> vector<4x2048xi32>
      %select_n3A_626 = arith.select %eq3A_621, %roll3A_623, %roll3A_625 : vector<4x2048xi1>, vector<4x2048xi32>
      %roll3A_627 = arith.constant 2016 : i32
      %roll3A_628 = tpu.dynamic_rotate %select_n3A_615 by %roll3A_627 dim 1 : vector<4x2048xi32>, i32 -> vector<4x2048xi32>
      %roll3A_629 = arith.constant 32 : i32
      %roll3A_630 = tpu.dynamic_rotate %select_n3A_615 by %roll3A_629 dim 1 : vector<4x2048xi32>, i32 -> vector<4x2048xi32>
      %select_n3A_631 = arith.select %eq3A_621, %roll3A_628, %roll3A_630 : vector<4x2048xi1>, vector<4x2048xi32>
      %gt3A_632 = arith.cmpi sgt, %select_n3A_614, %select_n3A_626 : vector<4x2048xi32>
      %eq3A_633 = arith.cmpi eq, %select_n3A_614, %select_n3A_626 : vector<4x2048xi32>
      %lt3A_634 = arith.cmpi slt, %select_n3A_615, %select_n3A_631 : vector<4x2048xi32>
      %and3A_635 = arith.andi %eq3A_633, %lt3A_634 : vector<4x2048xi1>
      %or3A_636 = arith.ori %gt3A_632, %and3A_635 : vector<4x2048xi1>
      %convert_element_type3A_637 = arith.extui %or3A_636 : vector<4x2048xi1> to vector<4x2048xi32>
      %shift_right_arithmetic3A_638 = arith.constant 5 : i32
      %shift_right_arithmetic3A_639 = vector.broadcast %shift_right_arithmetic3A_638 : i32 to vector<4x2048xi32>
      %shift_right_arithmetic3A_640 = arith.shrsi %iota3A, %shift_right_arithmetic3A_639 : vector<4x2048xi32>
      %shift_right_arithmetic3A_641 = arith.constant 6 : i32
      %shift_right_arithmetic3A_642 = vector.broadcast %shift_right_arithmetic3A_641 : i32 to vector<4x2048xi32>
      %shift_right_arithmetic3A_643 = arith.shrsi %iota3A, %shift_right_arithmetic3A_642 : vector<4x2048xi32>
      %xor3A_644 = arith.xori %shift_right_arithmetic3A_640, %shift_right_arithmetic3A_643 : vector<4x2048xi32>
      %and3A_645 = arith.constant 1 : i32
      %and3A_646 = vector.broadcast %and3A_645 : i32 to vector<4x2048xi32>
      %and3A_647 = arith.andi %xor3A_644, %and3A_646 : vector<4x2048xi32>
      %xor3A_648 = arith.xori %convert_element_type3A_637, %and3A_647 : vector<4x2048xi32>
      %eq3A_649 = arith.constant 1 : i32
      %eq3A_650 = vector.broadcast %eq3A_649 : i32 to vector<4x2048xi32>
      %eq3A_651 = arith.cmpi eq, %xor3A_648, %eq3A_650 : vector<4x2048xi32>
      %select_n3A_652 = arith.select %eq3A_651, %select_n3A_614, %select_n3A_626 : vector<4x2048xi1>, vector<4x2048xi32>
      %select_n3A_653 = arith.select %eq3A_651, %select_n3A_615, %select_n3A_631 : vector<4x2048xi1>, vector<4x2048xi32>
      %and3A_654 = arith.constant 16 : i32
      %and3A_655 = vector.broadcast %and3A_654 : i32 to vector<4x2048xi32>
      %and3A_656 = arith.andi %iota3A, %and3A_655 : vector<4x2048xi32>
      %eq3A_657 = arith.constant 0 : i32
      %eq3A_658 = vector.broadcast %eq3A_657 : i32 to vector<4x2048xi32>
      %eq3A_659 = arith.cmpi eq, %and3A_656, %eq3A_658 : vector<4x2048xi32>
      %roll3A_660 = arith.constant 2032 : i32
      %roll3A_661 = tpu.dynamic_rotate %select_n3A_652 by %roll3A_660 dim 1 : vector<4x2048xi32>, i32 -> vector<4x2048xi32>
      %roll3A_662 = arith.constant 16 : i32
      %roll3A_663 = tpu.dynamic_rotate %select_n3A_652 by %roll3A_662 dim 1 : vector<4x2048xi32>, i32 -> vector<4x2048xi32>
      %select_n3A_664 = arith.select %eq3A_659, %roll3A_661, %roll3A_663 : vector<4x2048xi1>, vector<4x2048xi32>
      %roll3A_665 = arith.constant 2032 : i32
      %roll3A_666 = tpu.dynamic_rotate %select_n3A_653 by %roll3A_665 dim 1 : vector<4x2048xi32>, i32 -> vector<4x2048xi32>
      %roll3A_667 = arith.constant 16 : i32
      %roll3A_668 = tpu.dynamic_rotate %select_n3A_653 by %roll3A_667 dim 1 : vector<4x2048xi32>, i32 -> vector<4x2048xi32>
      %select_n3A_669 = arith.select %eq3A_659, %roll3A_666, %roll3A_668 : vector<4x2048xi1>, vector<4x2048xi32>
      %gt3A_670 = arith.cmpi sgt, %select_n3A_652, %select_n3A_664 : vector<4x2048xi32>
      %eq3A_671 = arith.cmpi eq, %select_n3A_652, %select_n3A_664 : vector<4x2048xi32>
      %lt3A_672 = arith.cmpi slt, %select_n3A_653, %select_n3A_669 : vector<4x2048xi32>
      %and3A_673 = arith.andi %eq3A_671, %lt3A_672 : vector<4x2048xi1>
      %or3A_674 = arith.ori %gt3A_670, %and3A_673 : vector<4x2048xi1>
      %convert_element_type3A_675 = arith.extui %or3A_674 : vector<4x2048xi1> to vector<4x2048xi32>
      %shift_right_arithmetic3A_676 = arith.constant 4 : i32
      %shift_right_arithmetic3A_677 = vector.broadcast %shift_right_arithmetic3A_676 : i32 to vector<4x2048xi32>
      %shift_right_arithmetic3A_678 = arith.shrsi %iota3A, %shift_right_arithmetic3A_677 : vector<4x2048xi32>
      %shift_right_arithmetic3A_679 = arith.constant 6 : i32
      %shift_right_arithmetic3A_680 = vector.broadcast %shift_right_arithmetic3A_679 : i32 to vector<4x2048xi32>
      %shift_right_arithmetic3A_681 = arith.shrsi %iota3A, %shift_right_arithmetic3A_680 : vector<4x2048xi32>
      %xor3A_682 = arith.xori %shift_right_arithmetic3A_678, %shift_right_arithmetic3A_681 : vector<4x2048xi32>
      %and3A_683 = arith.constant 1 : i32
      %and3A_684 = vector.broadcast %and3A_683 : i32 to vector<4x2048xi32>
      %and3A_685 = arith.andi %xor3A_682, %and3A_684 : vector<4x2048xi32>
      %xor3A_686 = arith.xori %convert_element_type3A_675, %and3A_685 : vector<4x2048xi32>
      %eq3A_687 = arith.constant 1 : i32
      %eq3A_688 = vector.broadcast %eq3A_687 : i32 to vector<4x2048xi32>
      %eq3A_689 = arith.cmpi eq, %xor3A_686, %eq3A_688 : vector<4x2048xi32>
      %select_n3A_690 = arith.select %eq3A_689, %select_n3A_652, %select_n3A_664 : vector<4x2048xi1>, vector<4x2048xi32>
      %select_n3A_691 = arith.select %eq3A_689, %select_n3A_653, %select_n3A_669 : vector<4x2048xi1>, vector<4x2048xi32>
      %and3A_692 = arith.constant 8 : i32
      %and3A_693 = vector.broadcast %and3A_692 : i32 to vector<4x2048xi32>
      %and3A_694 = arith.andi %iota3A, %and3A_693 : vector<4x2048xi32>
      %eq3A_695 = arith.constant 0 : i32
      %eq3A_696 = vector.broadcast %eq3A_695 : i32 to vector<4x2048xi32>
      %eq3A_697 = arith.cmpi eq, %and3A_694, %eq3A_696 : vector<4x2048xi32>
      %roll3A_698 = arith.constant 2040 : i32
      %roll3A_699 = tpu.dynamic_rotate %select_n3A_690 by %roll3A_698 dim 1 : vector<4x2048xi32>, i32 -> vector<4x2048xi32>
      %roll3A_700 = arith.constant 8 : i32
      %roll3A_701 = tpu.dynamic_rotate %select_n3A_690 by %roll3A_700 dim 1 : vector<4x2048xi32>, i32 -> vector<4x2048xi32>
      %select_n3A_702 = arith.select %eq3A_697, %roll3A_699, %roll3A_701 : vector<4x2048xi1>, vector<4x2048xi32>
      %roll3A_703 = arith.constant 2040 : i32
      %roll3A_704 = tpu.dynamic_rotate %select_n3A_691 by %roll3A_703 dim 1 : vector<4x2048xi32>, i32 -> vector<4x2048xi32>
      %roll3A_705 = arith.constant 8 : i32
      %roll3A_706 = tpu.dynamic_rotate %select_n3A_691 by %roll3A_705 dim 1 : vector<4x2048xi32>, i32 -> vector<4x2048xi32>
      %select_n3A_707 = arith.select %eq3A_697, %roll3A_704, %roll3A_706 : vector<4x2048xi1>, vector<4x2048xi32>
      %gt3A_708 = arith.cmpi sgt, %select_n3A_690, %select_n3A_702 : vector<4x2048xi32>
      %eq3A_709 = arith.cmpi eq, %select_n3A_690, %select_n3A_702 : vector<4x2048xi32>
      %lt3A_710 = arith.cmpi slt, %select_n3A_691, %select_n3A_707 : vector<4x2048xi32>
      %and3A_711 = arith.andi %eq3A_709, %lt3A_710 : vector<4x2048xi1>
      %or3A_712 = arith.ori %gt3A_708, %and3A_711 : vector<4x2048xi1>
      %convert_element_type3A_713 = arith.extui %or3A_712 : vector<4x2048xi1> to vector<4x2048xi32>
      %shift_right_arithmetic3A_714 = arith.constant 3 : i32
      %shift_right_arithmetic3A_715 = vector.broadcast %shift_right_arithmetic3A_714 : i32 to vector<4x2048xi32>
      %shift_right_arithmetic3A_716 = arith.shrsi %iota3A, %shift_right_arithmetic3A_715 : vector<4x2048xi32>
      %shift_right_arithmetic3A_717 = arith.constant 6 : i32
      %shift_right_arithmetic3A_718 = vector.broadcast %shift_right_arithmetic3A_717 : i32 to vector<4x2048xi32>
      %shift_right_arithmetic3A_719 = arith.shrsi %iota3A, %shift_right_arithmetic3A_718 : vector<4x2048xi32>
      %xor3A_720 = arith.xori %shift_right_arithmetic3A_716, %shift_right_arithmetic3A_719 : vector<4x2048xi32>
      %and3A_721 = arith.constant 1 : i32
      %and3A_722 = vector.broadcast %and3A_721 : i32 to vector<4x2048xi32>
      %and3A_723 = arith.andi %xor3A_720, %and3A_722 : vector<4x2048xi32>
      %xor3A_724 = arith.xori %convert_element_type3A_713, %and3A_723 : vector<4x2048xi32>
      %eq3A_725 = arith.constant 1 : i32
      %eq3A_726 = vector.broadcast %eq3A_725 : i32 to vector<4x2048xi32>
      %eq3A_727 = arith.cmpi eq, %xor3A_724, %eq3A_726 : vector<4x2048xi32>
      %select_n3A_728 = arith.select %eq3A_727, %select_n3A_690, %select_n3A_702 : vector<4x2048xi1>, vector<4x2048xi32>
      %select_n3A_729 = arith.select %eq3A_727, %select_n3A_691, %select_n3A_707 : vector<4x2048xi1>, vector<4x2048xi32>
      %and3A_730 = arith.constant 4 : i32
      %and3A_731 = vector.broadcast %and3A_730 : i32 to vector<4x2048xi32>
      %and3A_732 = arith.andi %iota3A, %and3A_731 : vector<4x2048xi32>
      %eq3A_733 = arith.constant 0 : i32
      %eq3A_734 = vector.broadcast %eq3A_733 : i32 to vector<4x2048xi32>
      %eq3A_735 = arith.cmpi eq, %and3A_732, %eq3A_734 : vector<4x2048xi32>
      %roll3A_736 = arith.constant 2044 : i32
      %roll3A_737 = tpu.dynamic_rotate %select_n3A_728 by %roll3A_736 dim 1 : vector<4x2048xi32>, i32 -> vector<4x2048xi32>
      %roll3A_738 = arith.constant 4 : i32
      %roll3A_739 = tpu.dynamic_rotate %select_n3A_728 by %roll3A_738 dim 1 : vector<4x2048xi32>, i32 -> vector<4x2048xi32>
      %select_n3A_740 = arith.select %eq3A_735, %roll3A_737, %roll3A_739 : vector<4x2048xi1>, vector<4x2048xi32>
      %roll3A_741 = arith.constant 2044 : i32
      %roll3A_742 = tpu.dynamic_rotate %select_n3A_729 by %roll3A_741 dim 1 : vector<4x2048xi32>, i32 -> vector<4x2048xi32>
      %roll3A_743 = arith.constant 4 : i32
      %roll3A_744 = tpu.dynamic_rotate %select_n3A_729 by %roll3A_743 dim 1 : vector<4x2048xi32>, i32 -> vector<4x2048xi32>
      %select_n3A_745 = arith.select %eq3A_735, %roll3A_742, %roll3A_744 : vector<4x2048xi1>, vector<4x2048xi32>
      %gt3A_746 = arith.cmpi sgt, %select_n3A_728, %select_n3A_740 : vector<4x2048xi32>
      %eq3A_747 = arith.cmpi eq, %select_n3A_728, %select_n3A_740 : vector<4x2048xi32>
      %lt3A_748 = arith.cmpi slt, %select_n3A_729, %select_n3A_745 : vector<4x2048xi32>
      %and3A_749 = arith.andi %eq3A_747, %lt3A_748 : vector<4x2048xi1>
      %or3A_750 = arith.ori %gt3A_746, %and3A_749 : vector<4x2048xi1>
      %convert_element_type3A_751 = arith.extui %or3A_750 : vector<4x2048xi1> to vector<4x2048xi32>
      %shift_right_arithmetic3A_752 = arith.constant 2 : i32
      %shift_right_arithmetic3A_753 = vector.broadcast %shift_right_arithmetic3A_752 : i32 to vector<4x2048xi32>
      %shift_right_arithmetic3A_754 = arith.shrsi %iota3A, %shift_right_arithmetic3A_753 : vector<4x2048xi32>
      %shift_right_arithmetic3A_755 = arith.constant 6 : i32
      %shift_right_arithmetic3A_756 = vector.broadcast %shift_right_arithmetic3A_755 : i32 to vector<4x2048xi32>
      %shift_right_arithmetic3A_757 = arith.shrsi %iota3A, %shift_right_arithmetic3A_756 : vector<4x2048xi32>
      %xor3A_758 = arith.xori %shift_right_arithmetic3A_754, %shift_right_arithmetic3A_757 : vector<4x2048xi32>
      %and3A_759 = arith.constant 1 : i32
      %and3A_760 = vector.broadcast %and3A_759 : i32 to vector<4x2048xi32>
      %and3A_761 = arith.andi %xor3A_758, %and3A_760 : vector<4x2048xi32>
      %xor3A_762 = arith.xori %convert_element_type3A_751, %and3A_761 : vector<4x2048xi32>
      %eq3A_763 = arith.constant 1 : i32
      %eq3A_764 = vector.broadcast %eq3A_763 : i32 to vector<4x2048xi32>
      %eq3A_765 = arith.cmpi eq, %xor3A_762, %eq3A_764 : vector<4x2048xi32>
      %select_n3A_766 = arith.select %eq3A_765, %select_n3A_728, %select_n3A_740 : vector<4x2048xi1>, vector<4x2048xi32>
      %select_n3A_767 = arith.select %eq3A_765, %select_n3A_729, %select_n3A_745 : vector<4x2048xi1>, vector<4x2048xi32>
      %and3A_768 = arith.constant 2 : i32
      %and3A_769 = vector.broadcast %and3A_768 : i32 to vector<4x2048xi32>
      %and3A_770 = arith.andi %iota3A, %and3A_769 : vector<4x2048xi32>
      %eq3A_771 = arith.constant 0 : i32
      %eq3A_772 = vector.broadcast %eq3A_771 : i32 to vector<4x2048xi32>
      %eq3A_773 = arith.cmpi eq, %and3A_770, %eq3A_772 : vector<4x2048xi32>
      %roll3A_774 = arith.constant 2046 : i32
      %roll3A_775 = tpu.dynamic_rotate %select_n3A_766 by %roll3A_774 dim 1 : vector<4x2048xi32>, i32 -> vector<4x2048xi32>
      %roll3A_776 = arith.constant 2 : i32
      %roll3A_777 = tpu.dynamic_rotate %select_n3A_766 by %roll3A_776 dim 1 : vector<4x2048xi32>, i32 -> vector<4x2048xi32>
      %select_n3A_778 = arith.select %eq3A_773, %roll3A_775, %roll3A_777 : vector<4x2048xi1>, vector<4x2048xi32>
      %roll3A_779 = arith.constant 2046 : i32
      %roll3A_780 = tpu.dynamic_rotate %select_n3A_767 by %roll3A_779 dim 1 : vector<4x2048xi32>, i32 -> vector<4x2048xi32>
      %roll3A_781 = arith.constant 2 : i32
      %roll3A_782 = tpu.dynamic_rotate %select_n3A_767 by %roll3A_781 dim 1 : vector<4x2048xi32>, i32 -> vector<4x2048xi32>
      %select_n3A_783 = arith.select %eq3A_773, %roll3A_780, %roll3A_782 : vector<4x2048xi1>, vector<4x2048xi32>
      %gt3A_784 = arith.cmpi sgt, %select_n3A_766, %select_n3A_778 : vector<4x2048xi32>
      %eq3A_785 = arith.cmpi eq, %select_n3A_766, %select_n3A_778 : vector<4x2048xi32>
      %lt3A_786 = arith.cmpi slt, %select_n3A_767, %select_n3A_783 : vector<4x2048xi32>
      %and3A_787 = arith.andi %eq3A_785, %lt3A_786 : vector<4x2048xi1>
      %or3A_788 = arith.ori %gt3A_784, %and3A_787 : vector<4x2048xi1>
      %convert_element_type3A_789 = arith.extui %or3A_788 : vector<4x2048xi1> to vector<4x2048xi32>
      %shift_right_arithmetic3A_790 = arith.constant 1 : i32
      %shift_right_arithmetic3A_791 = vector.broadcast %shift_right_arithmetic3A_790 : i32 to vector<4x2048xi32>
      %shift_right_arithmetic3A_792 = arith.shrsi %iota3A, %shift_right_arithmetic3A_791 : vector<4x2048xi32>
      %shift_right_arithmetic3A_793 = arith.constant 6 : i32
      %shift_right_arithmetic3A_794 = vector.broadcast %shift_right_arithmetic3A_793 : i32 to vector<4x2048xi32>
      %shift_right_arithmetic3A_795 = arith.shrsi %iota3A, %shift_right_arithmetic3A_794 : vector<4x2048xi32>
      %xor3A_796 = arith.xori %shift_right_arithmetic3A_792, %shift_right_arithmetic3A_795 : vector<4x2048xi32>
      %and3A_797 = arith.constant 1 : i32
      %and3A_798 = vector.broadcast %and3A_797 : i32 to vector<4x2048xi32>
      %and3A_799 = arith.andi %xor3A_796, %and3A_798 : vector<4x2048xi32>
      %xor3A_800 = arith.xori %convert_element_type3A_789, %and3A_799 : vector<4x2048xi32>
      %eq3A_801 = arith.constant 1 : i32
      %eq3A_802 = vector.broadcast %eq3A_801 : i32 to vector<4x2048xi32>
      %eq3A_803 = arith.cmpi eq, %xor3A_800, %eq3A_802 : vector<4x2048xi32>
      %select_n3A_804 = arith.select %eq3A_803, %select_n3A_766, %select_n3A_778 : vector<4x2048xi1>, vector<4x2048xi32>
      %select_n3A_805 = arith.select %eq3A_803, %select_n3A_767, %select_n3A_783 : vector<4x2048xi1>, vector<4x2048xi32>
      %and3A_806 = arith.constant 1 : i32
      %and3A_807 = vector.broadcast %and3A_806 : i32 to vector<4x2048xi32>
      %and3A_808 = arith.andi %iota3A, %and3A_807 : vector<4x2048xi32>
      %eq3A_809 = arith.constant 0 : i32
      %eq3A_810 = vector.broadcast %eq3A_809 : i32 to vector<4x2048xi32>
      %eq3A_811 = arith.cmpi eq, %and3A_808, %eq3A_810 : vector<4x2048xi32>
      %roll3A_812 = arith.constant 2047 : i32
      %roll3A_813 = tpu.dynamic_rotate %select_n3A_804 by %roll3A_812 dim 1 : vector<4x2048xi32>, i32 -> vector<4x2048xi32>
      %roll3A_814 = arith.constant 1 : i32
      %roll3A_815 = tpu.dynamic_rotate %select_n3A_804 by %roll3A_814 dim 1 : vector<4x2048xi32>, i32 -> vector<4x2048xi32>
      %select_n3A_816 = arith.select %eq3A_811, %roll3A_813, %roll3A_815 : vector<4x2048xi1>, vector<4x2048xi32>
      %roll3A_817 = arith.constant 2047 : i32
      %roll3A_818 = tpu.dynamic_rotate %select_n3A_805 by %roll3A_817 dim 1 : vector<4x2048xi32>, i32 -> vector<4x2048xi32>
      %roll3A_819 = arith.constant 1 : i32
      %roll3A_820 = tpu.dynamic_rotate %select_n3A_805 by %roll3A_819 dim 1 : vector<4x2048xi32>, i32 -> vector<4x2048xi32>
      %select_n3A_821 = arith.select %eq3A_811, %roll3A_818, %roll3A_820 : vector<4x2048xi1>, vector<4x2048xi32>
      %gt3A_822 = arith.cmpi sgt, %select_n3A_804, %select_n3A_816 : vector<4x2048xi32>
      %eq3A_823 = arith.cmpi eq, %select_n3A_804, %select_n3A_816 : vector<4x2048xi32>
      %lt3A_824 = arith.cmpi slt, %select_n3A_805, %select_n3A_821 : vector<4x2048xi32>
      %and3A_825 = arith.andi %eq3A_823, %lt3A_824 : vector<4x2048xi1>
      %or3A_826 = arith.ori %gt3A_822, %and3A_825 : vector<4x2048xi1>
      %convert_element_type3A_827 = arith.extui %or3A_826 : vector<4x2048xi1> to vector<4x2048xi32>
      %shift_right_arithmetic3A_828 = arith.constant 0 : i32
      %shift_right_arithmetic3A_829 = vector.broadcast %shift_right_arithmetic3A_828 : i32 to vector<4x2048xi32>
      %shift_right_arithmetic3A_830 = arith.shrsi %iota3A, %shift_right_arithmetic3A_829 : vector<4x2048xi32>
      %shift_right_arithmetic3A_831 = arith.constant 6 : i32
      %shift_right_arithmetic3A_832 = vector.broadcast %shift_right_arithmetic3A_831 : i32 to vector<4x2048xi32>
      %shift_right_arithmetic3A_833 = arith.shrsi %iota3A, %shift_right_arithmetic3A_832 : vector<4x2048xi32>
      %xor3A_834 = arith.xori %shift_right_arithmetic3A_830, %shift_right_arithmetic3A_833 : vector<4x2048xi32>
      %and3A_835 = arith.constant 1 : i32
      %and3A_836 = vector.broadcast %and3A_835 : i32 to vector<4x2048xi32>
      %and3A_837 = arith.andi %xor3A_834, %and3A_836 : vector<4x2048xi32>
      %xor3A_838 = arith.xori %convert_element_type3A_827, %and3A_837 : vector<4x2048xi32>
      %eq3A_839 = arith.constant 1 : i32
      %eq3A_840 = vector.broadcast %eq3A_839 : i32 to vector<4x2048xi32>
      %eq3A_841 = arith.cmpi eq, %xor3A_838, %eq3A_840 : vector<4x2048xi32>
      %select_n3A_842 = arith.select %eq3A_841, %select_n3A_804, %select_n3A_816 : vector<4x2048xi1>, vector<4x2048xi32>
      %select_n3A_843 = arith.select %eq3A_841, %select_n3A_805, %select_n3A_821 : vector<4x2048xi1>, vector<4x2048xi32>
      %and3A_844 = arith.constant 64 : i32
      %and3A_845 = vector.broadcast %and3A_844 : i32 to vector<4x2048xi32>
      %and3A_846 = arith.andi %iota3A, %and3A_845 : vector<4x2048xi32>
      %eq3A_847 = arith.constant 0 : i32
      %eq3A_848 = vector.broadcast %eq3A_847 : i32 to vector<4x2048xi32>
      %eq3A_849 = arith.cmpi eq, %and3A_846, %eq3A_848 : vector<4x2048xi32>
      %roll3A_850 = arith.constant 1984 : i32
      %roll3A_851 = tpu.dynamic_rotate %select_n3A_842 by %roll3A_850 dim 1 : vector<4x2048xi32>, i32 -> vector<4x2048xi32>
      %roll3A_852 = arith.constant 64 : i32
      %roll3A_853 = tpu.dynamic_rotate %select_n3A_842 by %roll3A_852 dim 1 : vector<4x2048xi32>, i32 -> vector<4x2048xi32>
      %select_n3A_854 = arith.select %eq3A_849, %roll3A_851, %roll3A_853 : vector<4x2048xi1>, vector<4x2048xi32>
      %roll3A_855 = arith.constant 1984 : i32
      %roll3A_856 = tpu.dynamic_rotate %select_n3A_843 by %roll3A_855 dim 1 : vector<4x2048xi32>, i32 -> vector<4x2048xi32>
      %roll3A_857 = arith.constant 64 : i32
      %roll3A_858 = tpu.dynamic_rotate %select_n3A_843 by %roll3A_857 dim 1 : vector<4x2048xi32>, i32 -> vector<4x2048xi32>
      %select_n3A_859 = arith.select %eq3A_849, %roll3A_856, %roll3A_858 : vector<4x2048xi1>, vector<4x2048xi32>
      %gt3A_860 = arith.cmpi sgt, %select_n3A_842, %select_n3A_854 : vector<4x2048xi32>
      %eq3A_861 = arith.cmpi eq, %select_n3A_842, %select_n3A_854 : vector<4x2048xi32>
      %lt3A_862 = arith.cmpi slt, %select_n3A_843, %select_n3A_859 : vector<4x2048xi32>
      %and3A_863 = arith.andi %eq3A_861, %lt3A_862 : vector<4x2048xi1>
      %or3A_864 = arith.ori %gt3A_860, %and3A_863 : vector<4x2048xi1>
      %convert_element_type3A_865 = arith.extui %or3A_864 : vector<4x2048xi1> to vector<4x2048xi32>
      %shift_right_arithmetic3A_866 = arith.constant 6 : i32
      %shift_right_arithmetic3A_867 = vector.broadcast %shift_right_arithmetic3A_866 : i32 to vector<4x2048xi32>
      %shift_right_arithmetic3A_868 = arith.shrsi %iota3A, %shift_right_arithmetic3A_867 : vector<4x2048xi32>
      %shift_right_arithmetic3A_869 = arith.constant 7 : i32
      %shift_right_arithmetic3A_870 = vector.broadcast %shift_right_arithmetic3A_869 : i32 to vector<4x2048xi32>
      %shift_right_arithmetic3A_871 = arith.shrsi %iota3A, %shift_right_arithmetic3A_870 : vector<4x2048xi32>
      %xor3A_872 = arith.xori %shift_right_arithmetic3A_868, %shift_right_arithmetic3A_871 : vector<4x2048xi32>
      %and3A_873 = arith.constant 1 : i32
      %and3A_874 = vector.broadcast %and3A_873 : i32 to vector<4x2048xi32>
      %and3A_875 = arith.andi %xor3A_872, %and3A_874 : vector<4x2048xi32>
      %xor3A_876 = arith.xori %convert_element_type3A_865, %and3A_875 : vector<4x2048xi32>
      %eq3A_877 = arith.constant 1 : i32
      %eq3A_878 = vector.broadcast %eq3A_877 : i32 to vector<4x2048xi32>
      %eq3A_879 = arith.cmpi eq, %xor3A_876, %eq3A_878 : vector<4x2048xi32>
      %select_n3A_880 = arith.select %eq3A_879, %select_n3A_842, %select_n3A_854 : vector<4x2048xi1>, vector<4x2048xi32>
      %select_n3A_881 = arith.select %eq3A_879, %select_n3A_843, %select_n3A_859 : vector<4x2048xi1>, vector<4x2048xi32>
      %and3A_882 = arith.constant 32 : i32
      %and3A_883 = vector.broadcast %and3A_882 : i32 to vector<4x2048xi32>
      %and3A_884 = arith.andi %iota3A, %and3A_883 : vector<4x2048xi32>
      %eq3A_885 = arith.constant 0 : i32
      %eq3A_886 = vector.broadcast %eq3A_885 : i32 to vector<4x2048xi32>
      %eq3A_887 = arith.cmpi eq, %and3A_884, %eq3A_886 : vector<4x2048xi32>
      %roll3A_888 = arith.constant 2016 : i32
      %roll3A_889 = tpu.dynamic_rotate %select_n3A_880 by %roll3A_888 dim 1 : vector<4x2048xi32>, i32 -> vector<4x2048xi32>
      %roll3A_890 = arith.constant 32 : i32
      %roll3A_891 = tpu.dynamic_rotate %select_n3A_880 by %roll3A_890 dim 1 : vector<4x2048xi32>, i32 -> vector<4x2048xi32>
      %select_n3A_892 = arith.select %eq3A_887, %roll3A_889, %roll3A_891 : vector<4x2048xi1>, vector<4x2048xi32>
      %roll3A_893 = arith.constant 2016 : i32
      %roll3A_894 = tpu.dynamic_rotate %select_n3A_881 by %roll3A_893 dim 1 : vector<4x2048xi32>, i32 -> vector<4x2048xi32>
      %roll3A_895 = arith.constant 32 : i32
      %roll3A_896 = tpu.dynamic_rotate %select_n3A_881 by %roll3A_895 dim 1 : vector<4x2048xi32>, i32 -> vector<4x2048xi32>
      %select_n3A_897 = arith.select %eq3A_887, %roll3A_894, %roll3A_896 : vector<4x2048xi1>, vector<4x2048xi32>
      %gt3A_898 = arith.cmpi sgt, %select_n3A_880, %select_n3A_892 : vector<4x2048xi32>
      %eq3A_899 = arith.cmpi eq, %select_n3A_880, %select_n3A_892 : vector<4x2048xi32>
      %lt3A_900 = arith.cmpi slt, %select_n3A_881, %select_n3A_897 : vector<4x2048xi32>
      %and3A_901 = arith.andi %eq3A_899, %lt3A_900 : vector<4x2048xi1>
      %or3A_902 = arith.ori %gt3A_898, %and3A_901 : vector<4x2048xi1>
      %convert_element_type3A_903 = arith.extui %or3A_902 : vector<4x2048xi1> to vector<4x2048xi32>
      %shift_right_arithmetic3A_904 = arith.constant 5 : i32
      %shift_right_arithmetic3A_905 = vector.broadcast %shift_right_arithmetic3A_904 : i32 to vector<4x2048xi32>
      %shift_right_arithmetic3A_906 = arith.shrsi %iota3A, %shift_right_arithmetic3A_905 : vector<4x2048xi32>
      %shift_right_arithmetic3A_907 = arith.constant 7 : i32
      %shift_right_arithmetic3A_908 = vector.broadcast %shift_right_arithmetic3A_907 : i32 to vector<4x2048xi32>
      %shift_right_arithmetic3A_909 = arith.shrsi %iota3A, %shift_right_arithmetic3A_908 : vector<4x2048xi32>
      %xor3A_910 = arith.xori %shift_right_arithmetic3A_906, %shift_right_arithmetic3A_909 : vector<4x2048xi32>
      %and3A_911 = arith.constant 1 : i32
      %and3A_912 = vector.broadcast %and3A_911 : i32 to vector<4x2048xi32>
      %and3A_913 = arith.andi %xor3A_910, %and3A_912 : vector<4x2048xi32>
      %xor3A_914 = arith.xori %convert_element_type3A_903, %and3A_913 : vector<4x2048xi32>
      %eq3A_915 = arith.constant 1 : i32
      %eq3A_916 = vector.broadcast %eq3A_915 : i32 to vector<4x2048xi32>
      %eq3A_917 = arith.cmpi eq, %xor3A_914, %eq3A_916 : vector<4x2048xi32>
      %select_n3A_918 = arith.select %eq3A_917, %select_n3A_880, %select_n3A_892 : vector<4x2048xi1>, vector<4x2048xi32>
      %select_n3A_919 = arith.select %eq3A_917, %select_n3A_881, %select_n3A_897 : vector<4x2048xi1>, vector<4x2048xi32>
      %and3A_920 = arith.constant 16 : i32
      %and3A_921 = vector.broadcast %and3A_920 : i32 to vector<4x2048xi32>
      %and3A_922 = arith.andi %iota3A, %and3A_921 : vector<4x2048xi32>
      %eq3A_923 = arith.constant 0 : i32
      %eq3A_924 = vector.broadcast %eq3A_923 : i32 to vector<4x2048xi32>
      %eq3A_925 = arith.cmpi eq, %and3A_922, %eq3A_924 : vector<4x2048xi32>
      %roll3A_926 = arith.constant 2032 : i32
      %roll3A_927 = tpu.dynamic_rotate %select_n3A_918 by %roll3A_926 dim 1 : vector<4x2048xi32>, i32 -> vector<4x2048xi32>
      %roll3A_928 = arith.constant 16 : i32
      %roll3A_929 = tpu.dynamic_rotate %select_n3A_918 by %roll3A_928 dim 1 : vector<4x2048xi32>, i32 -> vector<4x2048xi32>
      %select_n3A_930 = arith.select %eq3A_925, %roll3A_927, %roll3A_929 : vector<4x2048xi1>, vector<4x2048xi32>
      %roll3A_931 = arith.constant 2032 : i32
      %roll3A_932 = tpu.dynamic_rotate %select_n3A_919 by %roll3A_931 dim 1 : vector<4x2048xi32>, i32 -> vector<4x2048xi32>
      %roll3A_933 = arith.constant 16 : i32
      %roll3A_934 = tpu.dynamic_rotate %select_n3A_919 by %roll3A_933 dim 1 : vector<4x2048xi32>, i32 -> vector<4x2048xi32>
      %select_n3A_935 = arith.select %eq3A_925, %roll3A_932, %roll3A_934 : vector<4x2048xi1>, vector<4x2048xi32>
      %gt3A_936 = arith.cmpi sgt, %select_n3A_918, %select_n3A_930 : vector<4x2048xi32>
      %eq3A_937 = arith.cmpi eq, %select_n3A_918, %select_n3A_930 : vector<4x2048xi32>
      %lt3A_938 = arith.cmpi slt, %select_n3A_919, %select_n3A_935 : vector<4x2048xi32>
      %and3A_939 = arith.andi %eq3A_937, %lt3A_938 : vector<4x2048xi1>
      %or3A_940 = arith.ori %gt3A_936, %and3A_939 : vector<4x2048xi1>
      %convert_element_type3A_941 = arith.extui %or3A_940 : vector<4x2048xi1> to vector<4x2048xi32>
      %shift_right_arithmetic3A_942 = arith.constant 4 : i32
      %shift_right_arithmetic3A_943 = vector.broadcast %shift_right_arithmetic3A_942 : i32 to vector<4x2048xi32>
      %shift_right_arithmetic3A_944 = arith.shrsi %iota3A, %shift_right_arithmetic3A_943 : vector<4x2048xi32>
      %shift_right_arithmetic3A_945 = arith.constant 7 : i32
      %shift_right_arithmetic3A_946 = vector.broadcast %shift_right_arithmetic3A_945 : i32 to vector<4x2048xi32>
      %shift_right_arithmetic3A_947 = arith.shrsi %iota3A, %shift_right_arithmetic3A_946 : vector<4x2048xi32>
      %xor3A_948 = arith.xori %shift_right_arithmetic3A_944, %shift_right_arithmetic3A_947 : vector<4x2048xi32>
      %and3A_949 = arith.constant 1 : i32
      %and3A_950 = vector.broadcast %and3A_949 : i32 to vector<4x2048xi32>
      %and3A_951 = arith.andi %xor3A_948, %and3A_950 : vector<4x2048xi32>
      %xor3A_952 = arith.xori %convert_element_type3A_941, %and3A_951 : vector<4x2048xi32>
      %eq3A_953 = arith.constant 1 : i32
      %eq3A_954 = vector.broadcast %eq3A_953 : i32 to vector<4x2048xi32>
      %eq3A_955 = arith.cmpi eq, %xor3A_952, %eq3A_954 : vector<4x2048xi32>
      %select_n3A_956 = arith.select %eq3A_955, %select_n3A_918, %select_n3A_930 : vector<4x2048xi1>, vector<4x2048xi32>
      %select_n3A_957 = arith.select %eq3A_955, %select_n3A_919, %select_n3A_935 : vector<4x2048xi1>, vector<4x2048xi32>
      %and3A_958 = arith.constant 8 : i32
      %and3A_959 = vector.broadcast %and3A_958 : i32 to vector<4x2048xi32>
      %and3A_960 = arith.andi %iota3A, %and3A_959 : vector<4x2048xi32>
      %eq3A_961 = arith.constant 0 : i32
      %eq3A_962 = vector.broadcast %eq3A_961 : i32 to vector<4x2048xi32>
      %eq3A_963 = arith.cmpi eq, %and3A_960, %eq3A_962 : vector<4x2048xi32>
      %roll3A_964 = arith.constant 2040 : i32
      %roll3A_965 = tpu.dynamic_rotate %select_n3A_956 by %roll3A_964 dim 1 : vector<4x2048xi32>, i32 -> vector<4x2048xi32>
      %roll3A_966 = arith.constant 8 : i32
      %roll3A_967 = tpu.dynamic_rotate %select_n3A_956 by %roll3A_966 dim 1 : vector<4x2048xi32>, i32 -> vector<4x2048xi32>
      %select_n3A_968 = arith.select %eq3A_963, %roll3A_965, %roll3A_967 : vector<4x2048xi1>, vector<4x2048xi32>
      %roll3A_969 = arith.constant 2040 : i32
      %roll3A_970 = tpu.dynamic_rotate %select_n3A_957 by %roll3A_969 dim 1 : vector<4x2048xi32>, i32 -> vector<4x2048xi32>
      %roll3A_971 = arith.constant 8 : i32
      %roll3A_972 = tpu.dynamic_rotate %select_n3A_957 by %roll3A_971 dim 1 : vector<4x2048xi32>, i32 -> vector<4x2048xi32>
      %select_n3A_973 = arith.select %eq3A_963, %roll3A_970, %roll3A_972 : vector<4x2048xi1>, vector<4x2048xi32>
      %gt3A_974 = arith.cmpi sgt, %select_n3A_956, %select_n3A_968 : vector<4x2048xi32>
      %eq3A_975 = arith.cmpi eq, %select_n3A_956, %select_n3A_968 : vector<4x2048xi32>
      %lt3A_976 = arith.cmpi slt, %select_n3A_957, %select_n3A_973 : vector<4x2048xi32>
      %and3A_977 = arith.andi %eq3A_975, %lt3A_976 : vector<4x2048xi1>
      %or3A_978 = arith.ori %gt3A_974, %and3A_977 : vector<4x2048xi1>
      %convert_element_type3A_979 = arith.extui %or3A_978 : vector<4x2048xi1> to vector<4x2048xi32>
      %shift_right_arithmetic3A_980 = arith.constant 3 : i32
      %shift_right_arithmetic3A_981 = vector.broadcast %shift_right_arithmetic3A_980 : i32 to vector<4x2048xi32>
      %shift_right_arithmetic3A_982 = arith.shrsi %iota3A, %shift_right_arithmetic3A_981 : vector<4x2048xi32>
      %shift_right_arithmetic3A_983 = arith.constant 7 : i32
      %shift_right_arithmetic3A_984 = vector.broadcast %shift_right_arithmetic3A_983 : i32 to vector<4x2048xi32>
      %shift_right_arithmetic3A_985 = arith.shrsi %iota3A, %shift_right_arithmetic3A_984 : vector<4x2048xi32>
      %xor3A_986 = arith.xori %shift_right_arithmetic3A_982, %shift_right_arithmetic3A_985 : vector<4x2048xi32>
      %and3A_987 = arith.constant 1 : i32
      %and3A_988 = vector.broadcast %and3A_987 : i32 to vector<4x2048xi32>
      %and3A_989 = arith.andi %xor3A_986, %and3A_988 : vector<4x2048xi32>
      %xor3A_990 = arith.xori %convert_element_type3A_979, %and3A_989 : vector<4x2048xi32>
      %eq3A_991 = arith.constant 1 : i32
      %eq3A_992 = vector.broadcast %eq3A_991 : i32 to vector<4x2048xi32>
      %eq3A_993 = arith.cmpi eq, %xor3A_990, %eq3A_992 : vector<4x2048xi32>
      %select_n3A_994 = arith.select %eq3A_993, %select_n3A_956, %select_n3A_968 : vector<4x2048xi1>, vector<4x2048xi32>
      %select_n3A_995 = arith.select %eq3A_993, %select_n3A_957, %select_n3A_973 : vector<4x2048xi1>, vector<4x2048xi32>
      %and3A_996 = arith.constant 4 : i32
      %and3A_997 = vector.broadcast %and3A_996 : i32 to vector<4x2048xi32>
      %and3A_998 = arith.andi %iota3A, %and3A_997 : vector<4x2048xi32>
      %eq3A_999 = arith.constant 0 : i32
      %eq3A_1000 = vector.broadcast %eq3A_999 : i32 to vector<4x2048xi32>
      %eq3A_1001 = arith.cmpi eq, %and3A_998, %eq3A_1000 : vector<4x2048xi32>
      %roll3A_1002 = arith.constant 2044 : i32
      %roll3A_1003 = tpu.dynamic_rotate %select_n3A_994 by %roll3A_1002 dim 1 : vector<4x2048xi32>, i32 -> vector<4x2048xi32>
      %roll3A_1004 = arith.constant 4 : i32
      %roll3A_1005 = tpu.dynamic_rotate %select_n3A_994 by %roll3A_1004 dim 1 : vector<4x2048xi32>, i32 -> vector<4x2048xi32>
      %select_n3A_1006 = arith.select %eq3A_1001, %roll3A_1003, %roll3A_1005 : vector<4x2048xi1>, vector<4x2048xi32>
      %roll3A_1007 = arith.constant 2044 : i32
      %roll3A_1008 = tpu.dynamic_rotate %select_n3A_995 by %roll3A_1007 dim 1 : vector<4x2048xi32>, i32 -> vector<4x2048xi32>
      %roll3A_1009 = arith.constant 4 : i32
      %roll3A_1010 = tpu.dynamic_rotate %select_n3A_995 by %roll3A_1009 dim 1 : vector<4x2048xi32>, i32 -> vector<4x2048xi32>
      %select_n3A_1011 = arith.select %eq3A_1001, %roll3A_1008, %roll3A_1010 : vector<4x2048xi1>, vector<4x2048xi32>
      %gt3A_1012 = arith.cmpi sgt, %select_n3A_994, %select_n3A_1006 : vector<4x2048xi32>
      %eq3A_1013 = arith.cmpi eq, %select_n3A_994, %select_n3A_1006 : vector<4x2048xi32>
      %lt3A_1014 = arith.cmpi slt, %select_n3A_995, %select_n3A_1011 : vector<4x2048xi32>
      %and3A_1015 = arith.andi %eq3A_1013, %lt3A_1014 : vector<4x2048xi1>
      %or3A_1016 = arith.ori %gt3A_1012, %and3A_1015 : vector<4x2048xi1>
      %convert_element_type3A_1017 = arith.extui %or3A_1016 : vector<4x2048xi1> to vector<4x2048xi32>
      %shift_right_arithmetic3A_1018 = arith.constant 2 : i32
      %shift_right_arithmetic3A_1019 = vector.broadcast %shift_right_arithmetic3A_1018 : i32 to vector<4x2048xi32>
      %shift_right_arithmetic3A_1020 = arith.shrsi %iota3A, %shift_right_arithmetic3A_1019 : vector<4x2048xi32>
      %shift_right_arithmetic3A_1021 = arith.constant 7 : i32
      %shift_right_arithmetic3A_1022 = vector.broadcast %shift_right_arithmetic3A_1021 : i32 to vector<4x2048xi32>
      %shift_right_arithmetic3A_1023 = arith.shrsi %iota3A, %shift_right_arithmetic3A_1022 : vector<4x2048xi32>
      %xor3A_1024 = arith.xori %shift_right_arithmetic3A_1020, %shift_right_arithmetic3A_1023 : vector<4x2048xi32>
      %and3A_1025 = arith.constant 1 : i32
      %and3A_1026 = vector.broadcast %and3A_1025 : i32 to vector<4x2048xi32>
      %and3A_1027 = arith.andi %xor3A_1024, %and3A_1026 : vector<4x2048xi32>
      %xor3A_1028 = arith.xori %convert_element_type3A_1017, %and3A_1027 : vector<4x2048xi32>
      %eq3A_1029 = arith.constant 1 : i32
      %eq3A_1030 = vector.broadcast %eq3A_1029 : i32 to vector<4x2048xi32>
      %eq3A_1031 = arith.cmpi eq, %xor3A_1028, %eq3A_1030 : vector<4x2048xi32>
      %select_n3A_1032 = arith.select %eq3A_1031, %select_n3A_994, %select_n3A_1006 : vector<4x2048xi1>, vector<4x2048xi32>
      %select_n3A_1033 = arith.select %eq3A_1031, %select_n3A_995, %select_n3A_1011 : vector<4x2048xi1>, vector<4x2048xi32>
      %and3A_1034 = arith.constant 2 : i32
      %and3A_1035 = vector.broadcast %and3A_1034 : i32 to vector<4x2048xi32>
      %and3A_1036 = arith.andi %iota3A, %and3A_1035 : vector<4x2048xi32>
      %eq3A_1037 = arith.constant 0 : i32
      %eq3A_1038 = vector.broadcast %eq3A_1037 : i32 to vector<4x2048xi32>
      %eq3A_1039 = arith.cmpi eq, %and3A_1036, %eq3A_1038 : vector<4x2048xi32>
      %roll3A_1040 = arith.constant 2046 : i32
      %roll3A_1041 = tpu.dynamic_rotate %select_n3A_1032 by %roll3A_1040 dim 1 : vector<4x2048xi32>, i32 -> vector<4x2048xi32>
      %roll3A_1042 = arith.constant 2 : i32
      %roll3A_1043 = tpu.dynamic_rotate %select_n3A_1032 by %roll3A_1042 dim 1 : vector<4x2048xi32>, i32 -> vector<4x2048xi32>
      %select_n3A_1044 = arith.select %eq3A_1039, %roll3A_1041, %roll3A_1043 : vector<4x2048xi1>, vector<4x2048xi32>
      %roll3A_1045 = arith.constant 2046 : i32
      %roll3A_1046 = tpu.dynamic_rotate %select_n3A_1033 by %roll3A_1045 dim 1 : vector<4x2048xi32>, i32 -> vector<4x2048xi32>
      %roll3A_1047 = arith.constant 2 : i32
      %roll3A_1048 = tpu.dynamic_rotate %select_n3A_1033 by %roll3A_1047 dim 1 : vector<4x2048xi32>, i32 -> vector<4x2048xi32>
      %select_n3A_1049 = arith.select %eq3A_1039, %roll3A_1046, %roll3A_1048 : vector<4x2048xi1>, vector<4x2048xi32>
      %gt3A_1050 = arith.cmpi sgt, %select_n3A_1032, %select_n3A_1044 : vector<4x2048xi32>
      %eq3A_1051 = arith.cmpi eq, %select_n3A_1032, %select_n3A_1044 : vector<4x2048xi32>
      %lt3A_1052 = arith.cmpi slt, %select_n3A_1033, %select_n3A_1049 : vector<4x2048xi32>
      %and3A_1053 = arith.andi %eq3A_1051, %lt3A_1052 : vector<4x2048xi1>
      %or3A_1054 = arith.ori %gt3A_1050, %and3A_1053 : vector<4x2048xi1>
      %convert_element_type3A_1055 = arith.extui %or3A_1054 : vector<4x2048xi1> to vector<4x2048xi32>
      %shift_right_arithmetic3A_1056 = arith.constant 1 : i32
      %shift_right_arithmetic3A_1057 = vector.broadcast %shift_right_arithmetic3A_1056 : i32 to vector<4x2048xi32>
      %shift_right_arithmetic3A_1058 = arith.shrsi %iota3A, %shift_right_arithmetic3A_1057 : vector<4x2048xi32>
      %shift_right_arithmetic3A_1059 = arith.constant 7 : i32
      %shift_right_arithmetic3A_1060 = vector.broadcast %shift_right_arithmetic3A_1059 : i32 to vector<4x2048xi32>
      %shift_right_arithmetic3A_1061 = arith.shrsi %iota3A, %shift_right_arithmetic3A_1060 : vector<4x2048xi32>
      %xor3A_1062 = arith.xori %shift_right_arithmetic3A_1058, %shift_right_arithmetic3A_1061 : vector<4x2048xi32>
      %and3A_1063 = arith.constant 1 : i32
      %and3A_1064 = vector.broadcast %and3A_1063 : i32 to vector<4x2048xi32>
      %and3A_1065 = arith.andi %xor3A_1062, %and3A_1064 : vector<4x2048xi32>
      %xor3A_1066 = arith.xori %convert_element_type3A_1055, %and3A_1065 : vector<4x2048xi32>
      %eq3A_1067 = arith.constant 1 : i32
      %eq3A_1068 = vector.broadcast %eq3A_1067 : i32 to vector<4x2048xi32>
      %eq3A_1069 = arith.cmpi eq, %xor3A_1066, %eq3A_1068 : vector<4x2048xi32>
      %select_n3A_1070 = arith.select %eq3A_1069, %select_n3A_1032, %select_n3A_1044 : vector<4x2048xi1>, vector<4x2048xi32>
      %select_n3A_1071 = arith.select %eq3A_1069, %select_n3A_1033, %select_n3A_1049 : vector<4x2048xi1>, vector<4x2048xi32>
      %and3A_1072 = arith.constant 1 : i32
      %and3A_1073 = vector.broadcast %and3A_1072 : i32 to vector<4x2048xi32>
      %and3A_1074 = arith.andi %iota3A, %and3A_1073 : vector<4x2048xi32>
      %eq3A_1075 = arith.constant 0 : i32
      %eq3A_1076 = vector.broadcast %eq3A_1075 : i32 to vector<4x2048xi32>
      %eq3A_1077 = arith.cmpi eq, %and3A_1074, %eq3A_1076 : vector<4x2048xi32>
      %roll3A_1078 = arith.constant 2047 : i32
      %roll3A_1079 = tpu.dynamic_rotate %select_n3A_1070 by %roll3A_1078 dim 1 : vector<4x2048xi32>, i32 -> vector<4x2048xi32>
      %roll3A_1080 = arith.constant 1 : i32
      %roll3A_1081 = tpu.dynamic_rotate %select_n3A_1070 by %roll3A_1080 dim 1 : vector<4x2048xi32>, i32 -> vector<4x2048xi32>
      %select_n3A_1082 = arith.select %eq3A_1077, %roll3A_1079, %roll3A_1081 : vector<4x2048xi1>, vector<4x2048xi32>
      %roll3A_1083 = arith.constant 2047 : i32
      %roll3A_1084 = tpu.dynamic_rotate %select_n3A_1071 by %roll3A_1083 dim 1 : vector<4x2048xi32>, i32 -> vector<4x2048xi32>
      %roll3A_1085 = arith.constant 1 : i32
      %roll3A_1086 = tpu.dynamic_rotate %select_n3A_1071 by %roll3A_1085 dim 1 : vector<4x2048xi32>, i32 -> vector<4x2048xi32>
      %select_n3A_1087 = arith.select %eq3A_1077, %roll3A_1084, %roll3A_1086 : vector<4x2048xi1>, vector<4x2048xi32>
      %gt3A_1088 = arith.cmpi sgt, %select_n3A_1070, %select_n3A_1082 : vector<4x2048xi32>
      %eq3A_1089 = arith.cmpi eq, %select_n3A_1070, %select_n3A_1082 : vector<4x2048xi32>
      %lt3A_1090 = arith.cmpi slt, %select_n3A_1071, %select_n3A_1087 : vector<4x2048xi32>
      %and3A_1091 = arith.andi %eq3A_1089, %lt3A_1090 : vector<4x2048xi1>
      %or3A_1092 = arith.ori %gt3A_1088, %and3A_1091 : vector<4x2048xi1>
      %convert_element_type3A_1093 = arith.extui %or3A_1092 : vector<4x2048xi1> to vector<4x2048xi32>
      %shift_right_arithmetic3A_1094 = arith.constant 0 : i32
      %shift_right_arithmetic3A_1095 = vector.broadcast %shift_right_arithmetic3A_1094 : i32 to vector<4x2048xi32>
      %shift_right_arithmetic3A_1096 = arith.shrsi %iota3A, %shift_right_arithmetic3A_1095 : vector<4x2048xi32>
      %shift_right_arithmetic3A_1097 = arith.constant 7 : i32
      %shift_right_arithmetic3A_1098 = vector.broadcast %shift_right_arithmetic3A_1097 : i32 to vector<4x2048xi32>
      %shift_right_arithmetic3A_1099 = arith.shrsi %iota3A, %shift_right_arithmetic3A_1098 : vector<4x2048xi32>
      %xor3A_1100 = arith.xori %shift_right_arithmetic3A_1096, %shift_right_arithmetic3A_1099 : vector<4x2048xi32>
      %and3A_1101 = arith.constant 1 : i32
      %and3A_1102 = vector.broadcast %and3A_1101 : i32 to vector<4x2048xi32>
      %and3A_1103 = arith.andi %xor3A_1100, %and3A_1102 : vector<4x2048xi32>
      %xor3A_1104 = arith.xori %convert_element_type3A_1093, %and3A_1103 : vector<4x2048xi32>
      %eq3A_1105 = arith.constant 1 : i32
      %eq3A_1106 = vector.broadcast %eq3A_1105 : i32 to vector<4x2048xi32>
      %eq3A_1107 = arith.cmpi eq, %xor3A_1104, %eq3A_1106 : vector<4x2048xi32>
      %select_n3A_1108 = arith.select %eq3A_1107, %select_n3A_1070, %select_n3A_1082 : vector<4x2048xi1>, vector<4x2048xi32>
      %select_n3A_1109 = arith.select %eq3A_1107, %select_n3A_1071, %select_n3A_1087 : vector<4x2048xi1>, vector<4x2048xi32>
      %and3A_1110 = arith.constant 128 : i32
      %and3A_1111 = vector.broadcast %and3A_1110 : i32 to vector<4x2048xi32>
      %and3A_1112 = arith.andi %iota3A, %and3A_1111 : vector<4x2048xi32>
      %eq3A_1113 = arith.constant 0 : i32
      %eq3A_1114 = vector.broadcast %eq3A_1113 : i32 to vector<4x2048xi32>
      %eq3A_1115 = arith.cmpi eq, %and3A_1112, %eq3A_1114 : vector<4x2048xi32>
      %roll3A_1116 = arith.constant 1920 : i32
      %roll3A_1117 = tpu.dynamic_rotate %select_n3A_1108 by %roll3A_1116 dim 1 : vector<4x2048xi32>, i32 -> vector<4x2048xi32>
      %roll3A_1118 = arith.constant 128 : i32
      %roll3A_1119 = tpu.dynamic_rotate %select_n3A_1108 by %roll3A_1118 dim 1 : vector<4x2048xi32>, i32 -> vector<4x2048xi32>
      %select_n3A_1120 = arith.select %eq3A_1115, %roll3A_1117, %roll3A_1119 : vector<4x2048xi1>, vector<4x2048xi32>
      %roll3A_1121 = arith.constant 1920 : i32
      %roll3A_1122 = tpu.dynamic_rotate %select_n3A_1109 by %roll3A_1121 dim 1 : vector<4x2048xi32>, i32 -> vector<4x2048xi32>
      %roll3A_1123 = arith.constant 128 : i32
      %roll3A_1124 = tpu.dynamic_rotate %select_n3A_1109 by %roll3A_1123 dim 1 : vector<4x2048xi32>, i32 -> vector<4x2048xi32>
      %select_n3A_1125 = arith.select %eq3A_1115, %roll3A_1122, %roll3A_1124 : vector<4x2048xi1>, vector<4x2048xi32>
      %gt3A_1126 = arith.cmpi sgt, %select_n3A_1108, %select_n3A_1120 : vector<4x2048xi32>
      %eq3A_1127 = arith.cmpi eq, %select_n3A_1108, %select_n3A_1120 : vector<4x2048xi32>
      %lt3A_1128 = arith.cmpi slt, %select_n3A_1109, %select_n3A_1125 : vector<4x2048xi32>
      %and3A_1129 = arith.andi %eq3A_1127, %lt3A_1128 : vector<4x2048xi1>
      %or3A_1130 = arith.ori %gt3A_1126, %and3A_1129 : vector<4x2048xi1>
      %convert_element_type3A_1131 = arith.extui %or3A_1130 : vector<4x2048xi1> to vector<4x2048xi32>
      %shift_right_arithmetic3A_1132 = arith.constant 7 : i32
      %shift_right_arithmetic3A_1133 = vector.broadcast %shift_right_arithmetic3A_1132 : i32 to vector<4x2048xi32>
      %shift_right_arithmetic3A_1134 = arith.shrsi %iota3A, %shift_right_arithmetic3A_1133 : vector<4x2048xi32>
      %shift_right_arithmetic3A_1135 = arith.constant 8 : i32
      %shift_right_arithmetic3A_1136 = vector.broadcast %shift_right_arithmetic3A_1135 : i32 to vector<4x2048xi32>
      %shift_right_arithmetic3A_1137 = arith.shrsi %iota3A, %shift_right_arithmetic3A_1136 : vector<4x2048xi32>
      %xor3A_1138 = arith.xori %shift_right_arithmetic3A_1134, %shift_right_arithmetic3A_1137 : vector<4x2048xi32>
      %and3A_1139 = arith.constant 1 : i32
      %and3A_1140 = vector.broadcast %and3A_1139 : i32 to vector<4x2048xi32>
      %and3A_1141 = arith.andi %xor3A_1138, %and3A_1140 : vector<4x2048xi32>
      %xor3A_1142 = arith.xori %convert_element_type3A_1131, %and3A_1141 : vector<4x2048xi32>
      %eq3A_1143 = arith.constant 1 : i32
      %eq3A_1144 = vector.broadcast %eq3A_1143 : i32 to vector<4x2048xi32>
      %eq3A_1145 = arith.cmpi eq, %xor3A_1142, %eq3A_1144 : vector<4x2048xi32>
      %select_n3A_1146 = arith.select %eq3A_1145, %select_n3A_1108, %select_n3A_1120 : vector<4x2048xi1>, vector<4x2048xi32>
      %select_n3A_1147 = arith.select %eq3A_1145, %select_n3A_1109, %select_n3A_1125 : vector<4x2048xi1>, vector<4x2048xi32>
      %and3A_1148 = arith.constant 64 : i32
      %and3A_1149 = vector.broadcast %and3A_1148 : i32 to vector<4x2048xi32>
      %and3A_1150 = arith.andi %iota3A, %and3A_1149 : vector<4x2048xi32>
      %eq3A_1151 = arith.constant 0 : i32
      %eq3A_1152 = vector.broadcast %eq3A_1151 : i32 to vector<4x2048xi32>
      %eq3A_1153 = arith.cmpi eq, %and3A_1150, %eq3A_1152 : vector<4x2048xi32>
      %roll3A_1154 = arith.constant 1984 : i32
      %roll3A_1155 = tpu.dynamic_rotate %select_n3A_1146 by %roll3A_1154 dim 1 : vector<4x2048xi32>, i32 -> vector<4x2048xi32>
      %roll3A_1156 = arith.constant 64 : i32
      %roll3A_1157 = tpu.dynamic_rotate %select_n3A_1146 by %roll3A_1156 dim 1 : vector<4x2048xi32>, i32 -> vector<4x2048xi32>
      %select_n3A_1158 = arith.select %eq3A_1153, %roll3A_1155, %roll3A_1157 : vector<4x2048xi1>, vector<4x2048xi32>
      %roll3A_1159 = arith.constant 1984 : i32
      %roll3A_1160 = tpu.dynamic_rotate %select_n3A_1147 by %roll3A_1159 dim 1 : vector<4x2048xi32>, i32 -> vector<4x2048xi32>
      %roll3A_1161 = arith.constant 64 : i32
      %roll3A_1162 = tpu.dynamic_rotate %select_n3A_1147 by %roll3A_1161 dim 1 : vector<4x2048xi32>, i32 -> vector<4x2048xi32>
      %select_n3A_1163 = arith.select %eq3A_1153, %roll3A_1160, %roll3A_1162 : vector<4x2048xi1>, vector<4x2048xi32>
      %gt3A_1164 = arith.cmpi sgt, %select_n3A_1146, %select_n3A_1158 : vector<4x2048xi32>
      %eq3A_1165 = arith.cmpi eq, %select_n3A_1146, %select_n3A_1158 : vector<4x2048xi32>
      %lt3A_1166 = arith.cmpi slt, %select_n3A_1147, %select_n3A_1163 : vector<4x2048xi32>
      %and3A_1167 = arith.andi %eq3A_1165, %lt3A_1166 : vector<4x2048xi1>
      %or3A_1168 = arith.ori %gt3A_1164, %and3A_1167 : vector<4x2048xi1>
      %convert_element_type3A_1169 = arith.extui %or3A_1168 : vector<4x2048xi1> to vector<4x2048xi32>
      %shift_right_arithmetic3A_1170 = arith.constant 6 : i32
      %shift_right_arithmetic3A_1171 = vector.broadcast %shift_right_arithmetic3A_1170 : i32 to vector<4x2048xi32>
      %shift_right_arithmetic3A_1172 = arith.shrsi %iota3A, %shift_right_arithmetic3A_1171 : vector<4x2048xi32>
      %shift_right_arithmetic3A_1173 = arith.constant 8 : i32
      %shift_right_arithmetic3A_1174 = vector.broadcast %shift_right_arithmetic3A_1173 : i32 to vector<4x2048xi32>
      %shift_right_arithmetic3A_1175 = arith.shrsi %iota3A, %shift_right_arithmetic3A_1174 : vector<4x2048xi32>
      %xor3A_1176 = arith.xori %shift_right_arithmetic3A_1172, %shift_right_arithmetic3A_1175 : vector<4x2048xi32>
      %and3A_1177 = arith.constant 1 : i32
      %and3A_1178 = vector.broadcast %and3A_1177 : i32 to vector<4x2048xi32>
      %and3A_1179 = arith.andi %xor3A_1176, %and3A_1178 : vector<4x2048xi32>
      %xor3A_1180 = arith.xori %convert_element_type3A_1169, %and3A_1179 : vector<4x2048xi32>
      %eq3A_1181 = arith.constant 1 : i32
      %eq3A_1182 = vector.broadcast %eq3A_1181 : i32 to vector<4x2048xi32>
      %eq3A_1183 = arith.cmpi eq, %xor3A_1180, %eq3A_1182 : vector<4x2048xi32>
      %select_n3A_1184 = arith.select %eq3A_1183, %select_n3A_1146, %select_n3A_1158 : vector<4x2048xi1>, vector<4x2048xi32>
      %select_n3A_1185 = arith.select %eq3A_1183, %select_n3A_1147, %select_n3A_1163 : vector<4x2048xi1>, vector<4x2048xi32>
      %and3A_1186 = arith.constant 32 : i32
      %and3A_1187 = vector.broadcast %and3A_1186 : i32 to vector<4x2048xi32>
      %and3A_1188 = arith.andi %iota3A, %and3A_1187 : vector<4x2048xi32>
      %eq3A_1189 = arith.constant 0 : i32
      %eq3A_1190 = vector.broadcast %eq3A_1189 : i32 to vector<4x2048xi32>
      %eq3A_1191 = arith.cmpi eq, %and3A_1188, %eq3A_1190 : vector<4x2048xi32>
      %roll3A_1192 = arith.constant 2016 : i32
      %roll3A_1193 = tpu.dynamic_rotate %select_n3A_1184 by %roll3A_1192 dim 1 : vector<4x2048xi32>, i32 -> vector<4x2048xi32>
      %roll3A_1194 = arith.constant 32 : i32
      %roll3A_1195 = tpu.dynamic_rotate %select_n3A_1184 by %roll3A_1194 dim 1 : vector<4x2048xi32>, i32 -> vector<4x2048xi32>
      %select_n3A_1196 = arith.select %eq3A_1191, %roll3A_1193, %roll3A_1195 : vector<4x2048xi1>, vector<4x2048xi32>
      %roll3A_1197 = arith.constant 2016 : i32
      %roll3A_1198 = tpu.dynamic_rotate %select_n3A_1185 by %roll3A_1197 dim 1 : vector<4x2048xi32>, i32 -> vector<4x2048xi32>
      %roll3A_1199 = arith.constant 32 : i32
      %roll3A_1200 = tpu.dynamic_rotate %select_n3A_1185 by %roll3A_1199 dim 1 : vector<4x2048xi32>, i32 -> vector<4x2048xi32>
      %select_n3A_1201 = arith.select %eq3A_1191, %roll3A_1198, %roll3A_1200 : vector<4x2048xi1>, vector<4x2048xi32>
      %gt3A_1202 = arith.cmpi sgt, %select_n3A_1184, %select_n3A_1196 : vector<4x2048xi32>
      %eq3A_1203 = arith.cmpi eq, %select_n3A_1184, %select_n3A_1196 : vector<4x2048xi32>
      %lt3A_1204 = arith.cmpi slt, %select_n3A_1185, %select_n3A_1201 : vector<4x2048xi32>
      %and3A_1205 = arith.andi %eq3A_1203, %lt3A_1204 : vector<4x2048xi1>
      %or3A_1206 = arith.ori %gt3A_1202, %and3A_1205 : vector<4x2048xi1>
      %convert_element_type3A_1207 = arith.extui %or3A_1206 : vector<4x2048xi1> to vector<4x2048xi32>
      %shift_right_arithmetic3A_1208 = arith.constant 5 : i32
      %shift_right_arithmetic3A_1209 = vector.broadcast %shift_right_arithmetic3A_1208 : i32 to vector<4x2048xi32>
      %shift_right_arithmetic3A_1210 = arith.shrsi %iota3A, %shift_right_arithmetic3A_1209 : vector<4x2048xi32>
      %shift_right_arithmetic3A_1211 = arith.constant 8 : i32
      %shift_right_arithmetic3A_1212 = vector.broadcast %shift_right_arithmetic3A_1211 : i32 to vector<4x2048xi32>
      %shift_right_arithmetic3A_1213 = arith.shrsi %iota3A, %shift_right_arithmetic3A_1212 : vector<4x2048xi32>
      %xor3A_1214 = arith.xori %shift_right_arithmetic3A_1210, %shift_right_arithmetic3A_1213 : vector<4x2048xi32>
      %and3A_1215 = arith.constant 1 : i32
      %and3A_1216 = vector.broadcast %and3A_1215 : i32 to vector<4x2048xi32>
      %and3A_1217 = arith.andi %xor3A_1214, %and3A_1216 : vector<4x2048xi32>
      %xor3A_1218 = arith.xori %convert_element_type3A_1207, %and3A_1217 : vector<4x2048xi32>
      %eq3A_1219 = arith.constant 1 : i32
      %eq3A_1220 = vector.broadcast %eq3A_1219 : i32 to vector<4x2048xi32>
      %eq3A_1221 = arith.cmpi eq, %xor3A_1218, %eq3A_1220 : vector<4x2048xi32>
      %select_n3A_1222 = arith.select %eq3A_1221, %select_n3A_1184, %select_n3A_1196 : vector<4x2048xi1>, vector<4x2048xi32>
      %select_n3A_1223 = arith.select %eq3A_1221, %select_n3A_1185, %select_n3A_1201 : vector<4x2048xi1>, vector<4x2048xi32>
      %and3A_1224 = arith.constant 16 : i32
      %and3A_1225 = vector.broadcast %and3A_1224 : i32 to vector<4x2048xi32>
      %and3A_1226 = arith.andi %iota3A, %and3A_1225 : vector<4x2048xi32>
      %eq3A_1227 = arith.constant 0 : i32
      %eq3A_1228 = vector.broadcast %eq3A_1227 : i32 to vector<4x2048xi32>
      %eq3A_1229 = arith.cmpi eq, %and3A_1226, %eq3A_1228 : vector<4x2048xi32>
      %roll3A_1230 = arith.constant 2032 : i32
      %roll3A_1231 = tpu.dynamic_rotate %select_n3A_1222 by %roll3A_1230 dim 1 : vector<4x2048xi32>, i32 -> vector<4x2048xi32>
      %roll3A_1232 = arith.constant 16 : i32
      %roll3A_1233 = tpu.dynamic_rotate %select_n3A_1222 by %roll3A_1232 dim 1 : vector<4x2048xi32>, i32 -> vector<4x2048xi32>
      %select_n3A_1234 = arith.select %eq3A_1229, %roll3A_1231, %roll3A_1233 : vector<4x2048xi1>, vector<4x2048xi32>
      %roll3A_1235 = arith.constant 2032 : i32
      %roll3A_1236 = tpu.dynamic_rotate %select_n3A_1223 by %roll3A_1235 dim 1 : vector<4x2048xi32>, i32 -> vector<4x2048xi32>
      %roll3A_1237 = arith.constant 16 : i32
      %roll3A_1238 = tpu.dynamic_rotate %select_n3A_1223 by %roll3A_1237 dim 1 : vector<4x2048xi32>, i32 -> vector<4x2048xi32>
      %select_n3A_1239 = arith.select %eq3A_1229, %roll3A_1236, %roll3A_1238 : vector<4x2048xi1>, vector<4x2048xi32>
      %gt3A_1240 = arith.cmpi sgt, %select_n3A_1222, %select_n3A_1234 : vector<4x2048xi32>
      %eq3A_1241 = arith.cmpi eq, %select_n3A_1222, %select_n3A_1234 : vector<4x2048xi32>
      %lt3A_1242 = arith.cmpi slt, %select_n3A_1223, %select_n3A_1239 : vector<4x2048xi32>
      %and3A_1243 = arith.andi %eq3A_1241, %lt3A_1242 : vector<4x2048xi1>
      %or3A_1244 = arith.ori %gt3A_1240, %and3A_1243 : vector<4x2048xi1>
      %convert_element_type3A_1245 = arith.extui %or3A_1244 : vector<4x2048xi1> to vector<4x2048xi32>
      %shift_right_arithmetic3A_1246 = arith.constant 4 : i32
      %shift_right_arithmetic3A_1247 = vector.broadcast %shift_right_arithmetic3A_1246 : i32 to vector<4x2048xi32>
      %shift_right_arithmetic3A_1248 = arith.shrsi %iota3A, %shift_right_arithmetic3A_1247 : vector<4x2048xi32>
      %shift_right_arithmetic3A_1249 = arith.constant 8 : i32
      %shift_right_arithmetic3A_1250 = vector.broadcast %shift_right_arithmetic3A_1249 : i32 to vector<4x2048xi32>
      %shift_right_arithmetic3A_1251 = arith.shrsi %iota3A, %shift_right_arithmetic3A_1250 : vector<4x2048xi32>
      %xor3A_1252 = arith.xori %shift_right_arithmetic3A_1248, %shift_right_arithmetic3A_1251 : vector<4x2048xi32>
      %and3A_1253 = arith.constant 1 : i32
      %and3A_1254 = vector.broadcast %and3A_1253 : i32 to vector<4x2048xi32>
      %and3A_1255 = arith.andi %xor3A_1252, %and3A_1254 : vector<4x2048xi32>
      %xor3A_1256 = arith.xori %convert_element_type3A_1245, %and3A_1255 : vector<4x2048xi32>
      %eq3A_1257 = arith.constant 1 : i32
      %eq3A_1258 = vector.broadcast %eq3A_1257 : i32 to vector<4x2048xi32>
      %eq3A_1259 = arith.cmpi eq, %xor3A_1256, %eq3A_1258 : vector<4x2048xi32>
      %select_n3A_1260 = arith.select %eq3A_1259, %select_n3A_1222, %select_n3A_1234 : vector<4x2048xi1>, vector<4x2048xi32>
      %select_n3A_1261 = arith.select %eq3A_1259, %select_n3A_1223, %select_n3A_1239 : vector<4x2048xi1>, vector<4x2048xi32>
      %and3A_1262 = arith.constant 8 : i32
      %and3A_1263 = vector.broadcast %and3A_1262 : i32 to vector<4x2048xi32>
      %and3A_1264 = arith.andi %iota3A, %and3A_1263 : vector<4x2048xi32>
      %eq3A_1265 = arith.constant 0 : i32
      %eq3A_1266 = vector.broadcast %eq3A_1265 : i32 to vector<4x2048xi32>
      %eq3A_1267 = arith.cmpi eq, %and3A_1264, %eq3A_1266 : vector<4x2048xi32>
      %roll3A_1268 = arith.constant 2040 : i32
      %roll3A_1269 = tpu.dynamic_rotate %select_n3A_1260 by %roll3A_1268 dim 1 : vector<4x2048xi32>, i32 -> vector<4x2048xi32>
      %roll3A_1270 = arith.constant 8 : i32
      %roll3A_1271 = tpu.dynamic_rotate %select_n3A_1260 by %roll3A_1270 dim 1 : vector<4x2048xi32>, i32 -> vector<4x2048xi32>
      %select_n3A_1272 = arith.select %eq3A_1267, %roll3A_1269, %roll3A_1271 : vector<4x2048xi1>, vector<4x2048xi32>
      %roll3A_1273 = arith.constant 2040 : i32
      %roll3A_1274 = tpu.dynamic_rotate %select_n3A_1261 by %roll3A_1273 dim 1 : vector<4x2048xi32>, i32 -> vector<4x2048xi32>
      %roll3A_1275 = arith.constant 8 : i32
      %roll3A_1276 = tpu.dynamic_rotate %select_n3A_1261 by %roll3A_1275 dim 1 : vector<4x2048xi32>, i32 -> vector<4x2048xi32>
      %select_n3A_1277 = arith.select %eq3A_1267, %roll3A_1274, %roll3A_1276 : vector<4x2048xi1>, vector<4x2048xi32>
      %gt3A_1278 = arith.cmpi sgt, %select_n3A_1260, %select_n3A_1272 : vector<4x2048xi32>
      %eq3A_1279 = arith.cmpi eq, %select_n3A_1260, %select_n3A_1272 : vector<4x2048xi32>
      %lt3A_1280 = arith.cmpi slt, %select_n3A_1261, %select_n3A_1277 : vector<4x2048xi32>
      %and3A_1281 = arith.andi %eq3A_1279, %lt3A_1280 : vector<4x2048xi1>
      %or3A_1282 = arith.ori %gt3A_1278, %and3A_1281 : vector<4x2048xi1>
      %convert_element_type3A_1283 = arith.extui %or3A_1282 : vector<4x2048xi1> to vector<4x2048xi32>
      %shift_right_arithmetic3A_1284 = arith.constant 3 : i32
      %shift_right_arithmetic3A_1285 = vector.broadcast %shift_right_arithmetic3A_1284 : i32 to vector<4x2048xi32>
      %shift_right_arithmetic3A_1286 = arith.shrsi %iota3A, %shift_right_arithmetic3A_1285 : vector<4x2048xi32>
      %shift_right_arithmetic3A_1287 = arith.constant 8 : i32
      %shift_right_arithmetic3A_1288 = vector.broadcast %shift_right_arithmetic3A_1287 : i32 to vector<4x2048xi32>
      %shift_right_arithmetic3A_1289 = arith.shrsi %iota3A, %shift_right_arithmetic3A_1288 : vector<4x2048xi32>
      %xor3A_1290 = arith.xori %shift_right_arithmetic3A_1286, %shift_right_arithmetic3A_1289 : vector<4x2048xi32>
      %and3A_1291 = arith.constant 1 : i32
      %and3A_1292 = vector.broadcast %and3A_1291 : i32 to vector<4x2048xi32>
      %and3A_1293 = arith.andi %xor3A_1290, %and3A_1292 : vector<4x2048xi32>
      %xor3A_1294 = arith.xori %convert_element_type3A_1283, %and3A_1293 : vector<4x2048xi32>
      %eq3A_1295 = arith.constant 1 : i32
      %eq3A_1296 = vector.broadcast %eq3A_1295 : i32 to vector<4x2048xi32>
      %eq3A_1297 = arith.cmpi eq, %xor3A_1294, %eq3A_1296 : vector<4x2048xi32>
      %select_n3A_1298 = arith.select %eq3A_1297, %select_n3A_1260, %select_n3A_1272 : vector<4x2048xi1>, vector<4x2048xi32>
      %select_n3A_1299 = arith.select %eq3A_1297, %select_n3A_1261, %select_n3A_1277 : vector<4x2048xi1>, vector<4x2048xi32>
      %and3A_1300 = arith.constant 4 : i32
      %and3A_1301 = vector.broadcast %and3A_1300 : i32 to vector<4x2048xi32>
      %and3A_1302 = arith.andi %iota3A, %and3A_1301 : vector<4x2048xi32>
      %eq3A_1303 = arith.constant 0 : i32
      %eq3A_1304 = vector.broadcast %eq3A_1303 : i32 to vector<4x2048xi32>
      %eq3A_1305 = arith.cmpi eq, %and3A_1302, %eq3A_1304 : vector<4x2048xi32>
      %roll3A_1306 = arith.constant 2044 : i32
      %roll3A_1307 = tpu.dynamic_rotate %select_n3A_1298 by %roll3A_1306 dim 1 : vector<4x2048xi32>, i32 -> vector<4x2048xi32>
      %roll3A_1308 = arith.constant 4 : i32
      %roll3A_1309 = tpu.dynamic_rotate %select_n3A_1298 by %roll3A_1308 dim 1 : vector<4x2048xi32>, i32 -> vector<4x2048xi32>
      %select_n3A_1310 = arith.select %eq3A_1305, %roll3A_1307, %roll3A_1309 : vector<4x2048xi1>, vector<4x2048xi32>
      %roll3A_1311 = arith.constant 2044 : i32
      %roll3A_1312 = tpu.dynamic_rotate %select_n3A_1299 by %roll3A_1311 dim 1 : vector<4x2048xi32>, i32 -> vector<4x2048xi32>
      %roll3A_1313 = arith.constant 4 : i32
      %roll3A_1314 = tpu.dynamic_rotate %select_n3A_1299 by %roll3A_1313 dim 1 : vector<4x2048xi32>, i32 -> vector<4x2048xi32>
      %select_n3A_1315 = arith.select %eq3A_1305, %roll3A_1312, %roll3A_1314 : vector<4x2048xi1>, vector<4x2048xi32>
      %gt3A_1316 = arith.cmpi sgt, %select_n3A_1298, %select_n3A_1310 : vector<4x2048xi32>
      %eq3A_1317 = arith.cmpi eq, %select_n3A_1298, %select_n3A_1310 : vector<4x2048xi32>
      %lt3A_1318 = arith.cmpi slt, %select_n3A_1299, %select_n3A_1315 : vector<4x2048xi32>
      %and3A_1319 = arith.andi %eq3A_1317, %lt3A_1318 : vector<4x2048xi1>
      %or3A_1320 = arith.ori %gt3A_1316, %and3A_1319 : vector<4x2048xi1>
      %convert_element_type3A_1321 = arith.extui %or3A_1320 : vector<4x2048xi1> to vector<4x2048xi32>
      %shift_right_arithmetic3A_1322 = arith.constant 2 : i32
      %shift_right_arithmetic3A_1323 = vector.broadcast %shift_right_arithmetic3A_1322 : i32 to vector<4x2048xi32>
      %shift_right_arithmetic3A_1324 = arith.shrsi %iota3A, %shift_right_arithmetic3A_1323 : vector<4x2048xi32>
      %shift_right_arithmetic3A_1325 = arith.constant 8 : i32
      %shift_right_arithmetic3A_1326 = vector.broadcast %shift_right_arithmetic3A_1325 : i32 to vector<4x2048xi32>
      %shift_right_arithmetic3A_1327 = arith.shrsi %iota3A, %shift_right_arithmetic3A_1326 : vector<4x2048xi32>
      %xor3A_1328 = arith.xori %shift_right_arithmetic3A_1324, %shift_right_arithmetic3A_1327 : vector<4x2048xi32>
      %and3A_1329 = arith.constant 1 : i32
      %and3A_1330 = vector.broadcast %and3A_1329 : i32 to vector<4x2048xi32>
      %and3A_1331 = arith.andi %xor3A_1328, %and3A_1330 : vector<4x2048xi32>
      %xor3A_1332 = arith.xori %convert_element_type3A_1321, %and3A_1331 : vector<4x2048xi32>
      %eq3A_1333 = arith.constant 1 : i32
      %eq3A_1334 = vector.broadcast %eq3A_1333 : i32 to vector<4x2048xi32>
      %eq3A_1335 = arith.cmpi eq, %xor3A_1332, %eq3A_1334 : vector<4x2048xi32>
      %select_n3A_1336 = arith.select %eq3A_1335, %select_n3A_1298, %select_n3A_1310 : vector<4x2048xi1>, vector<4x2048xi32>
      %select_n3A_1337 = arith.select %eq3A_1335, %select_n3A_1299, %select_n3A_1315 : vector<4x2048xi1>, vector<4x2048xi32>
      %and3A_1338 = arith.constant 2 : i32
      %and3A_1339 = vector.broadcast %and3A_1338 : i32 to vector<4x2048xi32>
      %and3A_1340 = arith.andi %iota3A, %and3A_1339 : vector<4x2048xi32>
      %eq3A_1341 = arith.constant 0 : i32
      %eq3A_1342 = vector.broadcast %eq3A_1341 : i32 to vector<4x2048xi32>
      %eq3A_1343 = arith.cmpi eq, %and3A_1340, %eq3A_1342 : vector<4x2048xi32>
      %roll3A_1344 = arith.constant 2046 : i32
      %roll3A_1345 = tpu.dynamic_rotate %select_n3A_1336 by %roll3A_1344 dim 1 : vector<4x2048xi32>, i32 -> vector<4x2048xi32>
      %roll3A_1346 = arith.constant 2 : i32
      %roll3A_1347 = tpu.dynamic_rotate %select_n3A_1336 by %roll3A_1346 dim 1 : vector<4x2048xi32>, i32 -> vector<4x2048xi32>
      %select_n3A_1348 = arith.select %eq3A_1343, %roll3A_1345, %roll3A_1347 : vector<4x2048xi1>, vector<4x2048xi32>
      %roll3A_1349 = arith.constant 2046 : i32
      %roll3A_1350 = tpu.dynamic_rotate %select_n3A_1337 by %roll3A_1349 dim 1 : vector<4x2048xi32>, i32 -> vector<4x2048xi32>
      %roll3A_1351 = arith.constant 2 : i32
      %roll3A_1352 = tpu.dynamic_rotate %select_n3A_1337 by %roll3A_1351 dim 1 : vector<4x2048xi32>, i32 -> vector<4x2048xi32>
      %select_n3A_1353 = arith.select %eq3A_1343, %roll3A_1350, %roll3A_1352 : vector<4x2048xi1>, vector<4x2048xi32>
      %gt3A_1354 = arith.cmpi sgt, %select_n3A_1336, %select_n3A_1348 : vector<4x2048xi32>
      %eq3A_1355 = arith.cmpi eq, %select_n3A_1336, %select_n3A_1348 : vector<4x2048xi32>
      %lt3A_1356 = arith.cmpi slt, %select_n3A_1337, %select_n3A_1353 : vector<4x2048xi32>
      %and3A_1357 = arith.andi %eq3A_1355, %lt3A_1356 : vector<4x2048xi1>
      %or3A_1358 = arith.ori %gt3A_1354, %and3A_1357 : vector<4x2048xi1>
      %convert_element_type3A_1359 = arith.extui %or3A_1358 : vector<4x2048xi1> to vector<4x2048xi32>
      %shift_right_arithmetic3A_1360 = arith.constant 1 : i32
      %shift_right_arithmetic3A_1361 = vector.broadcast %shift_right_arithmetic3A_1360 : i32 to vector<4x2048xi32>
      %shift_right_arithmetic3A_1362 = arith.shrsi %iota3A, %shift_right_arithmetic3A_1361 : vector<4x2048xi32>
      %shift_right_arithmetic3A_1363 = arith.constant 8 : i32
      %shift_right_arithmetic3A_1364 = vector.broadcast %shift_right_arithmetic3A_1363 : i32 to vector<4x2048xi32>
      %shift_right_arithmetic3A_1365 = arith.shrsi %iota3A, %shift_right_arithmetic3A_1364 : vector<4x2048xi32>
      %xor3A_1366 = arith.xori %shift_right_arithmetic3A_1362, %shift_right_arithmetic3A_1365 : vector<4x2048xi32>
      %and3A_1367 = arith.constant 1 : i32
      %and3A_1368 = vector.broadcast %and3A_1367 : i32 to vector<4x2048xi32>
      %and3A_1369 = arith.andi %xor3A_1366, %and3A_1368 : vector<4x2048xi32>
      %xor3A_1370 = arith.xori %convert_element_type3A_1359, %and3A_1369 : vector<4x2048xi32>
      %eq3A_1371 = arith.constant 1 : i32
      %eq3A_1372 = vector.broadcast %eq3A_1371 : i32 to vector<4x2048xi32>
      %eq3A_1373 = arith.cmpi eq, %xor3A_1370, %eq3A_1372 : vector<4x2048xi32>
      %select_n3A_1374 = arith.select %eq3A_1373, %select_n3A_1336, %select_n3A_1348 : vector<4x2048xi1>, vector<4x2048xi32>
      %select_n3A_1375 = arith.select %eq3A_1373, %select_n3A_1337, %select_n3A_1353 : vector<4x2048xi1>, vector<4x2048xi32>
      %and3A_1376 = arith.constant 1 : i32
      %and3A_1377 = vector.broadcast %and3A_1376 : i32 to vector<4x2048xi32>
      %and3A_1378 = arith.andi %iota3A, %and3A_1377 : vector<4x2048xi32>
      %eq3A_1379 = arith.constant 0 : i32
      %eq3A_1380 = vector.broadcast %eq3A_1379 : i32 to vector<4x2048xi32>
      %eq3A_1381 = arith.cmpi eq, %and3A_1378, %eq3A_1380 : vector<4x2048xi32>
      %roll3A_1382 = arith.constant 2047 : i32
      %roll3A_1383 = tpu.dynamic_rotate %select_n3A_1374 by %roll3A_1382 dim 1 : vector<4x2048xi32>, i32 -> vector<4x2048xi32>
      %roll3A_1384 = arith.constant 1 : i32
      %roll3A_1385 = tpu.dynamic_rotate %select_n3A_1374 by %roll3A_1384 dim 1 : vector<4x2048xi32>, i32 -> vector<4x2048xi32>
      %select_n3A_1386 = arith.select %eq3A_1381, %roll3A_1383, %roll3A_1385 : vector<4x2048xi1>, vector<4x2048xi32>
      %roll3A_1387 = arith.constant 2047 : i32
      %roll3A_1388 = tpu.dynamic_rotate %select_n3A_1375 by %roll3A_1387 dim 1 : vector<4x2048xi32>, i32 -> vector<4x2048xi32>
      %roll3A_1389 = arith.constant 1 : i32
      %roll3A_1390 = tpu.dynamic_rotate %select_n3A_1375 by %roll3A_1389 dim 1 : vector<4x2048xi32>, i32 -> vector<4x2048xi32>
      %select_n3A_1391 = arith.select %eq3A_1381, %roll3A_1388, %roll3A_1390 : vector<4x2048xi1>, vector<4x2048xi32>
      %gt3A_1392 = arith.cmpi sgt, %select_n3A_1374, %select_n3A_1386 : vector<4x2048xi32>
      %eq3A_1393 = arith.cmpi eq, %select_n3A_1374, %select_n3A_1386 : vector<4x2048xi32>
      %lt3A_1394 = arith.cmpi slt, %select_n3A_1375, %select_n3A_1391 : vector<4x2048xi32>
      %and3A_1395 = arith.andi %eq3A_1393, %lt3A_1394 : vector<4x2048xi1>
      %or3A_1396 = arith.ori %gt3A_1392, %and3A_1395 : vector<4x2048xi1>
      %convert_element_type3A_1397 = arith.extui %or3A_1396 : vector<4x2048xi1> to vector<4x2048xi32>
      %shift_right_arithmetic3A_1398 = arith.constant 0 : i32
      %shift_right_arithmetic3A_1399 = vector.broadcast %shift_right_arithmetic3A_1398 : i32 to vector<4x2048xi32>
      %shift_right_arithmetic3A_1400 = arith.shrsi %iota3A, %shift_right_arithmetic3A_1399 : vector<4x2048xi32>
      %shift_right_arithmetic3A_1401 = arith.constant 8 : i32
      %shift_right_arithmetic3A_1402 = vector.broadcast %shift_right_arithmetic3A_1401 : i32 to vector<4x2048xi32>
      %shift_right_arithmetic3A_1403 = arith.shrsi %iota3A, %shift_right_arithmetic3A_1402 : vector<4x2048xi32>
      %xor3A_1404 = arith.xori %shift_right_arithmetic3A_1400, %shift_right_arithmetic3A_1403 : vector<4x2048xi32>
      %and3A_1405 = arith.constant 1 : i32
      %and3A_1406 = vector.broadcast %and3A_1405 : i32 to vector<4x2048xi32>
      %and3A_1407 = arith.andi %xor3A_1404, %and3A_1406 : vector<4x2048xi32>
      %xor3A_1408 = arith.xori %convert_element_type3A_1397, %and3A_1407 : vector<4x2048xi32>
      %eq3A_1409 = arith.constant 1 : i32
      %eq3A_1410 = vector.broadcast %eq3A_1409 : i32 to vector<4x2048xi32>
      %eq3A_1411 = arith.cmpi eq, %xor3A_1408, %eq3A_1410 : vector<4x2048xi32>
      %select_n3A_1412 = arith.select %eq3A_1411, %select_n3A_1374, %select_n3A_1386 : vector<4x2048xi1>, vector<4x2048xi32>
      %select_n3A_1413 = arith.select %eq3A_1411, %select_n3A_1375, %select_n3A_1391 : vector<4x2048xi1>, vector<4x2048xi32>
      %and3A_1414 = arith.constant 256 : i32
      %and3A_1415 = vector.broadcast %and3A_1414 : i32 to vector<4x2048xi32>
      %and3A_1416 = arith.andi %iota3A, %and3A_1415 : vector<4x2048xi32>
      %eq3A_1417 = arith.constant 0 : i32
      %eq3A_1418 = vector.broadcast %eq3A_1417 : i32 to vector<4x2048xi32>
      %eq3A_1419 = arith.cmpi eq, %and3A_1416, %eq3A_1418 : vector<4x2048xi32>
      %roll3A_1420 = arith.constant 1792 : i32
      %roll3A_1421 = tpu.dynamic_rotate %select_n3A_1412 by %roll3A_1420 dim 1 : vector<4x2048xi32>, i32 -> vector<4x2048xi32>
      %roll3A_1422 = arith.constant 256 : i32
      %roll3A_1423 = tpu.dynamic_rotate %select_n3A_1412 by %roll3A_1422 dim 1 : vector<4x2048xi32>, i32 -> vector<4x2048xi32>
      %select_n3A_1424 = arith.select %eq3A_1419, %roll3A_1421, %roll3A_1423 : vector<4x2048xi1>, vector<4x2048xi32>
      %roll3A_1425 = arith.constant 1792 : i32
      %roll3A_1426 = tpu.dynamic_rotate %select_n3A_1413 by %roll3A_1425 dim 1 : vector<4x2048xi32>, i32 -> vector<4x2048xi32>
      %roll3A_1427 = arith.constant 256 : i32
      %roll3A_1428 = tpu.dynamic_rotate %select_n3A_1413 by %roll3A_1427 dim 1 : vector<4x2048xi32>, i32 -> vector<4x2048xi32>
      %select_n3A_1429 = arith.select %eq3A_1419, %roll3A_1426, %roll3A_1428 : vector<4x2048xi1>, vector<4x2048xi32>
      %gt3A_1430 = arith.cmpi sgt, %select_n3A_1412, %select_n3A_1424 : vector<4x2048xi32>
      %eq3A_1431 = arith.cmpi eq, %select_n3A_1412, %select_n3A_1424 : vector<4x2048xi32>
      %lt3A_1432 = arith.cmpi slt, %select_n3A_1413, %select_n3A_1429 : vector<4x2048xi32>
      %and3A_1433 = arith.andi %eq3A_1431, %lt3A_1432 : vector<4x2048xi1>
      %or3A_1434 = arith.ori %gt3A_1430, %and3A_1433 : vector<4x2048xi1>
      %convert_element_type3A_1435 = arith.extui %or3A_1434 : vector<4x2048xi1> to vector<4x2048xi32>
      %shift_right_arithmetic3A_1436 = arith.constant 8 : i32
      %shift_right_arithmetic3A_1437 = vector.broadcast %shift_right_arithmetic3A_1436 : i32 to vector<4x2048xi32>
      %shift_right_arithmetic3A_1438 = arith.shrsi %iota3A, %shift_right_arithmetic3A_1437 : vector<4x2048xi32>
      %shift_right_arithmetic3A_1439 = arith.constant 9 : i32
      %shift_right_arithmetic3A_1440 = vector.broadcast %shift_right_arithmetic3A_1439 : i32 to vector<4x2048xi32>
      %shift_right_arithmetic3A_1441 = arith.shrsi %iota3A, %shift_right_arithmetic3A_1440 : vector<4x2048xi32>
      %xor3A_1442 = arith.xori %shift_right_arithmetic3A_1438, %shift_right_arithmetic3A_1441 : vector<4x2048xi32>
      %and3A_1443 = arith.constant 1 : i32
      %and3A_1444 = vector.broadcast %and3A_1443 : i32 to vector<4x2048xi32>
      %and3A_1445 = arith.andi %xor3A_1442, %and3A_1444 : vector<4x2048xi32>
      %xor3A_1446 = arith.xori %convert_element_type3A_1435, %and3A_1445 : vector<4x2048xi32>
      %eq3A_1447 = arith.constant 1 : i32
      %eq3A_1448 = vector.broadcast %eq3A_1447 : i32 to vector<4x2048xi32>
      %eq3A_1449 = arith.cmpi eq, %xor3A_1446, %eq3A_1448 : vector<4x2048xi32>
      %select_n3A_1450 = arith.select %eq3A_1449, %select_n3A_1412, %select_n3A_1424 : vector<4x2048xi1>, vector<4x2048xi32>
      %select_n3A_1451 = arith.select %eq3A_1449, %select_n3A_1413, %select_n3A_1429 : vector<4x2048xi1>, vector<4x2048xi32>
      %and3A_1452 = arith.constant 128 : i32
      %and3A_1453 = vector.broadcast %and3A_1452 : i32 to vector<4x2048xi32>
      %and3A_1454 = arith.andi %iota3A, %and3A_1453 : vector<4x2048xi32>
      %eq3A_1455 = arith.constant 0 : i32
      %eq3A_1456 = vector.broadcast %eq3A_1455 : i32 to vector<4x2048xi32>
      %eq3A_1457 = arith.cmpi eq, %and3A_1454, %eq3A_1456 : vector<4x2048xi32>
      %roll3A_1458 = arith.constant 1920 : i32
      %roll3A_1459 = tpu.dynamic_rotate %select_n3A_1450 by %roll3A_1458 dim 1 : vector<4x2048xi32>, i32 -> vector<4x2048xi32>
      %roll3A_1460 = arith.constant 128 : i32
      %roll3A_1461 = tpu.dynamic_rotate %select_n3A_1450 by %roll3A_1460 dim 1 : vector<4x2048xi32>, i32 -> vector<4x2048xi32>
      %select_n3A_1462 = arith.select %eq3A_1457, %roll3A_1459, %roll3A_1461 : vector<4x2048xi1>, vector<4x2048xi32>
      %roll3A_1463 = arith.constant 1920 : i32
      %roll3A_1464 = tpu.dynamic_rotate %select_n3A_1451 by %roll3A_1463 dim 1 : vector<4x2048xi32>, i32 -> vector<4x2048xi32>
      %roll3A_1465 = arith.constant 128 : i32
      %roll3A_1466 = tpu.dynamic_rotate %select_n3A_1451 by %roll3A_1465 dim 1 : vector<4x2048xi32>, i32 -> vector<4x2048xi32>
      %select_n3A_1467 = arith.select %eq3A_1457, %roll3A_1464, %roll3A_1466 : vector<4x2048xi1>, vector<4x2048xi32>
      %gt3A_1468 = arith.cmpi sgt, %select_n3A_1450, %select_n3A_1462 : vector<4x2048xi32>
      %eq3A_1469 = arith.cmpi eq, %select_n3A_1450, %select_n3A_1462 : vector<4x2048xi32>
      %lt3A_1470 = arith.cmpi slt, %select_n3A_1451, %select_n3A_1467 : vector<4x2048xi32>
      %and3A_1471 = arith.andi %eq3A_1469, %lt3A_1470 : vector<4x2048xi1>
      %or3A_1472 = arith.ori %gt3A_1468, %and3A_1471 : vector<4x2048xi1>
      %convert_element_type3A_1473 = arith.extui %or3A_1472 : vector<4x2048xi1> to vector<4x2048xi32>
      %shift_right_arithmetic3A_1474 = arith.constant 7 : i32
      %shift_right_arithmetic3A_1475 = vector.broadcast %shift_right_arithmetic3A_1474 : i32 to vector<4x2048xi32>
      %shift_right_arithmetic3A_1476 = arith.shrsi %iota3A, %shift_right_arithmetic3A_1475 : vector<4x2048xi32>
      %shift_right_arithmetic3A_1477 = arith.constant 9 : i32
      %shift_right_arithmetic3A_1478 = vector.broadcast %shift_right_arithmetic3A_1477 : i32 to vector<4x2048xi32>
      %shift_right_arithmetic3A_1479 = arith.shrsi %iota3A, %shift_right_arithmetic3A_1478 : vector<4x2048xi32>
      %xor3A_1480 = arith.xori %shift_right_arithmetic3A_1476, %shift_right_arithmetic3A_1479 : vector<4x2048xi32>
      %and3A_1481 = arith.constant 1 : i32
      %and3A_1482 = vector.broadcast %and3A_1481 : i32 to vector<4x2048xi32>
      %and3A_1483 = arith.andi %xor3A_1480, %and3A_1482 : vector<4x2048xi32>
      %xor3A_1484 = arith.xori %convert_element_type3A_1473, %and3A_1483 : vector<4x2048xi32>
      %eq3A_1485 = arith.constant 1 : i32
      %eq3A_1486 = vector.broadcast %eq3A_1485 : i32 to vector<4x2048xi32>
      %eq3A_1487 = arith.cmpi eq, %xor3A_1484, %eq3A_1486 : vector<4x2048xi32>
      %select_n3A_1488 = arith.select %eq3A_1487, %select_n3A_1450, %select_n3A_1462 : vector<4x2048xi1>, vector<4x2048xi32>
      %select_n3A_1489 = arith.select %eq3A_1487, %select_n3A_1451, %select_n3A_1467 : vector<4x2048xi1>, vector<4x2048xi32>
      %and3A_1490 = arith.constant 64 : i32
      %and3A_1491 = vector.broadcast %and3A_1490 : i32 to vector<4x2048xi32>
      %and3A_1492 = arith.andi %iota3A, %and3A_1491 : vector<4x2048xi32>
      %eq3A_1493 = arith.constant 0 : i32
      %eq3A_1494 = vector.broadcast %eq3A_1493 : i32 to vector<4x2048xi32>
      %eq3A_1495 = arith.cmpi eq, %and3A_1492, %eq3A_1494 : vector<4x2048xi32>
      %roll3A_1496 = arith.constant 1984 : i32
      %roll3A_1497 = tpu.dynamic_rotate %select_n3A_1488 by %roll3A_1496 dim 1 : vector<4x2048xi32>, i32 -> vector<4x2048xi32>
      %roll3A_1498 = arith.constant 64 : i32
      %roll3A_1499 = tpu.dynamic_rotate %select_n3A_1488 by %roll3A_1498 dim 1 : vector<4x2048xi32>, i32 -> vector<4x2048xi32>
      %select_n3A_1500 = arith.select %eq3A_1495, %roll3A_1497, %roll3A_1499 : vector<4x2048xi1>, vector<4x2048xi32>
      %roll3A_1501 = arith.constant 1984 : i32
      %roll3A_1502 = tpu.dynamic_rotate %select_n3A_1489 by %roll3A_1501 dim 1 : vector<4x2048xi32>, i32 -> vector<4x2048xi32>
      %roll3A_1503 = arith.constant 64 : i32
      %roll3A_1504 = tpu.dynamic_rotate %select_n3A_1489 by %roll3A_1503 dim 1 : vector<4x2048xi32>, i32 -> vector<4x2048xi32>
      %select_n3A_1505 = arith.select %eq3A_1495, %roll3A_1502, %roll3A_1504 : vector<4x2048xi1>, vector<4x2048xi32>
      %gt3A_1506 = arith.cmpi sgt, %select_n3A_1488, %select_n3A_1500 : vector<4x2048xi32>
      %eq3A_1507 = arith.cmpi eq, %select_n3A_1488, %select_n3A_1500 : vector<4x2048xi32>
      %lt3A_1508 = arith.cmpi slt, %select_n3A_1489, %select_n3A_1505 : vector<4x2048xi32>
      %and3A_1509 = arith.andi %eq3A_1507, %lt3A_1508 : vector<4x2048xi1>
      %or3A_1510 = arith.ori %gt3A_1506, %and3A_1509 : vector<4x2048xi1>
      %convert_element_type3A_1511 = arith.extui %or3A_1510 : vector<4x2048xi1> to vector<4x2048xi32>
      %shift_right_arithmetic3A_1512 = arith.constant 6 : i32
      %shift_right_arithmetic3A_1513 = vector.broadcast %shift_right_arithmetic3A_1512 : i32 to vector<4x2048xi32>
      %shift_right_arithmetic3A_1514 = arith.shrsi %iota3A, %shift_right_arithmetic3A_1513 : vector<4x2048xi32>
      %shift_right_arithmetic3A_1515 = arith.constant 9 : i32
      %shift_right_arithmetic3A_1516 = vector.broadcast %shift_right_arithmetic3A_1515 : i32 to vector<4x2048xi32>
      %shift_right_arithmetic3A_1517 = arith.shrsi %iota3A, %shift_right_arithmetic3A_1516 : vector<4x2048xi32>
      %xor3A_1518 = arith.xori %shift_right_arithmetic3A_1514, %shift_right_arithmetic3A_1517 : vector<4x2048xi32>
      %and3A_1519 = arith.constant 1 : i32
      %and3A_1520 = vector.broadcast %and3A_1519 : i32 to vector<4x2048xi32>
      %and3A_1521 = arith.andi %xor3A_1518, %and3A_1520 : vector<4x2048xi32>
      %xor3A_1522 = arith.xori %convert_element_type3A_1511, %and3A_1521 : vector<4x2048xi32>
      %eq3A_1523 = arith.constant 1 : i32
      %eq3A_1524 = vector.broadcast %eq3A_1523 : i32 to vector<4x2048xi32>
      %eq3A_1525 = arith.cmpi eq, %xor3A_1522, %eq3A_1524 : vector<4x2048xi32>
      %select_n3A_1526 = arith.select %eq3A_1525, %select_n3A_1488, %select_n3A_1500 : vector<4x2048xi1>, vector<4x2048xi32>
      %select_n3A_1527 = arith.select %eq3A_1525, %select_n3A_1489, %select_n3A_1505 : vector<4x2048xi1>, vector<4x2048xi32>
      %and3A_1528 = arith.constant 32 : i32
      %and3A_1529 = vector.broadcast %and3A_1528 : i32 to vector<4x2048xi32>
      %and3A_1530 = arith.andi %iota3A, %and3A_1529 : vector<4x2048xi32>
      %eq3A_1531 = arith.constant 0 : i32
      %eq3A_1532 = vector.broadcast %eq3A_1531 : i32 to vector<4x2048xi32>
      %eq3A_1533 = arith.cmpi eq, %and3A_1530, %eq3A_1532 : vector<4x2048xi32>
      %roll3A_1534 = arith.constant 2016 : i32
      %roll3A_1535 = tpu.dynamic_rotate %select_n3A_1526 by %roll3A_1534 dim 1 : vector<4x2048xi32>, i32 -> vector<4x2048xi32>
      %roll3A_1536 = arith.constant 32 : i32
      %roll3A_1537 = tpu.dynamic_rotate %select_n3A_1526 by %roll3A_1536 dim 1 : vector<4x2048xi32>, i32 -> vector<4x2048xi32>
      %select_n3A_1538 = arith.select %eq3A_1533, %roll3A_1535, %roll3A_1537 : vector<4x2048xi1>, vector<4x2048xi32>
      %roll3A_1539 = arith.constant 2016 : i32
      %roll3A_1540 = tpu.dynamic_rotate %select_n3A_1527 by %roll3A_1539 dim 1 : vector<4x2048xi32>, i32 -> vector<4x2048xi32>
      %roll3A_1541 = arith.constant 32 : i32
      %roll3A_1542 = tpu.dynamic_rotate %select_n3A_1527 by %roll3A_1541 dim 1 : vector<4x2048xi32>, i32 -> vector<4x2048xi32>
      %select_n3A_1543 = arith.select %eq3A_1533, %roll3A_1540, %roll3A_1542 : vector<4x2048xi1>, vector<4x2048xi32>
      %gt3A_1544 = arith.cmpi sgt, %select_n3A_1526, %select_n3A_1538 : vector<4x2048xi32>
      %eq3A_1545 = arith.cmpi eq, %select_n3A_1526, %select_n3A_1538 : vector<4x2048xi32>
      %lt3A_1546 = arith.cmpi slt, %select_n3A_1527, %select_n3A_1543 : vector<4x2048xi32>
      %and3A_1547 = arith.andi %eq3A_1545, %lt3A_1546 : vector<4x2048xi1>
      %or3A_1548 = arith.ori %gt3A_1544, %and3A_1547 : vector<4x2048xi1>
      %convert_element_type3A_1549 = arith.extui %or3A_1548 : vector<4x2048xi1> to vector<4x2048xi32>
      %shift_right_arithmetic3A_1550 = arith.constant 5 : i32
      %shift_right_arithmetic3A_1551 = vector.broadcast %shift_right_arithmetic3A_1550 : i32 to vector<4x2048xi32>
      %shift_right_arithmetic3A_1552 = arith.shrsi %iota3A, %shift_right_arithmetic3A_1551 : vector<4x2048xi32>
      %shift_right_arithmetic3A_1553 = arith.constant 9 : i32
      %shift_right_arithmetic3A_1554 = vector.broadcast %shift_right_arithmetic3A_1553 : i32 to vector<4x2048xi32>
      %shift_right_arithmetic3A_1555 = arith.shrsi %iota3A, %shift_right_arithmetic3A_1554 : vector<4x2048xi32>
      %xor3A_1556 = arith.xori %shift_right_arithmetic3A_1552, %shift_right_arithmetic3A_1555 : vector<4x2048xi32>
      %and3A_1557 = arith.constant 1 : i32
      %and3A_1558 = vector.broadcast %and3A_1557 : i32 to vector<4x2048xi32>
      %and3A_1559 = arith.andi %xor3A_1556, %and3A_1558 : vector<4x2048xi32>
      %xor3A_1560 = arith.xori %convert_element_type3A_1549, %and3A_1559 : vector<4x2048xi32>
      %eq3A_1561 = arith.constant 1 : i32
      %eq3A_1562 = vector.broadcast %eq3A_1561 : i32 to vector<4x2048xi32>
      %eq3A_1563 = arith.cmpi eq, %xor3A_1560, %eq3A_1562 : vector<4x2048xi32>
      %select_n3A_1564 = arith.select %eq3A_1563, %select_n3A_1526, %select_n3A_1538 : vector<4x2048xi1>, vector<4x2048xi32>
      %select_n3A_1565 = arith.select %eq3A_1563, %select_n3A_1527, %select_n3A_1543 : vector<4x2048xi1>, vector<4x2048xi32>
      %and3A_1566 = arith.constant 16 : i32
      %and3A_1567 = vector.broadcast %and3A_1566 : i32 to vector<4x2048xi32>
      %and3A_1568 = arith.andi %iota3A, %and3A_1567 : vector<4x2048xi32>
      %eq3A_1569 = arith.constant 0 : i32
      %eq3A_1570 = vector.broadcast %eq3A_1569 : i32 to vector<4x2048xi32>
      %eq3A_1571 = arith.cmpi eq, %and3A_1568, %eq3A_1570 : vector<4x2048xi32>
      %roll3A_1572 = arith.constant 2032 : i32
      %roll3A_1573 = tpu.dynamic_rotate %select_n3A_1564 by %roll3A_1572 dim 1 : vector<4x2048xi32>, i32 -> vector<4x2048xi32>
      %roll3A_1574 = arith.constant 16 : i32
      %roll3A_1575 = tpu.dynamic_rotate %select_n3A_1564 by %roll3A_1574 dim 1 : vector<4x2048xi32>, i32 -> vector<4x2048xi32>
      %select_n3A_1576 = arith.select %eq3A_1571, %roll3A_1573, %roll3A_1575 : vector<4x2048xi1>, vector<4x2048xi32>
      %roll3A_1577 = arith.constant 2032 : i32
      %roll3A_1578 = tpu.dynamic_rotate %select_n3A_1565 by %roll3A_1577 dim 1 : vector<4x2048xi32>, i32 -> vector<4x2048xi32>
      %roll3A_1579 = arith.constant 16 : i32
      %roll3A_1580 = tpu.dynamic_rotate %select_n3A_1565 by %roll3A_1579 dim 1 : vector<4x2048xi32>, i32 -> vector<4x2048xi32>
      %select_n3A_1581 = arith.select %eq3A_1571, %roll3A_1578, %roll3A_1580 : vector<4x2048xi1>, vector<4x2048xi32>
      %gt3A_1582 = arith.cmpi sgt, %select_n3A_1564, %select_n3A_1576 : vector<4x2048xi32>
      %eq3A_1583 = arith.cmpi eq, %select_n3A_1564, %select_n3A_1576 : vector<4x2048xi32>
      %lt3A_1584 = arith.cmpi slt, %select_n3A_1565, %select_n3A_1581 : vector<4x2048xi32>
      %and3A_1585 = arith.andi %eq3A_1583, %lt3A_1584 : vector<4x2048xi1>
      %or3A_1586 = arith.ori %gt3A_1582, %and3A_1585 : vector<4x2048xi1>
      %convert_element_type3A_1587 = arith.extui %or3A_1586 : vector<4x2048xi1> to vector<4x2048xi32>
      %shift_right_arithmetic3A_1588 = arith.constant 4 : i32
      %shift_right_arithmetic3A_1589 = vector.broadcast %shift_right_arithmetic3A_1588 : i32 to vector<4x2048xi32>
      %shift_right_arithmetic3A_1590 = arith.shrsi %iota3A, %shift_right_arithmetic3A_1589 : vector<4x2048xi32>
      %shift_right_arithmetic3A_1591 = arith.constant 9 : i32
      %shift_right_arithmetic3A_1592 = vector.broadcast %shift_right_arithmetic3A_1591 : i32 to vector<4x2048xi32>
      %shift_right_arithmetic3A_1593 = arith.shrsi %iota3A, %shift_right_arithmetic3A_1592 : vector<4x2048xi32>
      %xor3A_1594 = arith.xori %shift_right_arithmetic3A_1590, %shift_right_arithmetic3A_1593 : vector<4x2048xi32>
      %and3A_1595 = arith.constant 1 : i32
      %and3A_1596 = vector.broadcast %and3A_1595 : i32 to vector<4x2048xi32>
      %and3A_1597 = arith.andi %xor3A_1594, %and3A_1596 : vector<4x2048xi32>
      %xor3A_1598 = arith.xori %convert_element_type3A_1587, %and3A_1597 : vector<4x2048xi32>
      %eq3A_1599 = arith.constant 1 : i32
      %eq3A_1600 = vector.broadcast %eq3A_1599 : i32 to vector<4x2048xi32>
      %eq3A_1601 = arith.cmpi eq, %xor3A_1598, %eq3A_1600 : vector<4x2048xi32>
      %select_n3A_1602 = arith.select %eq3A_1601, %select_n3A_1564, %select_n3A_1576 : vector<4x2048xi1>, vector<4x2048xi32>
      %select_n3A_1603 = arith.select %eq3A_1601, %select_n3A_1565, %select_n3A_1581 : vector<4x2048xi1>, vector<4x2048xi32>
      %and3A_1604 = arith.constant 8 : i32
      %and3A_1605 = vector.broadcast %and3A_1604 : i32 to vector<4x2048xi32>
      %and3A_1606 = arith.andi %iota3A, %and3A_1605 : vector<4x2048xi32>
      %eq3A_1607 = arith.constant 0 : i32
      %eq3A_1608 = vector.broadcast %eq3A_1607 : i32 to vector<4x2048xi32>
      %eq3A_1609 = arith.cmpi eq, %and3A_1606, %eq3A_1608 : vector<4x2048xi32>
      %roll3A_1610 = arith.constant 2040 : i32
      %roll3A_1611 = tpu.dynamic_rotate %select_n3A_1602 by %roll3A_1610 dim 1 : vector<4x2048xi32>, i32 -> vector<4x2048xi32>
      %roll3A_1612 = arith.constant 8 : i32
      %roll3A_1613 = tpu.dynamic_rotate %select_n3A_1602 by %roll3A_1612 dim 1 : vector<4x2048xi32>, i32 -> vector<4x2048xi32>
      %select_n3A_1614 = arith.select %eq3A_1609, %roll3A_1611, %roll3A_1613 : vector<4x2048xi1>, vector<4x2048xi32>
      %roll3A_1615 = arith.constant 2040 : i32
      %roll3A_1616 = tpu.dynamic_rotate %select_n3A_1603 by %roll3A_1615 dim 1 : vector<4x2048xi32>, i32 -> vector<4x2048xi32>
      %roll3A_1617 = arith.constant 8 : i32
      %roll3A_1618 = tpu.dynamic_rotate %select_n3A_1603 by %roll3A_1617 dim 1 : vector<4x2048xi32>, i32 -> vector<4x2048xi32>
      %select_n3A_1619 = arith.select %eq3A_1609, %roll3A_1616, %roll3A_1618 : vector<4x2048xi1>, vector<4x2048xi32>
      %gt3A_1620 = arith.cmpi sgt, %select_n3A_1602, %select_n3A_1614 : vector<4x2048xi32>
      %eq3A_1621 = arith.cmpi eq, %select_n3A_1602, %select_n3A_1614 : vector<4x2048xi32>
      %lt3A_1622 = arith.cmpi slt, %select_n3A_1603, %select_n3A_1619 : vector<4x2048xi32>
      %and3A_1623 = arith.andi %eq3A_1621, %lt3A_1622 : vector<4x2048xi1>
      %or3A_1624 = arith.ori %gt3A_1620, %and3A_1623 : vector<4x2048xi1>
      %convert_element_type3A_1625 = arith.extui %or3A_1624 : vector<4x2048xi1> to vector<4x2048xi32>
      %shift_right_arithmetic3A_1626 = arith.constant 3 : i32
      %shift_right_arithmetic3A_1627 = vector.broadcast %shift_right_arithmetic3A_1626 : i32 to vector<4x2048xi32>
      %shift_right_arithmetic3A_1628 = arith.shrsi %iota3A, %shift_right_arithmetic3A_1627 : vector<4x2048xi32>
      %shift_right_arithmetic3A_1629 = arith.constant 9 : i32
      %shift_right_arithmetic3A_1630 = vector.broadcast %shift_right_arithmetic3A_1629 : i32 to vector<4x2048xi32>
      %shift_right_arithmetic3A_1631 = arith.shrsi %iota3A, %shift_right_arithmetic3A_1630 : vector<4x2048xi32>
      %xor3A_1632 = arith.xori %shift_right_arithmetic3A_1628, %shift_right_arithmetic3A_1631 : vector<4x2048xi32>
      %and3A_1633 = arith.constant 1 : i32
      %and3A_1634 = vector.broadcast %and3A_1633 : i32 to vector<4x2048xi32>
      %and3A_1635 = arith.andi %xor3A_1632, %and3A_1634 : vector<4x2048xi32>
      %xor3A_1636 = arith.xori %convert_element_type3A_1625, %and3A_1635 : vector<4x2048xi32>
      %eq3A_1637 = arith.constant 1 : i32
      %eq3A_1638 = vector.broadcast %eq3A_1637 : i32 to vector<4x2048xi32>
      %eq3A_1639 = arith.cmpi eq, %xor3A_1636, %eq3A_1638 : vector<4x2048xi32>
      %select_n3A_1640 = arith.select %eq3A_1639, %select_n3A_1602, %select_n3A_1614 : vector<4x2048xi1>, vector<4x2048xi32>
      %select_n3A_1641 = arith.select %eq3A_1639, %select_n3A_1603, %select_n3A_1619 : vector<4x2048xi1>, vector<4x2048xi32>
      %and3A_1642 = arith.constant 4 : i32
      %and3A_1643 = vector.broadcast %and3A_1642 : i32 to vector<4x2048xi32>
      %and3A_1644 = arith.andi %iota3A, %and3A_1643 : vector<4x2048xi32>
      %eq3A_1645 = arith.constant 0 : i32
      %eq3A_1646 = vector.broadcast %eq3A_1645 : i32 to vector<4x2048xi32>
      %eq3A_1647 = arith.cmpi eq, %and3A_1644, %eq3A_1646 : vector<4x2048xi32>
      %roll3A_1648 = arith.constant 2044 : i32
      %roll3A_1649 = tpu.dynamic_rotate %select_n3A_1640 by %roll3A_1648 dim 1 : vector<4x2048xi32>, i32 -> vector<4x2048xi32>
      %roll3A_1650 = arith.constant 4 : i32
      %roll3A_1651 = tpu.dynamic_rotate %select_n3A_1640 by %roll3A_1650 dim 1 : vector<4x2048xi32>, i32 -> vector<4x2048xi32>
      %select_n3A_1652 = arith.select %eq3A_1647, %roll3A_1649, %roll3A_1651 : vector<4x2048xi1>, vector<4x2048xi32>
      %roll3A_1653 = arith.constant 2044 : i32
      %roll3A_1654 = tpu.dynamic_rotate %select_n3A_1641 by %roll3A_1653 dim 1 : vector<4x2048xi32>, i32 -> vector<4x2048xi32>
      %roll3A_1655 = arith.constant 4 : i32
      %roll3A_1656 = tpu.dynamic_rotate %select_n3A_1641 by %roll3A_1655 dim 1 : vector<4x2048xi32>, i32 -> vector<4x2048xi32>
      %select_n3A_1657 = arith.select %eq3A_1647, %roll3A_1654, %roll3A_1656 : vector<4x2048xi1>, vector<4x2048xi32>
      %gt3A_1658 = arith.cmpi sgt, %select_n3A_1640, %select_n3A_1652 : vector<4x2048xi32>
      %eq3A_1659 = arith.cmpi eq, %select_n3A_1640, %select_n3A_1652 : vector<4x2048xi32>
      %lt3A_1660 = arith.cmpi slt, %select_n3A_1641, %select_n3A_1657 : vector<4x2048xi32>
      %and3A_1661 = arith.andi %eq3A_1659, %lt3A_1660 : vector<4x2048xi1>
      %or3A_1662 = arith.ori %gt3A_1658, %and3A_1661 : vector<4x2048xi1>
      %convert_element_type3A_1663 = arith.extui %or3A_1662 : vector<4x2048xi1> to vector<4x2048xi32>
      %shift_right_arithmetic3A_1664 = arith.constant 2 : i32
      %shift_right_arithmetic3A_1665 = vector.broadcast %shift_right_arithmetic3A_1664 : i32 to vector<4x2048xi32>
      %shift_right_arithmetic3A_1666 = arith.shrsi %iota3A, %shift_right_arithmetic3A_1665 : vector<4x2048xi32>
      %shift_right_arithmetic3A_1667 = arith.constant 9 : i32
      %shift_right_arithmetic3A_1668 = vector.broadcast %shift_right_arithmetic3A_1667 : i32 to vector<4x2048xi32>
      %shift_right_arithmetic3A_1669 = arith.shrsi %iota3A, %shift_right_arithmetic3A_1668 : vector<4x2048xi32>
      %xor3A_1670 = arith.xori %shift_right_arithmetic3A_1666, %shift_right_arithmetic3A_1669 : vector<4x2048xi32>
      %and3A_1671 = arith.constant 1 : i32
      %and3A_1672 = vector.broadcast %and3A_1671 : i32 to vector<4x2048xi32>
      %and3A_1673 = arith.andi %xor3A_1670, %and3A_1672 : vector<4x2048xi32>
      %xor3A_1674 = arith.xori %convert_element_type3A_1663, %and3A_1673 : vector<4x2048xi32>
      %eq3A_1675 = arith.constant 1 : i32
      %eq3A_1676 = vector.broadcast %eq3A_1675 : i32 to vector<4x2048xi32>
      %eq3A_1677 = arith.cmpi eq, %xor3A_1674, %eq3A_1676 : vector<4x2048xi32>
      %select_n3A_1678 = arith.select %eq3A_1677, %select_n3A_1640, %select_n3A_1652 : vector<4x2048xi1>, vector<4x2048xi32>
      %select_n3A_1679 = arith.select %eq3A_1677, %select_n3A_1641, %select_n3A_1657 : vector<4x2048xi1>, vector<4x2048xi32>
      %and3A_1680 = arith.constant 2 : i32
      %and3A_1681 = vector.broadcast %and3A_1680 : i32 to vector<4x2048xi32>
      %and3A_1682 = arith.andi %iota3A, %and3A_1681 : vector<4x2048xi32>
      %eq3A_1683 = arith.constant 0 : i32
      %eq3A_1684 = vector.broadcast %eq3A_1683 : i32 to vector<4x2048xi32>
      %eq3A_1685 = arith.cmpi eq, %and3A_1682, %eq3A_1684 : vector<4x2048xi32>
      %roll3A_1686 = arith.constant 2046 : i32
      %roll3A_1687 = tpu.dynamic_rotate %select_n3A_1678 by %roll3A_1686 dim 1 : vector<4x2048xi32>, i32 -> vector<4x2048xi32>
      %roll3A_1688 = arith.constant 2 : i32
      %roll3A_1689 = tpu.dynamic_rotate %select_n3A_1678 by %roll3A_1688 dim 1 : vector<4x2048xi32>, i32 -> vector<4x2048xi32>
      %select_n3A_1690 = arith.select %eq3A_1685, %roll3A_1687, %roll3A_1689 : vector<4x2048xi1>, vector<4x2048xi32>
      %roll3A_1691 = arith.constant 2046 : i32
      %roll3A_1692 = tpu.dynamic_rotate %select_n3A_1679 by %roll3A_1691 dim 1 : vector<4x2048xi32>, i32 -> vector<4x2048xi32>
      %roll3A_1693 = arith.constant 2 : i32
      %roll3A_1694 = tpu.dynamic_rotate %select_n3A_1679 by %roll3A_1693 dim 1 : vector<4x2048xi32>, i32 -> vector<4x2048xi32>
      %select_n3A_1695 = arith.select %eq3A_1685, %roll3A_1692, %roll3A_1694 : vector<4x2048xi1>, vector<4x2048xi32>
      %gt3A_1696 = arith.cmpi sgt, %select_n3A_1678, %select_n3A_1690 : vector<4x2048xi32>
      %eq3A_1697 = arith.cmpi eq, %select_n3A_1678, %select_n3A_1690 : vector<4x2048xi32>
      %lt3A_1698 = arith.cmpi slt, %select_n3A_1679, %select_n3A_1695 : vector<4x2048xi32>
      %and3A_1699 = arith.andi %eq3A_1697, %lt3A_1698 : vector<4x2048xi1>
      %or3A_1700 = arith.ori %gt3A_1696, %and3A_1699 : vector<4x2048xi1>
      %convert_element_type3A_1701 = arith.extui %or3A_1700 : vector<4x2048xi1> to vector<4x2048xi32>
      %shift_right_arithmetic3A_1702 = arith.constant 1 : i32
      %shift_right_arithmetic3A_1703 = vector.broadcast %shift_right_arithmetic3A_1702 : i32 to vector<4x2048xi32>
      %shift_right_arithmetic3A_1704 = arith.shrsi %iota3A, %shift_right_arithmetic3A_1703 : vector<4x2048xi32>
      %shift_right_arithmetic3A_1705 = arith.constant 9 : i32
      %shift_right_arithmetic3A_1706 = vector.broadcast %shift_right_arithmetic3A_1705 : i32 to vector<4x2048xi32>
      %shift_right_arithmetic3A_1707 = arith.shrsi %iota3A, %shift_right_arithmetic3A_1706 : vector<4x2048xi32>
      %xor3A_1708 = arith.xori %shift_right_arithmetic3A_1704, %shift_right_arithmetic3A_1707 : vector<4x2048xi32>
      %and3A_1709 = arith.constant 1 : i32
      %and3A_1710 = vector.broadcast %and3A_1709 : i32 to vector<4x2048xi32>
      %and3A_1711 = arith.andi %xor3A_1708, %and3A_1710 : vector<4x2048xi32>
      %xor3A_1712 = arith.xori %convert_element_type3A_1701, %and3A_1711 : vector<4x2048xi32>
      %eq3A_1713 = arith.constant 1 : i32
      %eq3A_1714 = vector.broadcast %eq3A_1713 : i32 to vector<4x2048xi32>
      %eq3A_1715 = arith.cmpi eq, %xor3A_1712, %eq3A_1714 : vector<4x2048xi32>
      %select_n3A_1716 = arith.select %eq3A_1715, %select_n3A_1678, %select_n3A_1690 : vector<4x2048xi1>, vector<4x2048xi32>
      %select_n3A_1717 = arith.select %eq3A_1715, %select_n3A_1679, %select_n3A_1695 : vector<4x2048xi1>, vector<4x2048xi32>
      %and3A_1718 = arith.constant 1 : i32
      %and3A_1719 = vector.broadcast %and3A_1718 : i32 to vector<4x2048xi32>
      %and3A_1720 = arith.andi %iota3A, %and3A_1719 : vector<4x2048xi32>
      %eq3A_1721 = arith.constant 0 : i32
      %eq3A_1722 = vector.broadcast %eq3A_1721 : i32 to vector<4x2048xi32>
      %eq3A_1723 = arith.cmpi eq, %and3A_1720, %eq3A_1722 : vector<4x2048xi32>
      %roll3A_1724 = arith.constant 2047 : i32
      %roll3A_1725 = tpu.dynamic_rotate %select_n3A_1716 by %roll3A_1724 dim 1 : vector<4x2048xi32>, i32 -> vector<4x2048xi32>
      %roll3A_1726 = arith.constant 1 : i32
      %roll3A_1727 = tpu.dynamic_rotate %select_n3A_1716 by %roll3A_1726 dim 1 : vector<4x2048xi32>, i32 -> vector<4x2048xi32>
      %select_n3A_1728 = arith.select %eq3A_1723, %roll3A_1725, %roll3A_1727 : vector<4x2048xi1>, vector<4x2048xi32>
      %roll3A_1729 = arith.constant 2047 : i32
      %roll3A_1730 = tpu.dynamic_rotate %select_n3A_1717 by %roll3A_1729 dim 1 : vector<4x2048xi32>, i32 -> vector<4x2048xi32>
      %roll3A_1731 = arith.constant 1 : i32
      %roll3A_1732 = tpu.dynamic_rotate %select_n3A_1717 by %roll3A_1731 dim 1 : vector<4x2048xi32>, i32 -> vector<4x2048xi32>
      %select_n3A_1733 = arith.select %eq3A_1723, %roll3A_1730, %roll3A_1732 : vector<4x2048xi1>, vector<4x2048xi32>
      %gt3A_1734 = arith.cmpi sgt, %select_n3A_1716, %select_n3A_1728 : vector<4x2048xi32>
      %eq3A_1735 = arith.cmpi eq, %select_n3A_1716, %select_n3A_1728 : vector<4x2048xi32>
      %lt3A_1736 = arith.cmpi slt, %select_n3A_1717, %select_n3A_1733 : vector<4x2048xi32>
      %and3A_1737 = arith.andi %eq3A_1735, %lt3A_1736 : vector<4x2048xi1>
      %or3A_1738 = arith.ori %gt3A_1734, %and3A_1737 : vector<4x2048xi1>
      %convert_element_type3A_1739 = arith.extui %or3A_1738 : vector<4x2048xi1> to vector<4x2048xi32>
      %shift_right_arithmetic3A_1740 = arith.constant 0 : i32
      %shift_right_arithmetic3A_1741 = vector.broadcast %shift_right_arithmetic3A_1740 : i32 to vector<4x2048xi32>
      %shift_right_arithmetic3A_1742 = arith.shrsi %iota3A, %shift_right_arithmetic3A_1741 : vector<4x2048xi32>
      %shift_right_arithmetic3A_1743 = arith.constant 9 : i32
      %shift_right_arithmetic3A_1744 = vector.broadcast %shift_right_arithmetic3A_1743 : i32 to vector<4x2048xi32>
      %shift_right_arithmetic3A_1745 = arith.shrsi %iota3A, %shift_right_arithmetic3A_1744 : vector<4x2048xi32>
      %xor3A_1746 = arith.xori %shift_right_arithmetic3A_1742, %shift_right_arithmetic3A_1745 : vector<4x2048xi32>
      %and3A_1747 = arith.constant 1 : i32
      %and3A_1748 = vector.broadcast %and3A_1747 : i32 to vector<4x2048xi32>
      %and3A_1749 = arith.andi %xor3A_1746, %and3A_1748 : vector<4x2048xi32>
      %xor3A_1750 = arith.xori %convert_element_type3A_1739, %and3A_1749 : vector<4x2048xi32>
      %eq3A_1751 = arith.constant 1 : i32
      %eq3A_1752 = vector.broadcast %eq3A_1751 : i32 to vector<4x2048xi32>
      %eq3A_1753 = arith.cmpi eq, %xor3A_1750, %eq3A_1752 : vector<4x2048xi32>
      %select_n3A_1754 = arith.select %eq3A_1753, %select_n3A_1716, %select_n3A_1728 : vector<4x2048xi1>, vector<4x2048xi32>
      %select_n3A_1755 = arith.select %eq3A_1753, %select_n3A_1717, %select_n3A_1733 : vector<4x2048xi1>, vector<4x2048xi32>
      %and3A_1756 = arith.constant 512 : i32
      %and3A_1757 = vector.broadcast %and3A_1756 : i32 to vector<4x2048xi32>
      %and3A_1758 = arith.andi %iota3A, %and3A_1757 : vector<4x2048xi32>
      %eq3A_1759 = arith.constant 0 : i32
      %eq3A_1760 = vector.broadcast %eq3A_1759 : i32 to vector<4x2048xi32>
      %eq3A_1761 = arith.cmpi eq, %and3A_1758, %eq3A_1760 : vector<4x2048xi32>
      %roll3A_1762 = arith.constant 1536 : i32
      %roll3A_1763 = tpu.dynamic_rotate %select_n3A_1754 by %roll3A_1762 dim 1 : vector<4x2048xi32>, i32 -> vector<4x2048xi32>
      %roll3A_1764 = arith.constant 512 : i32
      %roll3A_1765 = tpu.dynamic_rotate %select_n3A_1754 by %roll3A_1764 dim 1 : vector<4x2048xi32>, i32 -> vector<4x2048xi32>
      %select_n3A_1766 = arith.select %eq3A_1761, %roll3A_1763, %roll3A_1765 : vector<4x2048xi1>, vector<4x2048xi32>
      %roll3A_1767 = arith.constant 1536 : i32
      %roll3A_1768 = tpu.dynamic_rotate %select_n3A_1755 by %roll3A_1767 dim 1 : vector<4x2048xi32>, i32 -> vector<4x2048xi32>
      %roll3A_1769 = arith.constant 512 : i32
      %roll3A_1770 = tpu.dynamic_rotate %select_n3A_1755 by %roll3A_1769 dim 1 : vector<4x2048xi32>, i32 -> vector<4x2048xi32>
      %select_n3A_1771 = arith.select %eq3A_1761, %roll3A_1768, %roll3A_1770 : vector<4x2048xi1>, vector<4x2048xi32>
      %gt3A_1772 = arith.cmpi sgt, %select_n3A_1754, %select_n3A_1766 : vector<4x2048xi32>
      %eq3A_1773 = arith.cmpi eq, %select_n3A_1754, %select_n3A_1766 : vector<4x2048xi32>
      %lt3A_1774 = arith.cmpi slt, %select_n3A_1755, %select_n3A_1771 : vector<4x2048xi32>
      %and3A_1775 = arith.andi %eq3A_1773, %lt3A_1774 : vector<4x2048xi1>
      %or3A_1776 = arith.ori %gt3A_1772, %and3A_1775 : vector<4x2048xi1>
      %convert_element_type3A_1777 = arith.extui %or3A_1776 : vector<4x2048xi1> to vector<4x2048xi32>
      %shift_right_arithmetic3A_1778 = arith.constant 9 : i32
      %shift_right_arithmetic3A_1779 = vector.broadcast %shift_right_arithmetic3A_1778 : i32 to vector<4x2048xi32>
      %shift_right_arithmetic3A_1780 = arith.shrsi %iota3A, %shift_right_arithmetic3A_1779 : vector<4x2048xi32>
      %shift_right_arithmetic3A_1781 = arith.constant 10 : i32
      %shift_right_arithmetic3A_1782 = vector.broadcast %shift_right_arithmetic3A_1781 : i32 to vector<4x2048xi32>
      %shift_right_arithmetic3A_1783 = arith.shrsi %iota3A, %shift_right_arithmetic3A_1782 : vector<4x2048xi32>
      %xor3A_1784 = arith.xori %shift_right_arithmetic3A_1780, %shift_right_arithmetic3A_1783 : vector<4x2048xi32>
      %and3A_1785 = arith.constant 1 : i32
      %and3A_1786 = vector.broadcast %and3A_1785 : i32 to vector<4x2048xi32>
      %and3A_1787 = arith.andi %xor3A_1784, %and3A_1786 : vector<4x2048xi32>
      %xor3A_1788 = arith.xori %convert_element_type3A_1777, %and3A_1787 : vector<4x2048xi32>
      %eq3A_1789 = arith.constant 1 : i32
      %eq3A_1790 = vector.broadcast %eq3A_1789 : i32 to vector<4x2048xi32>
      %eq3A_1791 = arith.cmpi eq, %xor3A_1788, %eq3A_1790 : vector<4x2048xi32>
      %select_n3A_1792 = arith.select %eq3A_1791, %select_n3A_1754, %select_n3A_1766 : vector<4x2048xi1>, vector<4x2048xi32>
      %select_n3A_1793 = arith.select %eq3A_1791, %select_n3A_1755, %select_n3A_1771 : vector<4x2048xi1>, vector<4x2048xi32>
      %and3A_1794 = arith.constant 256 : i32
      %and3A_1795 = vector.broadcast %and3A_1794 : i32 to vector<4x2048xi32>
      %and3A_1796 = arith.andi %iota3A, %and3A_1795 : vector<4x2048xi32>
      %eq3A_1797 = arith.constant 0 : i32
      %eq3A_1798 = vector.broadcast %eq3A_1797 : i32 to vector<4x2048xi32>
      %eq3A_1799 = arith.cmpi eq, %and3A_1796, %eq3A_1798 : vector<4x2048xi32>
      %roll3A_1800 = arith.constant 1792 : i32
      %roll3A_1801 = tpu.dynamic_rotate %select_n3A_1792 by %roll3A_1800 dim 1 : vector<4x2048xi32>, i32 -> vector<4x2048xi32>
      %roll3A_1802 = arith.constant 256 : i32
      %roll3A_1803 = tpu.dynamic_rotate %select_n3A_1792 by %roll3A_1802 dim 1 : vector<4x2048xi32>, i32 -> vector<4x2048xi32>
      %select_n3A_1804 = arith.select %eq3A_1799, %roll3A_1801, %roll3A_1803 : vector<4x2048xi1>, vector<4x2048xi32>
      %roll3A_1805 = arith.constant 1792 : i32
      %roll3A_1806 = tpu.dynamic_rotate %select_n3A_1793 by %roll3A_1805 dim 1 : vector<4x2048xi32>, i32 -> vector<4x2048xi32>
      %roll3A_1807 = arith.constant 256 : i32
      %roll3A_1808 = tpu.dynamic_rotate %select_n3A_1793 by %roll3A_1807 dim 1 : vector<4x2048xi32>, i32 -> vector<4x2048xi32>
      %select_n3A_1809 = arith.select %eq3A_1799, %roll3A_1806, %roll3A_1808 : vector<4x2048xi1>, vector<4x2048xi32>
      %gt3A_1810 = arith.cmpi sgt, %select_n3A_1792, %select_n3A_1804 : vector<4x2048xi32>
      %eq3A_1811 = arith.cmpi eq, %select_n3A_1792, %select_n3A_1804 : vector<4x2048xi32>
      %lt3A_1812 = arith.cmpi slt, %select_n3A_1793, %select_n3A_1809 : vector<4x2048xi32>
      %and3A_1813 = arith.andi %eq3A_1811, %lt3A_1812 : vector<4x2048xi1>
      %or3A_1814 = arith.ori %gt3A_1810, %and3A_1813 : vector<4x2048xi1>
      %convert_element_type3A_1815 = arith.extui %or3A_1814 : vector<4x2048xi1> to vector<4x2048xi32>
      %shift_right_arithmetic3A_1816 = arith.constant 8 : i32
      %shift_right_arithmetic3A_1817 = vector.broadcast %shift_right_arithmetic3A_1816 : i32 to vector<4x2048xi32>
      %shift_right_arithmetic3A_1818 = arith.shrsi %iota3A, %shift_right_arithmetic3A_1817 : vector<4x2048xi32>
      %shift_right_arithmetic3A_1819 = arith.constant 10 : i32
      %shift_right_arithmetic3A_1820 = vector.broadcast %shift_right_arithmetic3A_1819 : i32 to vector<4x2048xi32>
      %shift_right_arithmetic3A_1821 = arith.shrsi %iota3A, %shift_right_arithmetic3A_1820 : vector<4x2048xi32>
      %xor3A_1822 = arith.xori %shift_right_arithmetic3A_1818, %shift_right_arithmetic3A_1821 : vector<4x2048xi32>
      %and3A_1823 = arith.constant 1 : i32
      %and3A_1824 = vector.broadcast %and3A_1823 : i32 to vector<4x2048xi32>
      %and3A_1825 = arith.andi %xor3A_1822, %and3A_1824 : vector<4x2048xi32>
      %xor3A_1826 = arith.xori %convert_element_type3A_1815, %and3A_1825 : vector<4x2048xi32>
      %eq3A_1827 = arith.constant 1 : i32
      %eq3A_1828 = vector.broadcast %eq3A_1827 : i32 to vector<4x2048xi32>
      %eq3A_1829 = arith.cmpi eq, %xor3A_1826, %eq3A_1828 : vector<4x2048xi32>
      %select_n3A_1830 = arith.select %eq3A_1829, %select_n3A_1792, %select_n3A_1804 : vector<4x2048xi1>, vector<4x2048xi32>
      %select_n3A_1831 = arith.select %eq3A_1829, %select_n3A_1793, %select_n3A_1809 : vector<4x2048xi1>, vector<4x2048xi32>
      %and3A_1832 = arith.constant 128 : i32
      %and3A_1833 = vector.broadcast %and3A_1832 : i32 to vector<4x2048xi32>
      %and3A_1834 = arith.andi %iota3A, %and3A_1833 : vector<4x2048xi32>
      %eq3A_1835 = arith.constant 0 : i32
      %eq3A_1836 = vector.broadcast %eq3A_1835 : i32 to vector<4x2048xi32>
      %eq3A_1837 = arith.cmpi eq, %and3A_1834, %eq3A_1836 : vector<4x2048xi32>
      %roll3A_1838 = arith.constant 1920 : i32
      %roll3A_1839 = tpu.dynamic_rotate %select_n3A_1830 by %roll3A_1838 dim 1 : vector<4x2048xi32>, i32 -> vector<4x2048xi32>
      %roll3A_1840 = arith.constant 128 : i32
      %roll3A_1841 = tpu.dynamic_rotate %select_n3A_1830 by %roll3A_1840 dim 1 : vector<4x2048xi32>, i32 -> vector<4x2048xi32>
      %select_n3A_1842 = arith.select %eq3A_1837, %roll3A_1839, %roll3A_1841 : vector<4x2048xi1>, vector<4x2048xi32>
      %roll3A_1843 = arith.constant 1920 : i32
      %roll3A_1844 = tpu.dynamic_rotate %select_n3A_1831 by %roll3A_1843 dim 1 : vector<4x2048xi32>, i32 -> vector<4x2048xi32>
      %roll3A_1845 = arith.constant 128 : i32
      %roll3A_1846 = tpu.dynamic_rotate %select_n3A_1831 by %roll3A_1845 dim 1 : vector<4x2048xi32>, i32 -> vector<4x2048xi32>
      %select_n3A_1847 = arith.select %eq3A_1837, %roll3A_1844, %roll3A_1846 : vector<4x2048xi1>, vector<4x2048xi32>
      %gt3A_1848 = arith.cmpi sgt, %select_n3A_1830, %select_n3A_1842 : vector<4x2048xi32>
      %eq3A_1849 = arith.cmpi eq, %select_n3A_1830, %select_n3A_1842 : vector<4x2048xi32>
      %lt3A_1850 = arith.cmpi slt, %select_n3A_1831, %select_n3A_1847 : vector<4x2048xi32>
      %and3A_1851 = arith.andi %eq3A_1849, %lt3A_1850 : vector<4x2048xi1>
      %or3A_1852 = arith.ori %gt3A_1848, %and3A_1851 : vector<4x2048xi1>
      %convert_element_type3A_1853 = arith.extui %or3A_1852 : vector<4x2048xi1> to vector<4x2048xi32>
      %shift_right_arithmetic3A_1854 = arith.constant 7 : i32
      %shift_right_arithmetic3A_1855 = vector.broadcast %shift_right_arithmetic3A_1854 : i32 to vector<4x2048xi32>
      %shift_right_arithmetic3A_1856 = arith.shrsi %iota3A, %shift_right_arithmetic3A_1855 : vector<4x2048xi32>
      %shift_right_arithmetic3A_1857 = arith.constant 10 : i32
      %shift_right_arithmetic3A_1858 = vector.broadcast %shift_right_arithmetic3A_1857 : i32 to vector<4x2048xi32>
      %shift_right_arithmetic3A_1859 = arith.shrsi %iota3A, %shift_right_arithmetic3A_1858 : vector<4x2048xi32>
      %xor3A_1860 = arith.xori %shift_right_arithmetic3A_1856, %shift_right_arithmetic3A_1859 : vector<4x2048xi32>
      %and3A_1861 = arith.constant 1 : i32
      %and3A_1862 = vector.broadcast %and3A_1861 : i32 to vector<4x2048xi32>
      %and3A_1863 = arith.andi %xor3A_1860, %and3A_1862 : vector<4x2048xi32>
      %xor3A_1864 = arith.xori %convert_element_type3A_1853, %and3A_1863 : vector<4x2048xi32>
      %eq3A_1865 = arith.constant 1 : i32
      %eq3A_1866 = vector.broadcast %eq3A_1865 : i32 to vector<4x2048xi32>
      %eq3A_1867 = arith.cmpi eq, %xor3A_1864, %eq3A_1866 : vector<4x2048xi32>
      %select_n3A_1868 = arith.select %eq3A_1867, %select_n3A_1830, %select_n3A_1842 : vector<4x2048xi1>, vector<4x2048xi32>
      %select_n3A_1869 = arith.select %eq3A_1867, %select_n3A_1831, %select_n3A_1847 : vector<4x2048xi1>, vector<4x2048xi32>
      %and3A_1870 = arith.constant 64 : i32
      %and3A_1871 = vector.broadcast %and3A_1870 : i32 to vector<4x2048xi32>
      %and3A_1872 = arith.andi %iota3A, %and3A_1871 : vector<4x2048xi32>
      %eq3A_1873 = arith.constant 0 : i32
      %eq3A_1874 = vector.broadcast %eq3A_1873 : i32 to vector<4x2048xi32>
      %eq3A_1875 = arith.cmpi eq, %and3A_1872, %eq3A_1874 : vector<4x2048xi32>
      %roll3A_1876 = arith.constant 1984 : i32
      %roll3A_1877 = tpu.dynamic_rotate %select_n3A_1868 by %roll3A_1876 dim 1 : vector<4x2048xi32>, i32 -> vector<4x2048xi32>
      %roll3A_1878 = arith.constant 64 : i32
      %roll3A_1879 = tpu.dynamic_rotate %select_n3A_1868 by %roll3A_1878 dim 1 : vector<4x2048xi32>, i32 -> vector<4x2048xi32>
      %select_n3A_1880 = arith.select %eq3A_1875, %roll3A_1877, %roll3A_1879 : vector<4x2048xi1>, vector<4x2048xi32>
      %roll3A_1881 = arith.constant 1984 : i32
      %roll3A_1882 = tpu.dynamic_rotate %select_n3A_1869 by %roll3A_1881 dim 1 : vector<4x2048xi32>, i32 -> vector<4x2048xi32>
      %roll3A_1883 = arith.constant 64 : i32
      %roll3A_1884 = tpu.dynamic_rotate %select_n3A_1869 by %roll3A_1883 dim 1 : vector<4x2048xi32>, i32 -> vector<4x2048xi32>
      %select_n3A_1885 = arith.select %eq3A_1875, %roll3A_1882, %roll3A_1884 : vector<4x2048xi1>, vector<4x2048xi32>
      %gt3A_1886 = arith.cmpi sgt, %select_n3A_1868, %select_n3A_1880 : vector<4x2048xi32>
      %eq3A_1887 = arith.cmpi eq, %select_n3A_1868, %select_n3A_1880 : vector<4x2048xi32>
      %lt3A_1888 = arith.cmpi slt, %select_n3A_1869, %select_n3A_1885 : vector<4x2048xi32>
      %and3A_1889 = arith.andi %eq3A_1887, %lt3A_1888 : vector<4x2048xi1>
      %or3A_1890 = arith.ori %gt3A_1886, %and3A_1889 : vector<4x2048xi1>
      %convert_element_type3A_1891 = arith.extui %or3A_1890 : vector<4x2048xi1> to vector<4x2048xi32>
      %shift_right_arithmetic3A_1892 = arith.constant 6 : i32
      %shift_right_arithmetic3A_1893 = vector.broadcast %shift_right_arithmetic3A_1892 : i32 to vector<4x2048xi32>
      %shift_right_arithmetic3A_1894 = arith.shrsi %iota3A, %shift_right_arithmetic3A_1893 : vector<4x2048xi32>
      %shift_right_arithmetic3A_1895 = arith.constant 10 : i32
      %shift_right_arithmetic3A_1896 = vector.broadcast %shift_right_arithmetic3A_1895 : i32 to vector<4x2048xi32>
      %shift_right_arithmetic3A_1897 = arith.shrsi %iota3A, %shift_right_arithmetic3A_1896 : vector<4x2048xi32>
      %xor3A_1898 = arith.xori %shift_right_arithmetic3A_1894, %shift_right_arithmetic3A_1897 : vector<4x2048xi32>
      %and3A_1899 = arith.constant 1 : i32
      %and3A_1900 = vector.broadcast %and3A_1899 : i32 to vector<4x2048xi32>
      %and3A_1901 = arith.andi %xor3A_1898, %and3A_1900 : vector<4x2048xi32>
      %xor3A_1902 = arith.xori %convert_element_type3A_1891, %and3A_1901 : vector<4x2048xi32>
      %eq3A_1903 = arith.constant 1 : i32
      %eq3A_1904 = vector.broadcast %eq3A_1903 : i32 to vector<4x2048xi32>
      %eq3A_1905 = arith.cmpi eq, %xor3A_1902, %eq3A_1904 : vector<4x2048xi32>
      %select_n3A_1906 = arith.select %eq3A_1905, %select_n3A_1868, %select_n3A_1880 : vector<4x2048xi1>, vector<4x2048xi32>
      %select_n3A_1907 = arith.select %eq3A_1905, %select_n3A_1869, %select_n3A_1885 : vector<4x2048xi1>, vector<4x2048xi32>
      %and3A_1908 = arith.constant 32 : i32
      %and3A_1909 = vector.broadcast %and3A_1908 : i32 to vector<4x2048xi32>
      %and3A_1910 = arith.andi %iota3A, %and3A_1909 : vector<4x2048xi32>
      %eq3A_1911 = arith.constant 0 : i32
      %eq3A_1912 = vector.broadcast %eq3A_1911 : i32 to vector<4x2048xi32>
      %eq3A_1913 = arith.cmpi eq, %and3A_1910, %eq3A_1912 : vector<4x2048xi32>
      %roll3A_1914 = arith.constant 2016 : i32
      %roll3A_1915 = tpu.dynamic_rotate %select_n3A_1906 by %roll3A_1914 dim 1 : vector<4x2048xi32>, i32 -> vector<4x2048xi32>
      %roll3A_1916 = arith.constant 32 : i32
      %roll3A_1917 = tpu.dynamic_rotate %select_n3A_1906 by %roll3A_1916 dim 1 : vector<4x2048xi32>, i32 -> vector<4x2048xi32>
      %select_n3A_1918 = arith.select %eq3A_1913, %roll3A_1915, %roll3A_1917 : vector<4x2048xi1>, vector<4x2048xi32>
      %roll3A_1919 = arith.constant 2016 : i32
      %roll3A_1920 = tpu.dynamic_rotate %select_n3A_1907 by %roll3A_1919 dim 1 : vector<4x2048xi32>, i32 -> vector<4x2048xi32>
      %roll3A_1921 = arith.constant 32 : i32
      %roll3A_1922 = tpu.dynamic_rotate %select_n3A_1907 by %roll3A_1921 dim 1 : vector<4x2048xi32>, i32 -> vector<4x2048xi32>
      %select_n3A_1923 = arith.select %eq3A_1913, %roll3A_1920, %roll3A_1922 : vector<4x2048xi1>, vector<4x2048xi32>
      %gt3A_1924 = arith.cmpi sgt, %select_n3A_1906, %select_n3A_1918 : vector<4x2048xi32>
      %eq3A_1925 = arith.cmpi eq, %select_n3A_1906, %select_n3A_1918 : vector<4x2048xi32>
      %lt3A_1926 = arith.cmpi slt, %select_n3A_1907, %select_n3A_1923 : vector<4x2048xi32>
      %and3A_1927 = arith.andi %eq3A_1925, %lt3A_1926 : vector<4x2048xi1>
      %or3A_1928 = arith.ori %gt3A_1924, %and3A_1927 : vector<4x2048xi1>
      %convert_element_type3A_1929 = arith.extui %or3A_1928 : vector<4x2048xi1> to vector<4x2048xi32>
      %shift_right_arithmetic3A_1930 = arith.constant 5 : i32
      %shift_right_arithmetic3A_1931 = vector.broadcast %shift_right_arithmetic3A_1930 : i32 to vector<4x2048xi32>
      %shift_right_arithmetic3A_1932 = arith.shrsi %iota3A, %shift_right_arithmetic3A_1931 : vector<4x2048xi32>
      %shift_right_arithmetic3A_1933 = arith.constant 10 : i32
      %shift_right_arithmetic3A_1934 = vector.broadcast %shift_right_arithmetic3A_1933 : i32 to vector<4x2048xi32>
      %shift_right_arithmetic3A_1935 = arith.shrsi %iota3A, %shift_right_arithmetic3A_1934 : vector<4x2048xi32>
      %xor3A_1936 = arith.xori %shift_right_arithmetic3A_1932, %shift_right_arithmetic3A_1935 : vector<4x2048xi32>
      %and3A_1937 = arith.constant 1 : i32
      %and3A_1938 = vector.broadcast %and3A_1937 : i32 to vector<4x2048xi32>
      %and3A_1939 = arith.andi %xor3A_1936, %and3A_1938 : vector<4x2048xi32>
      %xor3A_1940 = arith.xori %convert_element_type3A_1929, %and3A_1939 : vector<4x2048xi32>
      %eq3A_1941 = arith.constant 1 : i32
      %eq3A_1942 = vector.broadcast %eq3A_1941 : i32 to vector<4x2048xi32>
      %eq3A_1943 = arith.cmpi eq, %xor3A_1940, %eq3A_1942 : vector<4x2048xi32>
      %select_n3A_1944 = arith.select %eq3A_1943, %select_n3A_1906, %select_n3A_1918 : vector<4x2048xi1>, vector<4x2048xi32>
      %select_n3A_1945 = arith.select %eq3A_1943, %select_n3A_1907, %select_n3A_1923 : vector<4x2048xi1>, vector<4x2048xi32>
      %and3A_1946 = arith.constant 16 : i32
      %and3A_1947 = vector.broadcast %and3A_1946 : i32 to vector<4x2048xi32>
      %and3A_1948 = arith.andi %iota3A, %and3A_1947 : vector<4x2048xi32>
      %eq3A_1949 = arith.constant 0 : i32
      %eq3A_1950 = vector.broadcast %eq3A_1949 : i32 to vector<4x2048xi32>
      %eq3A_1951 = arith.cmpi eq, %and3A_1948, %eq3A_1950 : vector<4x2048xi32>
      %roll3A_1952 = arith.constant 2032 : i32
      %roll3A_1953 = tpu.dynamic_rotate %select_n3A_1944 by %roll3A_1952 dim 1 : vector<4x2048xi32>, i32 -> vector<4x2048xi32>
      %roll3A_1954 = arith.constant 16 : i32
      %roll3A_1955 = tpu.dynamic_rotate %select_n3A_1944 by %roll3A_1954 dim 1 : vector<4x2048xi32>, i32 -> vector<4x2048xi32>
      %select_n3A_1956 = arith.select %eq3A_1951, %roll3A_1953, %roll3A_1955 : vector<4x2048xi1>, vector<4x2048xi32>
      %roll3A_1957 = arith.constant 2032 : i32
      %roll3A_1958 = tpu.dynamic_rotate %select_n3A_1945 by %roll3A_1957 dim 1 : vector<4x2048xi32>, i32 -> vector<4x2048xi32>
      %roll3A_1959 = arith.constant 16 : i32
      %roll3A_1960 = tpu.dynamic_rotate %select_n3A_1945 by %roll3A_1959 dim 1 : vector<4x2048xi32>, i32 -> vector<4x2048xi32>
      %select_n3A_1961 = arith.select %eq3A_1951, %roll3A_1958, %roll3A_1960 : vector<4x2048xi1>, vector<4x2048xi32>
      %gt3A_1962 = arith.cmpi sgt, %select_n3A_1944, %select_n3A_1956 : vector<4x2048xi32>
      %eq3A_1963 = arith.cmpi eq, %select_n3A_1944, %select_n3A_1956 : vector<4x2048xi32>
      %lt3A_1964 = arith.cmpi slt, %select_n3A_1945, %select_n3A_1961 : vector<4x2048xi32>
      %and3A_1965 = arith.andi %eq3A_1963, %lt3A_1964 : vector<4x2048xi1>
      %or3A_1966 = arith.ori %gt3A_1962, %and3A_1965 : vector<4x2048xi1>
      %convert_element_type3A_1967 = arith.extui %or3A_1966 : vector<4x2048xi1> to vector<4x2048xi32>
      %shift_right_arithmetic3A_1968 = arith.constant 4 : i32
      %shift_right_arithmetic3A_1969 = vector.broadcast %shift_right_arithmetic3A_1968 : i32 to vector<4x2048xi32>
      %shift_right_arithmetic3A_1970 = arith.shrsi %iota3A, %shift_right_arithmetic3A_1969 : vector<4x2048xi32>
      %shift_right_arithmetic3A_1971 = arith.constant 10 : i32
      %shift_right_arithmetic3A_1972 = vector.broadcast %shift_right_arithmetic3A_1971 : i32 to vector<4x2048xi32>
      %shift_right_arithmetic3A_1973 = arith.shrsi %iota3A, %shift_right_arithmetic3A_1972 : vector<4x2048xi32>
      %xor3A_1974 = arith.xori %shift_right_arithmetic3A_1970, %shift_right_arithmetic3A_1973 : vector<4x2048xi32>
      %and3A_1975 = arith.constant 1 : i32
      %and3A_1976 = vector.broadcast %and3A_1975 : i32 to vector<4x2048xi32>
      %and3A_1977 = arith.andi %xor3A_1974, %and3A_1976 : vector<4x2048xi32>
      %xor3A_1978 = arith.xori %convert_element_type3A_1967, %and3A_1977 : vector<4x2048xi32>
      %eq3A_1979 = arith.constant 1 : i32
      %eq3A_1980 = vector.broadcast %eq3A_1979 : i32 to vector<4x2048xi32>
      %eq3A_1981 = arith.cmpi eq, %xor3A_1978, %eq3A_1980 : vector<4x2048xi32>
      %select_n3A_1982 = arith.select %eq3A_1981, %select_n3A_1944, %select_n3A_1956 : vector<4x2048xi1>, vector<4x2048xi32>
      %select_n3A_1983 = arith.select %eq3A_1981, %select_n3A_1945, %select_n3A_1961 : vector<4x2048xi1>, vector<4x2048xi32>
      %and3A_1984 = arith.constant 8 : i32
      %and3A_1985 = vector.broadcast %and3A_1984 : i32 to vector<4x2048xi32>
      %and3A_1986 = arith.andi %iota3A, %and3A_1985 : vector<4x2048xi32>
      %eq3A_1987 = arith.constant 0 : i32
      %eq3A_1988 = vector.broadcast %eq3A_1987 : i32 to vector<4x2048xi32>
      %eq3A_1989 = arith.cmpi eq, %and3A_1986, %eq3A_1988 : vector<4x2048xi32>
      %roll3A_1990 = arith.constant 2040 : i32
      %roll3A_1991 = tpu.dynamic_rotate %select_n3A_1982 by %roll3A_1990 dim 1 : vector<4x2048xi32>, i32 -> vector<4x2048xi32>
      %roll3A_1992 = arith.constant 8 : i32
      %roll3A_1993 = tpu.dynamic_rotate %select_n3A_1982 by %roll3A_1992 dim 1 : vector<4x2048xi32>, i32 -> vector<4x2048xi32>
      %select_n3A_1994 = arith.select %eq3A_1989, %roll3A_1991, %roll3A_1993 : vector<4x2048xi1>, vector<4x2048xi32>
      %roll3A_1995 = arith.constant 2040 : i32
      %roll3A_1996 = tpu.dynamic_rotate %select_n3A_1983 by %roll3A_1995 dim 1 : vector<4x2048xi32>, i32 -> vector<4x2048xi32>
      %roll3A_1997 = arith.constant 8 : i32
      %roll3A_1998 = tpu.dynamic_rotate %select_n3A_1983 by %roll3A_1997 dim 1 : vector<4x2048xi32>, i32 -> vector<4x2048xi32>
      %select_n3A_1999 = arith.select %eq3A_1989, %roll3A_1996, %roll3A_1998 : vector<4x2048xi1>, vector<4x2048xi32>
      %gt3A_2000 = arith.cmpi sgt, %select_n3A_1982, %select_n3A_1994 : vector<4x2048xi32>
      %eq3A_2001 = arith.cmpi eq, %select_n3A_1982, %select_n3A_1994 : vector<4x2048xi32>
      %lt3A_2002 = arith.cmpi slt, %select_n3A_1983, %select_n3A_1999 : vector<4x2048xi32>
      %and3A_2003 = arith.andi %eq3A_2001, %lt3A_2002 : vector<4x2048xi1>
      %or3A_2004 = arith.ori %gt3A_2000, %and3A_2003 : vector<4x2048xi1>
      %convert_element_type3A_2005 = arith.extui %or3A_2004 : vector<4x2048xi1> to vector<4x2048xi32>
      %shift_right_arithmetic3A_2006 = arith.constant 3 : i32
      %shift_right_arithmetic3A_2007 = vector.broadcast %shift_right_arithmetic3A_2006 : i32 to vector<4x2048xi32>
      %shift_right_arithmetic3A_2008 = arith.shrsi %iota3A, %shift_right_arithmetic3A_2007 : vector<4x2048xi32>
      %shift_right_arithmetic3A_2009 = arith.constant 10 : i32
      %shift_right_arithmetic3A_2010 = vector.broadcast %shift_right_arithmetic3A_2009 : i32 to vector<4x2048xi32>
      %shift_right_arithmetic3A_2011 = arith.shrsi %iota3A, %shift_right_arithmetic3A_2010 : vector<4x2048xi32>
      %xor3A_2012 = arith.xori %shift_right_arithmetic3A_2008, %shift_right_arithmetic3A_2011 : vector<4x2048xi32>
      %and3A_2013 = arith.constant 1 : i32
      %and3A_2014 = vector.broadcast %and3A_2013 : i32 to vector<4x2048xi32>
      %and3A_2015 = arith.andi %xor3A_2012, %and3A_2014 : vector<4x2048xi32>
      %xor3A_2016 = arith.xori %convert_element_type3A_2005, %and3A_2015 : vector<4x2048xi32>
      %eq3A_2017 = arith.constant 1 : i32
      %eq3A_2018 = vector.broadcast %eq3A_2017 : i32 to vector<4x2048xi32>
      %eq3A_2019 = arith.cmpi eq, %xor3A_2016, %eq3A_2018 : vector<4x2048xi32>
      %select_n3A_2020 = arith.select %eq3A_2019, %select_n3A_1982, %select_n3A_1994 : vector<4x2048xi1>, vector<4x2048xi32>
      %select_n3A_2021 = arith.select %eq3A_2019, %select_n3A_1983, %select_n3A_1999 : vector<4x2048xi1>, vector<4x2048xi32>
      %and3A_2022 = arith.constant 4 : i32
      %and3A_2023 = vector.broadcast %and3A_2022 : i32 to vector<4x2048xi32>
      %and3A_2024 = arith.andi %iota3A, %and3A_2023 : vector<4x2048xi32>
      %eq3A_2025 = arith.constant 0 : i32
      %eq3A_2026 = vector.broadcast %eq3A_2025 : i32 to vector<4x2048xi32>
      %eq3A_2027 = arith.cmpi eq, %and3A_2024, %eq3A_2026 : vector<4x2048xi32>
      %roll3A_2028 = arith.constant 2044 : i32
      %roll3A_2029 = tpu.dynamic_rotate %select_n3A_2020 by %roll3A_2028 dim 1 : vector<4x2048xi32>, i32 -> vector<4x2048xi32>
      %roll3A_2030 = arith.constant 4 : i32
      %roll3A_2031 = tpu.dynamic_rotate %select_n3A_2020 by %roll3A_2030 dim 1 : vector<4x2048xi32>, i32 -> vector<4x2048xi32>
      %select_n3A_2032 = arith.select %eq3A_2027, %roll3A_2029, %roll3A_2031 : vector<4x2048xi1>, vector<4x2048xi32>
      %roll3A_2033 = arith.constant 2044 : i32
      %roll3A_2034 = tpu.dynamic_rotate %select_n3A_2021 by %roll3A_2033 dim 1 : vector<4x2048xi32>, i32 -> vector<4x2048xi32>
      %roll3A_2035 = arith.constant 4 : i32
      %roll3A_2036 = tpu.dynamic_rotate %select_n3A_2021 by %roll3A_2035 dim 1 : vector<4x2048xi32>, i32 -> vector<4x2048xi32>
      %select_n3A_2037 = arith.select %eq3A_2027, %roll3A_2034, %roll3A_2036 : vector<4x2048xi1>, vector<4x2048xi32>
      %gt3A_2038 = arith.cmpi sgt, %select_n3A_2020, %select_n3A_2032 : vector<4x2048xi32>
      %eq3A_2039 = arith.cmpi eq, %select_n3A_2020, %select_n3A_2032 : vector<4x2048xi32>
      %lt3A_2040 = arith.cmpi slt, %select_n3A_2021, %select_n3A_2037 : vector<4x2048xi32>
      %and3A_2041 = arith.andi %eq3A_2039, %lt3A_2040 : vector<4x2048xi1>
      %or3A_2042 = arith.ori %gt3A_2038, %and3A_2041 : vector<4x2048xi1>
      %convert_element_type3A_2043 = arith.extui %or3A_2042 : vector<4x2048xi1> to vector<4x2048xi32>
      %shift_right_arithmetic3A_2044 = arith.constant 2 : i32
      %shift_right_arithmetic3A_2045 = vector.broadcast %shift_right_arithmetic3A_2044 : i32 to vector<4x2048xi32>
      %shift_right_arithmetic3A_2046 = arith.shrsi %iota3A, %shift_right_arithmetic3A_2045 : vector<4x2048xi32>
      %shift_right_arithmetic3A_2047 = arith.constant 10 : i32
      %shift_right_arithmetic3A_2048 = vector.broadcast %shift_right_arithmetic3A_2047 : i32 to vector<4x2048xi32>
      %shift_right_arithmetic3A_2049 = arith.shrsi %iota3A, %shift_right_arithmetic3A_2048 : vector<4x2048xi32>
      %xor3A_2050 = arith.xori %shift_right_arithmetic3A_2046, %shift_right_arithmetic3A_2049 : vector<4x2048xi32>
      %and3A_2051 = arith.constant 1 : i32
      %and3A_2052 = vector.broadcast %and3A_2051 : i32 to vector<4x2048xi32>
      %and3A_2053 = arith.andi %xor3A_2050, %and3A_2052 : vector<4x2048xi32>
      %xor3A_2054 = arith.xori %convert_element_type3A_2043, %and3A_2053 : vector<4x2048xi32>
      %eq3A_2055 = arith.constant 1 : i32
      %eq3A_2056 = vector.broadcast %eq3A_2055 : i32 to vector<4x2048xi32>
      %eq3A_2057 = arith.cmpi eq, %xor3A_2054, %eq3A_2056 : vector<4x2048xi32>
      %select_n3A_2058 = arith.select %eq3A_2057, %select_n3A_2020, %select_n3A_2032 : vector<4x2048xi1>, vector<4x2048xi32>
      %select_n3A_2059 = arith.select %eq3A_2057, %select_n3A_2021, %select_n3A_2037 : vector<4x2048xi1>, vector<4x2048xi32>
      %and3A_2060 = arith.constant 2 : i32
      %and3A_2061 = vector.broadcast %and3A_2060 : i32 to vector<4x2048xi32>
      %and3A_2062 = arith.andi %iota3A, %and3A_2061 : vector<4x2048xi32>
      %eq3A_2063 = arith.constant 0 : i32
      %eq3A_2064 = vector.broadcast %eq3A_2063 : i32 to vector<4x2048xi32>
      %eq3A_2065 = arith.cmpi eq, %and3A_2062, %eq3A_2064 : vector<4x2048xi32>
      %roll3A_2066 = arith.constant 2046 : i32
      %roll3A_2067 = tpu.dynamic_rotate %select_n3A_2058 by %roll3A_2066 dim 1 : vector<4x2048xi32>, i32 -> vector<4x2048xi32>
      %roll3A_2068 = arith.constant 2 : i32
      %roll3A_2069 = tpu.dynamic_rotate %select_n3A_2058 by %roll3A_2068 dim 1 : vector<4x2048xi32>, i32 -> vector<4x2048xi32>
      %select_n3A_2070 = arith.select %eq3A_2065, %roll3A_2067, %roll3A_2069 : vector<4x2048xi1>, vector<4x2048xi32>
      %roll3A_2071 = arith.constant 2046 : i32
      %roll3A_2072 = tpu.dynamic_rotate %select_n3A_2059 by %roll3A_2071 dim 1 : vector<4x2048xi32>, i32 -> vector<4x2048xi32>
      %roll3A_2073 = arith.constant 2 : i32
      %roll3A_2074 = tpu.dynamic_rotate %select_n3A_2059 by %roll3A_2073 dim 1 : vector<4x2048xi32>, i32 -> vector<4x2048xi32>
      %select_n3A_2075 = arith.select %eq3A_2065, %roll3A_2072, %roll3A_2074 : vector<4x2048xi1>, vector<4x2048xi32>
      %gt3A_2076 = arith.cmpi sgt, %select_n3A_2058, %select_n3A_2070 : vector<4x2048xi32>
      %eq3A_2077 = arith.cmpi eq, %select_n3A_2058, %select_n3A_2070 : vector<4x2048xi32>
      %lt3A_2078 = arith.cmpi slt, %select_n3A_2059, %select_n3A_2075 : vector<4x2048xi32>
      %and3A_2079 = arith.andi %eq3A_2077, %lt3A_2078 : vector<4x2048xi1>
      %or3A_2080 = arith.ori %gt3A_2076, %and3A_2079 : vector<4x2048xi1>
      %convert_element_type3A_2081 = arith.extui %or3A_2080 : vector<4x2048xi1> to vector<4x2048xi32>
      %shift_right_arithmetic3A_2082 = arith.constant 1 : i32
      %shift_right_arithmetic3A_2083 = vector.broadcast %shift_right_arithmetic3A_2082 : i32 to vector<4x2048xi32>
      %shift_right_arithmetic3A_2084 = arith.shrsi %iota3A, %shift_right_arithmetic3A_2083 : vector<4x2048xi32>
      %shift_right_arithmetic3A_2085 = arith.constant 10 : i32
      %shift_right_arithmetic3A_2086 = vector.broadcast %shift_right_arithmetic3A_2085 : i32 to vector<4x2048xi32>
      %shift_right_arithmetic3A_2087 = arith.shrsi %iota3A, %shift_right_arithmetic3A_2086 : vector<4x2048xi32>
      %xor3A_2088 = arith.xori %shift_right_arithmetic3A_2084, %shift_right_arithmetic3A_2087 : vector<4x2048xi32>
      %and3A_2089 = arith.constant 1 : i32
      %and3A_2090 = vector.broadcast %and3A_2089 : i32 to vector<4x2048xi32>
      %and3A_2091 = arith.andi %xor3A_2088, %and3A_2090 : vector<4x2048xi32>
      %xor3A_2092 = arith.xori %convert_element_type3A_2081, %and3A_2091 : vector<4x2048xi32>
      %eq3A_2093 = arith.constant 1 : i32
      %eq3A_2094 = vector.broadcast %eq3A_2093 : i32 to vector<4x2048xi32>
      %eq3A_2095 = arith.cmpi eq, %xor3A_2092, %eq3A_2094 : vector<4x2048xi32>
      %select_n3A_2096 = arith.select %eq3A_2095, %select_n3A_2058, %select_n3A_2070 : vector<4x2048xi1>, vector<4x2048xi32>
      %select_n3A_2097 = arith.select %eq3A_2095, %select_n3A_2059, %select_n3A_2075 : vector<4x2048xi1>, vector<4x2048xi32>
      %and3A_2098 = arith.constant 1 : i32
      %and3A_2099 = vector.broadcast %and3A_2098 : i32 to vector<4x2048xi32>
      %and3A_2100 = arith.andi %iota3A, %and3A_2099 : vector<4x2048xi32>
      %eq3A_2101 = arith.constant 0 : i32
      %eq3A_2102 = vector.broadcast %eq3A_2101 : i32 to vector<4x2048xi32>
      %eq3A_2103 = arith.cmpi eq, %and3A_2100, %eq3A_2102 : vector<4x2048xi32>
      %roll3A_2104 = arith.constant 2047 : i32
      %roll3A_2105 = tpu.dynamic_rotate %select_n3A_2096 by %roll3A_2104 dim 1 : vector<4x2048xi32>, i32 -> vector<4x2048xi32>
      %roll3A_2106 = arith.constant 1 : i32
      %roll3A_2107 = tpu.dynamic_rotate %select_n3A_2096 by %roll3A_2106 dim 1 : vector<4x2048xi32>, i32 -> vector<4x2048xi32>
      %select_n3A_2108 = arith.select %eq3A_2103, %roll3A_2105, %roll3A_2107 : vector<4x2048xi1>, vector<4x2048xi32>
      %roll3A_2109 = arith.constant 2047 : i32
      %roll3A_2110 = tpu.dynamic_rotate %select_n3A_2097 by %roll3A_2109 dim 1 : vector<4x2048xi32>, i32 -> vector<4x2048xi32>
      %roll3A_2111 = arith.constant 1 : i32
      %roll3A_2112 = tpu.dynamic_rotate %select_n3A_2097 by %roll3A_2111 dim 1 : vector<4x2048xi32>, i32 -> vector<4x2048xi32>
      %select_n3A_2113 = arith.select %eq3A_2103, %roll3A_2110, %roll3A_2112 : vector<4x2048xi1>, vector<4x2048xi32>
      %gt3A_2114 = arith.cmpi sgt, %select_n3A_2096, %select_n3A_2108 : vector<4x2048xi32>
      %eq3A_2115 = arith.cmpi eq, %select_n3A_2096, %select_n3A_2108 : vector<4x2048xi32>
      %lt3A_2116 = arith.cmpi slt, %select_n3A_2097, %select_n3A_2113 : vector<4x2048xi32>
      %and3A_2117 = arith.andi %eq3A_2115, %lt3A_2116 : vector<4x2048xi1>
      %or3A_2118 = arith.ori %gt3A_2114, %and3A_2117 : vector<4x2048xi1>
      %convert_element_type3A_2119 = arith.extui %or3A_2118 : vector<4x2048xi1> to vector<4x2048xi32>
      %shift_right_arithmetic3A_2120 = arith.constant 0 : i32
      %shift_right_arithmetic3A_2121 = vector.broadcast %shift_right_arithmetic3A_2120 : i32 to vector<4x2048xi32>
      %shift_right_arithmetic3A_2122 = arith.shrsi %iota3A, %shift_right_arithmetic3A_2121 : vector<4x2048xi32>
      %shift_right_arithmetic3A_2123 = arith.constant 10 : i32
      %shift_right_arithmetic3A_2124 = vector.broadcast %shift_right_arithmetic3A_2123 : i32 to vector<4x2048xi32>
      %shift_right_arithmetic3A_2125 = arith.shrsi %iota3A, %shift_right_arithmetic3A_2124 : vector<4x2048xi32>
      %xor3A_2126 = arith.xori %shift_right_arithmetic3A_2122, %shift_right_arithmetic3A_2125 : vector<4x2048xi32>
      %and3A_2127 = arith.constant 1 : i32
      %and3A_2128 = vector.broadcast %and3A_2127 : i32 to vector<4x2048xi32>
      %and3A_2129 = arith.andi %xor3A_2126, %and3A_2128 : vector<4x2048xi32>
      %xor3A_2130 = arith.xori %convert_element_type3A_2119, %and3A_2129 : vector<4x2048xi32>
      %eq3A_2131 = arith.constant 1 : i32
      %eq3A_2132 = vector.broadcast %eq3A_2131 : i32 to vector<4x2048xi32>
      %eq3A_2133 = arith.cmpi eq, %xor3A_2130, %eq3A_2132 : vector<4x2048xi32>
      %select_n3A_2134 = arith.select %eq3A_2133, %select_n3A_2096, %select_n3A_2108 : vector<4x2048xi1>, vector<4x2048xi32>
      %select_n3A_2135 = arith.select %eq3A_2133, %select_n3A_2097, %select_n3A_2113 : vector<4x2048xi1>, vector<4x2048xi32>
      %and3A_2136 = arith.constant 1024 : i32
      %and3A_2137 = vector.broadcast %and3A_2136 : i32 to vector<4x2048xi32>
      %and3A_2138 = arith.andi %iota3A, %and3A_2137 : vector<4x2048xi32>
      %eq3A_2139 = arith.constant 0 : i32
      %eq3A_2140 = vector.broadcast %eq3A_2139 : i32 to vector<4x2048xi32>
      %eq3A_2141 = arith.cmpi eq, %and3A_2138, %eq3A_2140 : vector<4x2048xi32>
      %roll3A_2142 = arith.constant 1024 : i32
      %roll3A_2143 = tpu.dynamic_rotate %select_n3A_2134 by %roll3A_2142 dim 1 : vector<4x2048xi32>, i32 -> vector<4x2048xi32>
      %roll3A_2144 = arith.constant 1024 : i32
      %roll3A_2145 = tpu.dynamic_rotate %select_n3A_2134 by %roll3A_2144 dim 1 : vector<4x2048xi32>, i32 -> vector<4x2048xi32>
      %select_n3A_2146 = arith.select %eq3A_2141, %roll3A_2143, %roll3A_2145 : vector<4x2048xi1>, vector<4x2048xi32>
      %roll3A_2147 = arith.constant 1024 : i32
      %roll3A_2148 = tpu.dynamic_rotate %select_n3A_2135 by %roll3A_2147 dim 1 : vector<4x2048xi32>, i32 -> vector<4x2048xi32>
      %roll3A_2149 = arith.constant 1024 : i32
      %roll3A_2150 = tpu.dynamic_rotate %select_n3A_2135 by %roll3A_2149 dim 1 : vector<4x2048xi32>, i32 -> vector<4x2048xi32>
      %select_n3A_2151 = arith.select %eq3A_2141, %roll3A_2148, %roll3A_2150 : vector<4x2048xi1>, vector<4x2048xi32>
      %gt3A_2152 = arith.cmpi sgt, %select_n3A_2134, %select_n3A_2146 : vector<4x2048xi32>
      %eq3A_2153 = arith.cmpi eq, %select_n3A_2134, %select_n3A_2146 : vector<4x2048xi32>
      %lt3A_2154 = arith.cmpi slt, %select_n3A_2135, %select_n3A_2151 : vector<4x2048xi32>
      %and3A_2155 = arith.andi %eq3A_2153, %lt3A_2154 : vector<4x2048xi1>
      %or3A_2156 = arith.ori %gt3A_2152, %and3A_2155 : vector<4x2048xi1>
      %convert_element_type3A_2157 = arith.extui %or3A_2156 : vector<4x2048xi1> to vector<4x2048xi32>
      %shift_right_arithmetic3A_2158 = arith.constant 10 : i32
      %shift_right_arithmetic3A_2159 = vector.broadcast %shift_right_arithmetic3A_2158 : i32 to vector<4x2048xi32>
      %shift_right_arithmetic3A_2160 = arith.shrsi %iota3A, %shift_right_arithmetic3A_2159 : vector<4x2048xi32>
      %shift_right_arithmetic3A_2161 = arith.constant 11 : i32
      %shift_right_arithmetic3A_2162 = vector.broadcast %shift_right_arithmetic3A_2161 : i32 to vector<4x2048xi32>
      %shift_right_arithmetic3A_2163 = arith.shrsi %iota3A, %shift_right_arithmetic3A_2162 : vector<4x2048xi32>
      %xor3A_2164 = arith.xori %shift_right_arithmetic3A_2160, %shift_right_arithmetic3A_2163 : vector<4x2048xi32>
      %and3A_2165 = arith.constant 1 : i32
      %and3A_2166 = vector.broadcast %and3A_2165 : i32 to vector<4x2048xi32>
      %and3A_2167 = arith.andi %xor3A_2164, %and3A_2166 : vector<4x2048xi32>
      %xor3A_2168 = arith.xori %convert_element_type3A_2157, %and3A_2167 : vector<4x2048xi32>
      %eq3A_2169 = arith.constant 1 : i32
      %eq3A_2170 = vector.broadcast %eq3A_2169 : i32 to vector<4x2048xi32>
      %eq3A_2171 = arith.cmpi eq, %xor3A_2168, %eq3A_2170 : vector<4x2048xi32>
      %select_n3A_2172 = arith.select %eq3A_2171, %select_n3A_2134, %select_n3A_2146 : vector<4x2048xi1>, vector<4x2048xi32>
      %select_n3A_2173 = arith.select %eq3A_2171, %select_n3A_2135, %select_n3A_2151 : vector<4x2048xi1>, vector<4x2048xi32>
      %and3A_2174 = arith.constant 512 : i32
      %and3A_2175 = vector.broadcast %and3A_2174 : i32 to vector<4x2048xi32>
      %and3A_2176 = arith.andi %iota3A, %and3A_2175 : vector<4x2048xi32>
      %eq3A_2177 = arith.constant 0 : i32
      %eq3A_2178 = vector.broadcast %eq3A_2177 : i32 to vector<4x2048xi32>
      %eq3A_2179 = arith.cmpi eq, %and3A_2176, %eq3A_2178 : vector<4x2048xi32>
      %roll3A_2180 = arith.constant 1536 : i32
      %roll3A_2181 = tpu.dynamic_rotate %select_n3A_2172 by %roll3A_2180 dim 1 : vector<4x2048xi32>, i32 -> vector<4x2048xi32>
      %roll3A_2182 = arith.constant 512 : i32
      %roll3A_2183 = tpu.dynamic_rotate %select_n3A_2172 by %roll3A_2182 dim 1 : vector<4x2048xi32>, i32 -> vector<4x2048xi32>
      %select_n3A_2184 = arith.select %eq3A_2179, %roll3A_2181, %roll3A_2183 : vector<4x2048xi1>, vector<4x2048xi32>
      %roll3A_2185 = arith.constant 1536 : i32
      %roll3A_2186 = tpu.dynamic_rotate %select_n3A_2173 by %roll3A_2185 dim 1 : vector<4x2048xi32>, i32 -> vector<4x2048xi32>
      %roll3A_2187 = arith.constant 512 : i32
      %roll3A_2188 = tpu.dynamic_rotate %select_n3A_2173 by %roll3A_2187 dim 1 : vector<4x2048xi32>, i32 -> vector<4x2048xi32>
      %select_n3A_2189 = arith.select %eq3A_2179, %roll3A_2186, %roll3A_2188 : vector<4x2048xi1>, vector<4x2048xi32>
      %gt3A_2190 = arith.cmpi sgt, %select_n3A_2172, %select_n3A_2184 : vector<4x2048xi32>
      %eq3A_2191 = arith.cmpi eq, %select_n3A_2172, %select_n3A_2184 : vector<4x2048xi32>
      %lt3A_2192 = arith.cmpi slt, %select_n3A_2173, %select_n3A_2189 : vector<4x2048xi32>
      %and3A_2193 = arith.andi %eq3A_2191, %lt3A_2192 : vector<4x2048xi1>
      %or3A_2194 = arith.ori %gt3A_2190, %and3A_2193 : vector<4x2048xi1>
      %convert_element_type3A_2195 = arith.extui %or3A_2194 : vector<4x2048xi1> to vector<4x2048xi32>
      %shift_right_arithmetic3A_2196 = arith.constant 9 : i32
      %shift_right_arithmetic3A_2197 = vector.broadcast %shift_right_arithmetic3A_2196 : i32 to vector<4x2048xi32>
      %shift_right_arithmetic3A_2198 = arith.shrsi %iota3A, %shift_right_arithmetic3A_2197 : vector<4x2048xi32>
      %shift_right_arithmetic3A_2199 = arith.constant 11 : i32
      %shift_right_arithmetic3A_2200 = vector.broadcast %shift_right_arithmetic3A_2199 : i32 to vector<4x2048xi32>
      %shift_right_arithmetic3A_2201 = arith.shrsi %iota3A, %shift_right_arithmetic3A_2200 : vector<4x2048xi32>
      %xor3A_2202 = arith.xori %shift_right_arithmetic3A_2198, %shift_right_arithmetic3A_2201 : vector<4x2048xi32>
      %and3A_2203 = arith.constant 1 : i32
      %and3A_2204 = vector.broadcast %and3A_2203 : i32 to vector<4x2048xi32>
      %and3A_2205 = arith.andi %xor3A_2202, %and3A_2204 : vector<4x2048xi32>
      %xor3A_2206 = arith.xori %convert_element_type3A_2195, %and3A_2205 : vector<4x2048xi32>
      %eq3A_2207 = arith.constant 1 : i32
      %eq3A_2208 = vector.broadcast %eq3A_2207 : i32 to vector<4x2048xi32>
      %eq3A_2209 = arith.cmpi eq, %xor3A_2206, %eq3A_2208 : vector<4x2048xi32>
      %select_n3A_2210 = arith.select %eq3A_2209, %select_n3A_2172, %select_n3A_2184 : vector<4x2048xi1>, vector<4x2048xi32>
      %select_n3A_2211 = arith.select %eq3A_2209, %select_n3A_2173, %select_n3A_2189 : vector<4x2048xi1>, vector<4x2048xi32>
      %and3A_2212 = arith.constant 256 : i32
      %and3A_2213 = vector.broadcast %and3A_2212 : i32 to vector<4x2048xi32>
      %and3A_2214 = arith.andi %iota3A, %and3A_2213 : vector<4x2048xi32>
      %eq3A_2215 = arith.constant 0 : i32
      %eq3A_2216 = vector.broadcast %eq3A_2215 : i32 to vector<4x2048xi32>
      %eq3A_2217 = arith.cmpi eq, %and3A_2214, %eq3A_2216 : vector<4x2048xi32>
      %roll3A_2218 = arith.constant 1792 : i32
      %roll3A_2219 = tpu.dynamic_rotate %select_n3A_2210 by %roll3A_2218 dim 1 : vector<4x2048xi32>, i32 -> vector<4x2048xi32>
      %roll3A_2220 = arith.constant 256 : i32
      %roll3A_2221 = tpu.dynamic_rotate %select_n3A_2210 by %roll3A_2220 dim 1 : vector<4x2048xi32>, i32 -> vector<4x2048xi32>
      %select_n3A_2222 = arith.select %eq3A_2217, %roll3A_2219, %roll3A_2221 : vector<4x2048xi1>, vector<4x2048xi32>
      %roll3A_2223 = arith.constant 1792 : i32
      %roll3A_2224 = tpu.dynamic_rotate %select_n3A_2211 by %roll3A_2223 dim 1 : vector<4x2048xi32>, i32 -> vector<4x2048xi32>
      %roll3A_2225 = arith.constant 256 : i32
      %roll3A_2226 = tpu.dynamic_rotate %select_n3A_2211 by %roll3A_2225 dim 1 : vector<4x2048xi32>, i32 -> vector<4x2048xi32>
      %select_n3A_2227 = arith.select %eq3A_2217, %roll3A_2224, %roll3A_2226 : vector<4x2048xi1>, vector<4x2048xi32>
      %gt3A_2228 = arith.cmpi sgt, %select_n3A_2210, %select_n3A_2222 : vector<4x2048xi32>
      %eq3A_2229 = arith.cmpi eq, %select_n3A_2210, %select_n3A_2222 : vector<4x2048xi32>
      %lt3A_2230 = arith.cmpi slt, %select_n3A_2211, %select_n3A_2227 : vector<4x2048xi32>
      %and3A_2231 = arith.andi %eq3A_2229, %lt3A_2230 : vector<4x2048xi1>
      %or3A_2232 = arith.ori %gt3A_2228, %and3A_2231 : vector<4x2048xi1>
      %convert_element_type3A_2233 = arith.extui %or3A_2232 : vector<4x2048xi1> to vector<4x2048xi32>
      %shift_right_arithmetic3A_2234 = arith.constant 8 : i32
      %shift_right_arithmetic3A_2235 = vector.broadcast %shift_right_arithmetic3A_2234 : i32 to vector<4x2048xi32>
      %shift_right_arithmetic3A_2236 = arith.shrsi %iota3A, %shift_right_arithmetic3A_2235 : vector<4x2048xi32>
      %shift_right_arithmetic3A_2237 = arith.constant 11 : i32
      %shift_right_arithmetic3A_2238 = vector.broadcast %shift_right_arithmetic3A_2237 : i32 to vector<4x2048xi32>
      %shift_right_arithmetic3A_2239 = arith.shrsi %iota3A, %shift_right_arithmetic3A_2238 : vector<4x2048xi32>
      %xor3A_2240 = arith.xori %shift_right_arithmetic3A_2236, %shift_right_arithmetic3A_2239 : vector<4x2048xi32>
      %and3A_2241 = arith.constant 1 : i32
      %and3A_2242 = vector.broadcast %and3A_2241 : i32 to vector<4x2048xi32>
      %and3A_2243 = arith.andi %xor3A_2240, %and3A_2242 : vector<4x2048xi32>
      %xor3A_2244 = arith.xori %convert_element_type3A_2233, %and3A_2243 : vector<4x2048xi32>
      %eq3A_2245 = arith.constant 1 : i32
      %eq3A_2246 = vector.broadcast %eq3A_2245 : i32 to vector<4x2048xi32>
      %eq3A_2247 = arith.cmpi eq, %xor3A_2244, %eq3A_2246 : vector<4x2048xi32>
      %select_n3A_2248 = arith.select %eq3A_2247, %select_n3A_2210, %select_n3A_2222 : vector<4x2048xi1>, vector<4x2048xi32>
      %select_n3A_2249 = arith.select %eq3A_2247, %select_n3A_2211, %select_n3A_2227 : vector<4x2048xi1>, vector<4x2048xi32>
      %and3A_2250 = arith.constant 128 : i32
      %and3A_2251 = vector.broadcast %and3A_2250 : i32 to vector<4x2048xi32>
      %and3A_2252 = arith.andi %iota3A, %and3A_2251 : vector<4x2048xi32>
      %eq3A_2253 = arith.constant 0 : i32
      %eq3A_2254 = vector.broadcast %eq3A_2253 : i32 to vector<4x2048xi32>
      %eq3A_2255 = arith.cmpi eq, %and3A_2252, %eq3A_2254 : vector<4x2048xi32>
      %roll3A_2256 = arith.constant 1920 : i32
      %roll3A_2257 = tpu.dynamic_rotate %select_n3A_2248 by %roll3A_2256 dim 1 : vector<4x2048xi32>, i32 -> vector<4x2048xi32>
      %roll3A_2258 = arith.constant 128 : i32
      %roll3A_2259 = tpu.dynamic_rotate %select_n3A_2248 by %roll3A_2258 dim 1 : vector<4x2048xi32>, i32 -> vector<4x2048xi32>
      %select_n3A_2260 = arith.select %eq3A_2255, %roll3A_2257, %roll3A_2259 : vector<4x2048xi1>, vector<4x2048xi32>
      %roll3A_2261 = arith.constant 1920 : i32
      %roll3A_2262 = tpu.dynamic_rotate %select_n3A_2249 by %roll3A_2261 dim 1 : vector<4x2048xi32>, i32 -> vector<4x2048xi32>
      %roll3A_2263 = arith.constant 128 : i32
      %roll3A_2264 = tpu.dynamic_rotate %select_n3A_2249 by %roll3A_2263 dim 1 : vector<4x2048xi32>, i32 -> vector<4x2048xi32>
      %select_n3A_2265 = arith.select %eq3A_2255, %roll3A_2262, %roll3A_2264 : vector<4x2048xi1>, vector<4x2048xi32>
      %gt3A_2266 = arith.cmpi sgt, %select_n3A_2248, %select_n3A_2260 : vector<4x2048xi32>
      %eq3A_2267 = arith.cmpi eq, %select_n3A_2248, %select_n3A_2260 : vector<4x2048xi32>
      %lt3A_2268 = arith.cmpi slt, %select_n3A_2249, %select_n3A_2265 : vector<4x2048xi32>
      %and3A_2269 = arith.andi %eq3A_2267, %lt3A_2268 : vector<4x2048xi1>
      %or3A_2270 = arith.ori %gt3A_2266, %and3A_2269 : vector<4x2048xi1>
      %convert_element_type3A_2271 = arith.extui %or3A_2270 : vector<4x2048xi1> to vector<4x2048xi32>
      %shift_right_arithmetic3A_2272 = arith.constant 7 : i32
      %shift_right_arithmetic3A_2273 = vector.broadcast %shift_right_arithmetic3A_2272 : i32 to vector<4x2048xi32>
      %shift_right_arithmetic3A_2274 = arith.shrsi %iota3A, %shift_right_arithmetic3A_2273 : vector<4x2048xi32>
      %shift_right_arithmetic3A_2275 = arith.constant 11 : i32
      %shift_right_arithmetic3A_2276 = vector.broadcast %shift_right_arithmetic3A_2275 : i32 to vector<4x2048xi32>
      %shift_right_arithmetic3A_2277 = arith.shrsi %iota3A, %shift_right_arithmetic3A_2276 : vector<4x2048xi32>
      %xor3A_2278 = arith.xori %shift_right_arithmetic3A_2274, %shift_right_arithmetic3A_2277 : vector<4x2048xi32>
      %and3A_2279 = arith.constant 1 : i32
      %and3A_2280 = vector.broadcast %and3A_2279 : i32 to vector<4x2048xi32>
      %and3A_2281 = arith.andi %xor3A_2278, %and3A_2280 : vector<4x2048xi32>
      %xor3A_2282 = arith.xori %convert_element_type3A_2271, %and3A_2281 : vector<4x2048xi32>
      %eq3A_2283 = arith.constant 1 : i32
      %eq3A_2284 = vector.broadcast %eq3A_2283 : i32 to vector<4x2048xi32>
      %eq3A_2285 = arith.cmpi eq, %xor3A_2282, %eq3A_2284 : vector<4x2048xi32>
      %select_n3A_2286 = arith.select %eq3A_2285, %select_n3A_2248, %select_n3A_2260 : vector<4x2048xi1>, vector<4x2048xi32>
      %select_n3A_2287 = arith.select %eq3A_2285, %select_n3A_2249, %select_n3A_2265 : vector<4x2048xi1>, vector<4x2048xi32>
      %and3A_2288 = arith.constant 64 : i32
      %and3A_2289 = vector.broadcast %and3A_2288 : i32 to vector<4x2048xi32>
      %and3A_2290 = arith.andi %iota3A, %and3A_2289 : vector<4x2048xi32>
      %eq3A_2291 = arith.constant 0 : i32
      %eq3A_2292 = vector.broadcast %eq3A_2291 : i32 to vector<4x2048xi32>
      %eq3A_2293 = arith.cmpi eq, %and3A_2290, %eq3A_2292 : vector<4x2048xi32>
      %roll3A_2294 = arith.constant 1984 : i32
      %roll3A_2295 = tpu.dynamic_rotate %select_n3A_2286 by %roll3A_2294 dim 1 : vector<4x2048xi32>, i32 -> vector<4x2048xi32>
      %roll3A_2296 = arith.constant 64 : i32
      %roll3A_2297 = tpu.dynamic_rotate %select_n3A_2286 by %roll3A_2296 dim 1 : vector<4x2048xi32>, i32 -> vector<4x2048xi32>
      %select_n3A_2298 = arith.select %eq3A_2293, %roll3A_2295, %roll3A_2297 : vector<4x2048xi1>, vector<4x2048xi32>
      %roll3A_2299 = arith.constant 1984 : i32
      %roll3A_2300 = tpu.dynamic_rotate %select_n3A_2287 by %roll3A_2299 dim 1 : vector<4x2048xi32>, i32 -> vector<4x2048xi32>
      %roll3A_2301 = arith.constant 64 : i32
      %roll3A_2302 = tpu.dynamic_rotate %select_n3A_2287 by %roll3A_2301 dim 1 : vector<4x2048xi32>, i32 -> vector<4x2048xi32>
      %select_n3A_2303 = arith.select %eq3A_2293, %roll3A_2300, %roll3A_2302 : vector<4x2048xi1>, vector<4x2048xi32>
      %gt3A_2304 = arith.cmpi sgt, %select_n3A_2286, %select_n3A_2298 : vector<4x2048xi32>
      %eq3A_2305 = arith.cmpi eq, %select_n3A_2286, %select_n3A_2298 : vector<4x2048xi32>
      %lt3A_2306 = arith.cmpi slt, %select_n3A_2287, %select_n3A_2303 : vector<4x2048xi32>
      %and3A_2307 = arith.andi %eq3A_2305, %lt3A_2306 : vector<4x2048xi1>
      %or3A_2308 = arith.ori %gt3A_2304, %and3A_2307 : vector<4x2048xi1>
      %convert_element_type3A_2309 = arith.extui %or3A_2308 : vector<4x2048xi1> to vector<4x2048xi32>
      %shift_right_arithmetic3A_2310 = arith.constant 6 : i32
      %shift_right_arithmetic3A_2311 = vector.broadcast %shift_right_arithmetic3A_2310 : i32 to vector<4x2048xi32>
      %shift_right_arithmetic3A_2312 = arith.shrsi %iota3A, %shift_right_arithmetic3A_2311 : vector<4x2048xi32>
      %shift_right_arithmetic3A_2313 = arith.constant 11 : i32
      %shift_right_arithmetic3A_2314 = vector.broadcast %shift_right_arithmetic3A_2313 : i32 to vector<4x2048xi32>
      %shift_right_arithmetic3A_2315 = arith.shrsi %iota3A, %shift_right_arithmetic3A_2314 : vector<4x2048xi32>
      %xor3A_2316 = arith.xori %shift_right_arithmetic3A_2312, %shift_right_arithmetic3A_2315 : vector<4x2048xi32>
      %and3A_2317 = arith.constant 1 : i32
      %and3A_2318 = vector.broadcast %and3A_2317 : i32 to vector<4x2048xi32>
      %and3A_2319 = arith.andi %xor3A_2316, %and3A_2318 : vector<4x2048xi32>
      %xor3A_2320 = arith.xori %convert_element_type3A_2309, %and3A_2319 : vector<4x2048xi32>
      %eq3A_2321 = arith.constant 1 : i32
      %eq3A_2322 = vector.broadcast %eq3A_2321 : i32 to vector<4x2048xi32>
      %eq3A_2323 = arith.cmpi eq, %xor3A_2320, %eq3A_2322 : vector<4x2048xi32>
      %select_n3A_2324 = arith.select %eq3A_2323, %select_n3A_2286, %select_n3A_2298 : vector<4x2048xi1>, vector<4x2048xi32>
      %select_n3A_2325 = arith.select %eq3A_2323, %select_n3A_2287, %select_n3A_2303 : vector<4x2048xi1>, vector<4x2048xi32>
      %and3A_2326 = arith.constant 32 : i32
      %and3A_2327 = vector.broadcast %and3A_2326 : i32 to vector<4x2048xi32>
      %and3A_2328 = arith.andi %iota3A, %and3A_2327 : vector<4x2048xi32>
      %eq3A_2329 = arith.constant 0 : i32
      %eq3A_2330 = vector.broadcast %eq3A_2329 : i32 to vector<4x2048xi32>
      %eq3A_2331 = arith.cmpi eq, %and3A_2328, %eq3A_2330 : vector<4x2048xi32>
      %roll3A_2332 = arith.constant 2016 : i32
      %roll3A_2333 = tpu.dynamic_rotate %select_n3A_2324 by %roll3A_2332 dim 1 : vector<4x2048xi32>, i32 -> vector<4x2048xi32>
      %roll3A_2334 = arith.constant 32 : i32
      %roll3A_2335 = tpu.dynamic_rotate %select_n3A_2324 by %roll3A_2334 dim 1 : vector<4x2048xi32>, i32 -> vector<4x2048xi32>
      %select_n3A_2336 = arith.select %eq3A_2331, %roll3A_2333, %roll3A_2335 : vector<4x2048xi1>, vector<4x2048xi32>
      %roll3A_2337 = arith.constant 2016 : i32
      %roll3A_2338 = tpu.dynamic_rotate %select_n3A_2325 by %roll3A_2337 dim 1 : vector<4x2048xi32>, i32 -> vector<4x2048xi32>
      %roll3A_2339 = arith.constant 32 : i32
      %roll3A_2340 = tpu.dynamic_rotate %select_n3A_2325 by %roll3A_2339 dim 1 : vector<4x2048xi32>, i32 -> vector<4x2048xi32>
      %select_n3A_2341 = arith.select %eq3A_2331, %roll3A_2338, %roll3A_2340 : vector<4x2048xi1>, vector<4x2048xi32>
      %gt3A_2342 = arith.cmpi sgt, %select_n3A_2324, %select_n3A_2336 : vector<4x2048xi32>
      %eq3A_2343 = arith.cmpi eq, %select_n3A_2324, %select_n3A_2336 : vector<4x2048xi32>
      %lt3A_2344 = arith.cmpi slt, %select_n3A_2325, %select_n3A_2341 : vector<4x2048xi32>
      %and3A_2345 = arith.andi %eq3A_2343, %lt3A_2344 : vector<4x2048xi1>
      %or3A_2346 = arith.ori %gt3A_2342, %and3A_2345 : vector<4x2048xi1>
      %convert_element_type3A_2347 = arith.extui %or3A_2346 : vector<4x2048xi1> to vector<4x2048xi32>
      %shift_right_arithmetic3A_2348 = arith.constant 5 : i32
      %shift_right_arithmetic3A_2349 = vector.broadcast %shift_right_arithmetic3A_2348 : i32 to vector<4x2048xi32>
      %shift_right_arithmetic3A_2350 = arith.shrsi %iota3A, %shift_right_arithmetic3A_2349 : vector<4x2048xi32>
      %shift_right_arithmetic3A_2351 = arith.constant 11 : i32
      %shift_right_arithmetic3A_2352 = vector.broadcast %shift_right_arithmetic3A_2351 : i32 to vector<4x2048xi32>
      %shift_right_arithmetic3A_2353 = arith.shrsi %iota3A, %shift_right_arithmetic3A_2352 : vector<4x2048xi32>
      %xor3A_2354 = arith.xori %shift_right_arithmetic3A_2350, %shift_right_arithmetic3A_2353 : vector<4x2048xi32>
      %and3A_2355 = arith.constant 1 : i32
      %and3A_2356 = vector.broadcast %and3A_2355 : i32 to vector<4x2048xi32>
      %and3A_2357 = arith.andi %xor3A_2354, %and3A_2356 : vector<4x2048xi32>
      %xor3A_2358 = arith.xori %convert_element_type3A_2347, %and3A_2357 : vector<4x2048xi32>
      %eq3A_2359 = arith.constant 1 : i32
      %eq3A_2360 = vector.broadcast %eq3A_2359 : i32 to vector<4x2048xi32>
      %eq3A_2361 = arith.cmpi eq, %xor3A_2358, %eq3A_2360 : vector<4x2048xi32>
      %select_n3A_2362 = arith.select %eq3A_2361, %select_n3A_2324, %select_n3A_2336 : vector<4x2048xi1>, vector<4x2048xi32>
      %select_n3A_2363 = arith.select %eq3A_2361, %select_n3A_2325, %select_n3A_2341 : vector<4x2048xi1>, vector<4x2048xi32>
      %and3A_2364 = arith.constant 16 : i32
      %and3A_2365 = vector.broadcast %and3A_2364 : i32 to vector<4x2048xi32>
      %and3A_2366 = arith.andi %iota3A, %and3A_2365 : vector<4x2048xi32>
      %eq3A_2367 = arith.constant 0 : i32
      %eq3A_2368 = vector.broadcast %eq3A_2367 : i32 to vector<4x2048xi32>
      %eq3A_2369 = arith.cmpi eq, %and3A_2366, %eq3A_2368 : vector<4x2048xi32>
      %roll3A_2370 = arith.constant 2032 : i32
      %roll3A_2371 = tpu.dynamic_rotate %select_n3A_2362 by %roll3A_2370 dim 1 : vector<4x2048xi32>, i32 -> vector<4x2048xi32>
      %roll3A_2372 = arith.constant 16 : i32
      %roll3A_2373 = tpu.dynamic_rotate %select_n3A_2362 by %roll3A_2372 dim 1 : vector<4x2048xi32>, i32 -> vector<4x2048xi32>
      %select_n3A_2374 = arith.select %eq3A_2369, %roll3A_2371, %roll3A_2373 : vector<4x2048xi1>, vector<4x2048xi32>
      %roll3A_2375 = arith.constant 2032 : i32
      %roll3A_2376 = tpu.dynamic_rotate %select_n3A_2363 by %roll3A_2375 dim 1 : vector<4x2048xi32>, i32 -> vector<4x2048xi32>
      %roll3A_2377 = arith.constant 16 : i32
      %roll3A_2378 = tpu.dynamic_rotate %select_n3A_2363 by %roll3A_2377 dim 1 : vector<4x2048xi32>, i32 -> vector<4x2048xi32>
      %select_n3A_2379 = arith.select %eq3A_2369, %roll3A_2376, %roll3A_2378 : vector<4x2048xi1>, vector<4x2048xi32>
      %gt3A_2380 = arith.cmpi sgt, %select_n3A_2362, %select_n3A_2374 : vector<4x2048xi32>
      %eq3A_2381 = arith.cmpi eq, %select_n3A_2362, %select_n3A_2374 : vector<4x2048xi32>
      %lt3A_2382 = arith.cmpi slt, %select_n3A_2363, %select_n3A_2379 : vector<4x2048xi32>
      %and3A_2383 = arith.andi %eq3A_2381, %lt3A_2382 : vector<4x2048xi1>
      %or3A_2384 = arith.ori %gt3A_2380, %and3A_2383 : vector<4x2048xi1>
      %convert_element_type3A_2385 = arith.extui %or3A_2384 : vector<4x2048xi1> to vector<4x2048xi32>
      %shift_right_arithmetic3A_2386 = arith.constant 4 : i32
      %shift_right_arithmetic3A_2387 = vector.broadcast %shift_right_arithmetic3A_2386 : i32 to vector<4x2048xi32>
      %shift_right_arithmetic3A_2388 = arith.shrsi %iota3A, %shift_right_arithmetic3A_2387 : vector<4x2048xi32>
      %shift_right_arithmetic3A_2389 = arith.constant 11 : i32
      %shift_right_arithmetic3A_2390 = vector.broadcast %shift_right_arithmetic3A_2389 : i32 to vector<4x2048xi32>
      %shift_right_arithmetic3A_2391 = arith.shrsi %iota3A, %shift_right_arithmetic3A_2390 : vector<4x2048xi32>
      %xor3A_2392 = arith.xori %shift_right_arithmetic3A_2388, %shift_right_arithmetic3A_2391 : vector<4x2048xi32>
      %and3A_2393 = arith.constant 1 : i32
      %and3A_2394 = vector.broadcast %and3A_2393 : i32 to vector<4x2048xi32>
      %and3A_2395 = arith.andi %xor3A_2392, %and3A_2394 : vector<4x2048xi32>
      %xor3A_2396 = arith.xori %convert_element_type3A_2385, %and3A_2395 : vector<4x2048xi32>
      %eq3A_2397 = arith.constant 1 : i32
      %eq3A_2398 = vector.broadcast %eq3A_2397 : i32 to vector<4x2048xi32>
      %eq3A_2399 = arith.cmpi eq, %xor3A_2396, %eq3A_2398 : vector<4x2048xi32>
      %select_n3A_2400 = arith.select %eq3A_2399, %select_n3A_2362, %select_n3A_2374 : vector<4x2048xi1>, vector<4x2048xi32>
      %select_n3A_2401 = arith.select %eq3A_2399, %select_n3A_2363, %select_n3A_2379 : vector<4x2048xi1>, vector<4x2048xi32>
      %and3A_2402 = arith.constant 8 : i32
      %and3A_2403 = vector.broadcast %and3A_2402 : i32 to vector<4x2048xi32>
      %and3A_2404 = arith.andi %iota3A, %and3A_2403 : vector<4x2048xi32>
      %eq3A_2405 = arith.constant 0 : i32
      %eq3A_2406 = vector.broadcast %eq3A_2405 : i32 to vector<4x2048xi32>
      %eq3A_2407 = arith.cmpi eq, %and3A_2404, %eq3A_2406 : vector<4x2048xi32>
      %roll3A_2408 = arith.constant 2040 : i32
      %roll3A_2409 = tpu.dynamic_rotate %select_n3A_2400 by %roll3A_2408 dim 1 : vector<4x2048xi32>, i32 -> vector<4x2048xi32>
      %roll3A_2410 = arith.constant 8 : i32
      %roll3A_2411 = tpu.dynamic_rotate %select_n3A_2400 by %roll3A_2410 dim 1 : vector<4x2048xi32>, i32 -> vector<4x2048xi32>
      %select_n3A_2412 = arith.select %eq3A_2407, %roll3A_2409, %roll3A_2411 : vector<4x2048xi1>, vector<4x2048xi32>
      %roll3A_2413 = arith.constant 2040 : i32
      %roll3A_2414 = tpu.dynamic_rotate %select_n3A_2401 by %roll3A_2413 dim 1 : vector<4x2048xi32>, i32 -> vector<4x2048xi32>
      %roll3A_2415 = arith.constant 8 : i32
      %roll3A_2416 = tpu.dynamic_rotate %select_n3A_2401 by %roll3A_2415 dim 1 : vector<4x2048xi32>, i32 -> vector<4x2048xi32>
      %select_n3A_2417 = arith.select %eq3A_2407, %roll3A_2414, %roll3A_2416 : vector<4x2048xi1>, vector<4x2048xi32>
      %gt3A_2418 = arith.cmpi sgt, %select_n3A_2400, %select_n3A_2412 : vector<4x2048xi32>
      %eq3A_2419 = arith.cmpi eq, %select_n3A_2400, %select_n3A_2412 : vector<4x2048xi32>
      %lt3A_2420 = arith.cmpi slt, %select_n3A_2401, %select_n3A_2417 : vector<4x2048xi32>
      %and3A_2421 = arith.andi %eq3A_2419, %lt3A_2420 : vector<4x2048xi1>
      %or3A_2422 = arith.ori %gt3A_2418, %and3A_2421 : vector<4x2048xi1>
      %convert_element_type3A_2423 = arith.extui %or3A_2422 : vector<4x2048xi1> to vector<4x2048xi32>
      %shift_right_arithmetic3A_2424 = arith.constant 3 : i32
      %shift_right_arithmetic3A_2425 = vector.broadcast %shift_right_arithmetic3A_2424 : i32 to vector<4x2048xi32>
      %shift_right_arithmetic3A_2426 = arith.shrsi %iota3A, %shift_right_arithmetic3A_2425 : vector<4x2048xi32>
      %shift_right_arithmetic3A_2427 = arith.constant 11 : i32
      %shift_right_arithmetic3A_2428 = vector.broadcast %shift_right_arithmetic3A_2427 : i32 to vector<4x2048xi32>
      %shift_right_arithmetic3A_2429 = arith.shrsi %iota3A, %shift_right_arithmetic3A_2428 : vector<4x2048xi32>
      %xor3A_2430 = arith.xori %shift_right_arithmetic3A_2426, %shift_right_arithmetic3A_2429 : vector<4x2048xi32>
      %and3A_2431 = arith.constant 1 : i32
      %and3A_2432 = vector.broadcast %and3A_2431 : i32 to vector<4x2048xi32>
      %and3A_2433 = arith.andi %xor3A_2430, %and3A_2432 : vector<4x2048xi32>
      %xor3A_2434 = arith.xori %convert_element_type3A_2423, %and3A_2433 : vector<4x2048xi32>
      %eq3A_2435 = arith.constant 1 : i32
      %eq3A_2436 = vector.broadcast %eq3A_2435 : i32 to vector<4x2048xi32>
      %eq3A_2437 = arith.cmpi eq, %xor3A_2434, %eq3A_2436 : vector<4x2048xi32>
      %select_n3A_2438 = arith.select %eq3A_2437, %select_n3A_2400, %select_n3A_2412 : vector<4x2048xi1>, vector<4x2048xi32>
      %select_n3A_2439 = arith.select %eq3A_2437, %select_n3A_2401, %select_n3A_2417 : vector<4x2048xi1>, vector<4x2048xi32>
      %and3A_2440 = arith.constant 4 : i32
      %and3A_2441 = vector.broadcast %and3A_2440 : i32 to vector<4x2048xi32>
      %and3A_2442 = arith.andi %iota3A, %and3A_2441 : vector<4x2048xi32>
      %eq3A_2443 = arith.constant 0 : i32
      %eq3A_2444 = vector.broadcast %eq3A_2443 : i32 to vector<4x2048xi32>
      %eq3A_2445 = arith.cmpi eq, %and3A_2442, %eq3A_2444 : vector<4x2048xi32>
      %roll3A_2446 = arith.constant 2044 : i32
      %roll3A_2447 = tpu.dynamic_rotate %select_n3A_2438 by %roll3A_2446 dim 1 : vector<4x2048xi32>, i32 -> vector<4x2048xi32>
      %roll3A_2448 = arith.constant 4 : i32
      %roll3A_2449 = tpu.dynamic_rotate %select_n3A_2438 by %roll3A_2448 dim 1 : vector<4x2048xi32>, i32 -> vector<4x2048xi32>
      %select_n3A_2450 = arith.select %eq3A_2445, %roll3A_2447, %roll3A_2449 : vector<4x2048xi1>, vector<4x2048xi32>
      %roll3A_2451 = arith.constant 2044 : i32
      %roll3A_2452 = tpu.dynamic_rotate %select_n3A_2439 by %roll3A_2451 dim 1 : vector<4x2048xi32>, i32 -> vector<4x2048xi32>
      %roll3A_2453 = arith.constant 4 : i32
      %roll3A_2454 = tpu.dynamic_rotate %select_n3A_2439 by %roll3A_2453 dim 1 : vector<4x2048xi32>, i32 -> vector<4x2048xi32>
      %select_n3A_2455 = arith.select %eq3A_2445, %roll3A_2452, %roll3A_2454 : vector<4x2048xi1>, vector<4x2048xi32>
      %gt3A_2456 = arith.cmpi sgt, %select_n3A_2438, %select_n3A_2450 : vector<4x2048xi32>
      %eq3A_2457 = arith.cmpi eq, %select_n3A_2438, %select_n3A_2450 : vector<4x2048xi32>
      %lt3A_2458 = arith.cmpi slt, %select_n3A_2439, %select_n3A_2455 : vector<4x2048xi32>
      %and3A_2459 = arith.andi %eq3A_2457, %lt3A_2458 : vector<4x2048xi1>
      %or3A_2460 = arith.ori %gt3A_2456, %and3A_2459 : vector<4x2048xi1>
      %convert_element_type3A_2461 = arith.extui %or3A_2460 : vector<4x2048xi1> to vector<4x2048xi32>
      %shift_right_arithmetic3A_2462 = arith.constant 2 : i32
      %shift_right_arithmetic3A_2463 = vector.broadcast %shift_right_arithmetic3A_2462 : i32 to vector<4x2048xi32>
      %shift_right_arithmetic3A_2464 = arith.shrsi %iota3A, %shift_right_arithmetic3A_2463 : vector<4x2048xi32>
      %shift_right_arithmetic3A_2465 = arith.constant 11 : i32
      %shift_right_arithmetic3A_2466 = vector.broadcast %shift_right_arithmetic3A_2465 : i32 to vector<4x2048xi32>
      %shift_right_arithmetic3A_2467 = arith.shrsi %iota3A, %shift_right_arithmetic3A_2466 : vector<4x2048xi32>
      %xor3A_2468 = arith.xori %shift_right_arithmetic3A_2464, %shift_right_arithmetic3A_2467 : vector<4x2048xi32>
      %and3A_2469 = arith.constant 1 : i32
      %and3A_2470 = vector.broadcast %and3A_2469 : i32 to vector<4x2048xi32>
      %and3A_2471 = arith.andi %xor3A_2468, %and3A_2470 : vector<4x2048xi32>
      %xor3A_2472 = arith.xori %convert_element_type3A_2461, %and3A_2471 : vector<4x2048xi32>
      %eq3A_2473 = arith.constant 1 : i32
      %eq3A_2474 = vector.broadcast %eq3A_2473 : i32 to vector<4x2048xi32>
      %eq3A_2475 = arith.cmpi eq, %xor3A_2472, %eq3A_2474 : vector<4x2048xi32>
      %select_n3A_2476 = arith.select %eq3A_2475, %select_n3A_2438, %select_n3A_2450 : vector<4x2048xi1>, vector<4x2048xi32>
      %select_n3A_2477 = arith.select %eq3A_2475, %select_n3A_2439, %select_n3A_2455 : vector<4x2048xi1>, vector<4x2048xi32>
      %and3A_2478 = arith.constant 2 : i32
      %and3A_2479 = vector.broadcast %and3A_2478 : i32 to vector<4x2048xi32>
      %and3A_2480 = arith.andi %iota3A, %and3A_2479 : vector<4x2048xi32>
      %eq3A_2481 = arith.constant 0 : i32
      %eq3A_2482 = vector.broadcast %eq3A_2481 : i32 to vector<4x2048xi32>
      %eq3A_2483 = arith.cmpi eq, %and3A_2480, %eq3A_2482 : vector<4x2048xi32>
      %roll3A_2484 = arith.constant 2046 : i32
      %roll3A_2485 = tpu.dynamic_rotate %select_n3A_2476 by %roll3A_2484 dim 1 : vector<4x2048xi32>, i32 -> vector<4x2048xi32>
      %roll3A_2486 = arith.constant 2 : i32
      %roll3A_2487 = tpu.dynamic_rotate %select_n3A_2476 by %roll3A_2486 dim 1 : vector<4x2048xi32>, i32 -> vector<4x2048xi32>
      %select_n3A_2488 = arith.select %eq3A_2483, %roll3A_2485, %roll3A_2487 : vector<4x2048xi1>, vector<4x2048xi32>
      %roll3A_2489 = arith.constant 2046 : i32
      %roll3A_2490 = tpu.dynamic_rotate %select_n3A_2477 by %roll3A_2489 dim 1 : vector<4x2048xi32>, i32 -> vector<4x2048xi32>
      %roll3A_2491 = arith.constant 2 : i32
      %roll3A_2492 = tpu.dynamic_rotate %select_n3A_2477 by %roll3A_2491 dim 1 : vector<4x2048xi32>, i32 -> vector<4x2048xi32>
      %select_n3A_2493 = arith.select %eq3A_2483, %roll3A_2490, %roll3A_2492 : vector<4x2048xi1>, vector<4x2048xi32>
      %gt3A_2494 = arith.cmpi sgt, %select_n3A_2476, %select_n3A_2488 : vector<4x2048xi32>
      %eq3A_2495 = arith.cmpi eq, %select_n3A_2476, %select_n3A_2488 : vector<4x2048xi32>
      %lt3A_2496 = arith.cmpi slt, %select_n3A_2477, %select_n3A_2493 : vector<4x2048xi32>
      %and3A_2497 = arith.andi %eq3A_2495, %lt3A_2496 : vector<4x2048xi1>
      %or3A_2498 = arith.ori %gt3A_2494, %and3A_2497 : vector<4x2048xi1>
      %convert_element_type3A_2499 = arith.extui %or3A_2498 : vector<4x2048xi1> to vector<4x2048xi32>
      %shift_right_arithmetic3A_2500 = arith.constant 1 : i32
      %shift_right_arithmetic3A_2501 = vector.broadcast %shift_right_arithmetic3A_2500 : i32 to vector<4x2048xi32>
      %shift_right_arithmetic3A_2502 = arith.shrsi %iota3A, %shift_right_arithmetic3A_2501 : vector<4x2048xi32>
      %shift_right_arithmetic3A_2503 = arith.constant 11 : i32
      %shift_right_arithmetic3A_2504 = vector.broadcast %shift_right_arithmetic3A_2503 : i32 to vector<4x2048xi32>
      %shift_right_arithmetic3A_2505 = arith.shrsi %iota3A, %shift_right_arithmetic3A_2504 : vector<4x2048xi32>
      %xor3A_2506 = arith.xori %shift_right_arithmetic3A_2502, %shift_right_arithmetic3A_2505 : vector<4x2048xi32>
      %and3A_2507 = arith.constant 1 : i32
      %and3A_2508 = vector.broadcast %and3A_2507 : i32 to vector<4x2048xi32>
      %and3A_2509 = arith.andi %xor3A_2506, %and3A_2508 : vector<4x2048xi32>
      %xor3A_2510 = arith.xori %convert_element_type3A_2499, %and3A_2509 : vector<4x2048xi32>
      %eq3A_2511 = arith.constant 1 : i32
      %eq3A_2512 = vector.broadcast %eq3A_2511 : i32 to vector<4x2048xi32>
      %eq3A_2513 = arith.cmpi eq, %xor3A_2510, %eq3A_2512 : vector<4x2048xi32>
      %select_n3A_2514 = arith.select %eq3A_2513, %select_n3A_2476, %select_n3A_2488 : vector<4x2048xi1>, vector<4x2048xi32>
      %select_n3A_2515 = arith.select %eq3A_2513, %select_n3A_2477, %select_n3A_2493 : vector<4x2048xi1>, vector<4x2048xi32>
      %and3A_2516 = arith.constant 1 : i32
      %and3A_2517 = vector.broadcast %and3A_2516 : i32 to vector<4x2048xi32>
      %and3A_2518 = arith.andi %iota3A, %and3A_2517 : vector<4x2048xi32>
      %eq3A_2519 = arith.constant 0 : i32
      %eq3A_2520 = vector.broadcast %eq3A_2519 : i32 to vector<4x2048xi32>
      %eq3A_2521 = arith.cmpi eq, %and3A_2518, %eq3A_2520 : vector<4x2048xi32>
      %roll3A_2522 = arith.constant 2047 : i32
      %roll3A_2523 = tpu.dynamic_rotate %select_n3A_2514 by %roll3A_2522 dim 1 : vector<4x2048xi32>, i32 -> vector<4x2048xi32>
      %roll3A_2524 = arith.constant 1 : i32
      %roll3A_2525 = tpu.dynamic_rotate %select_n3A_2514 by %roll3A_2524 dim 1 : vector<4x2048xi32>, i32 -> vector<4x2048xi32>
      %select_n3A_2526 = arith.select %eq3A_2521, %roll3A_2523, %roll3A_2525 : vector<4x2048xi1>, vector<4x2048xi32>
      %roll3A_2527 = arith.constant 2047 : i32
      %roll3A_2528 = tpu.dynamic_rotate %select_n3A_2515 by %roll3A_2527 dim 1 : vector<4x2048xi32>, i32 -> vector<4x2048xi32>
      %roll3A_2529 = arith.constant 1 : i32
      %roll3A_2530 = tpu.dynamic_rotate %select_n3A_2515 by %roll3A_2529 dim 1 : vector<4x2048xi32>, i32 -> vector<4x2048xi32>
      %select_n3A_2531 = arith.select %eq3A_2521, %roll3A_2528, %roll3A_2530 : vector<4x2048xi1>, vector<4x2048xi32>
      %gt3A_2532 = arith.cmpi sgt, %select_n3A_2514, %select_n3A_2526 : vector<4x2048xi32>
      %eq3A_2533 = arith.cmpi eq, %select_n3A_2514, %select_n3A_2526 : vector<4x2048xi32>
      %lt3A_2534 = arith.cmpi slt, %select_n3A_2515, %select_n3A_2531 : vector<4x2048xi32>
      %and3A_2535 = arith.andi %eq3A_2533, %lt3A_2534 : vector<4x2048xi1>
      %or3A_2536 = arith.ori %gt3A_2532, %and3A_2535 : vector<4x2048xi1>
      %convert_element_type3A_2537 = arith.extui %or3A_2536 : vector<4x2048xi1> to vector<4x2048xi32>
      %shift_right_arithmetic3A_2538 = arith.constant 0 : i32
      %shift_right_arithmetic3A_2539 = vector.broadcast %shift_right_arithmetic3A_2538 : i32 to vector<4x2048xi32>
      %shift_right_arithmetic3A_2540 = arith.shrsi %iota3A, %shift_right_arithmetic3A_2539 : vector<4x2048xi32>
      %shift_right_arithmetic3A_2541 = arith.constant 11 : i32
      %shift_right_arithmetic3A_2542 = vector.broadcast %shift_right_arithmetic3A_2541 : i32 to vector<4x2048xi32>
      %shift_right_arithmetic3A_2543 = arith.shrsi %iota3A, %shift_right_arithmetic3A_2542 : vector<4x2048xi32>
      %xor3A_2544 = arith.xori %shift_right_arithmetic3A_2540, %shift_right_arithmetic3A_2543 : vector<4x2048xi32>
      %and3A_2545 = arith.constant 1 : i32
      %and3A_2546 = vector.broadcast %and3A_2545 : i32 to vector<4x2048xi32>
      %and3A_2547 = arith.andi %xor3A_2544, %and3A_2546 : vector<4x2048xi32>
      %xor3A_2548 = arith.xori %convert_element_type3A_2537, %and3A_2547 : vector<4x2048xi32>
      %eq3A_2549 = arith.constant 1 : i32
      %eq3A_2550 = vector.broadcast %eq3A_2549 : i32 to vector<4x2048xi32>
      %eq3A_2551 = arith.cmpi eq, %xor3A_2548, %eq3A_2550 : vector<4x2048xi32>
      %select_n3A_2552 = arith.select %eq3A_2551, %select_n3A_2515, %select_n3A_2531 : vector<4x2048xi1>, vector<4x2048xi32>
      %iota3A_2553 = tpu.iota {dimensions = array<i32: 0>} : vector<4x640xi32>
      %mul3A_2554 = arith.constant 2048 : i32
      %mul3A_2555 = vector.broadcast %mul3A_2554 : i32 to vector<4x640xi32>
      %mul3A_2556 = arith.muli %iota3A_2553, %mul3A_2555 : vector<4x640xi32>
      %slice3A = vector.extract_strided_slice %select_n3A_2552 {offsets = [0, 0], sizes = [4, 640], strides = [1, 1]} : vector<4x2048xi32> to vector<4x640xi32>
      %add3A_2557 = arith.addi %slice3A, %mul3A_2556 : vector<4x640xi32>
      %swap3A_2558 = arith.constant 0 : index
      %swap3A_2559 = arith.constant 0 : index
      %swap3A_2560 = vector.load %arg5[%swap3A_2558, %swap3A_2559] : memref<4x640xi32, #tpu.memory_space<vmem>>, vector<4x640xi32>
      tpu.vector_store %arg5[%swap3A_2558, %swap3A_2559], %add3A_2557 {strides = array<i32>} : memref<4x640xi32, #tpu.memory_space<vmem>>, vector<4x640xi32>,
    } else {
    }
    return
  }
  func.func @transform_0(%arg0: i32, %arg1: i32) -> i32 {
    %c0_i32 = arith.constant 0 : i32
    %c0_i32_0 = arith.constant 0 : i32
    return %c0_i32 : i32
  }
  func.func @transform_1(%arg0: i32, %arg1: i32) -> (i32, i32, i32) {
    %c0_i32 = arith.constant 0 : i32
    %c0_i32_0 = arith.constant 0 : i32
    return %arg0, %arg1, %c0_i32 : i32, i32, i32
  }
  func.func @transform_2(%arg0: i32, %arg1: i32) -> (i32, i32, i32) {
    %c0_i32 = arith.constant 0 : i32
    %c0_i32_0 = arith.constant 0 : i32
    %c0_i32_1 = arith.constant 0 : i32
    return %arg0, %c0_i32, %c0_i32_0 : i32, i32, i32
  }
  func.func @transform_3(%arg0: i32, %arg1: i32) -> (i32, i32) {
    %c0_i32 = arith.constant 0 : i32
    %c0_i32_0 = arith.constant 0 : i32
    %c0_i32_1 = arith.constant 0 : i32
    return %c0_i32, %c0_i32_0 : i32, i32
  }
}

</mosaic_0001>

<sc_bundles>
// kernel: kernel.5.cloned.1.call-start
scs
__scs_entry_jumppad:
0x0: {  	(pc) =	sbr.rel $0x88, $3  }
0x1: {  	(tag) =	ssettag $0x0;
	lr =	simm.s32 $0x1  }
0x2: {  	[smem:$0x3F96] =	sst lr;
	_ =	strace $0xD0000000  }
0x3: {  	_ = 	snop  }
0x4: {  	_ = 	snop  }
0x5: {  	_ = 	snop  }
0x6: {  	_ = 	snop  }
0x7: {  	_ = 	snop  }
__scs_overlays_trampoline_lowered:
0x8: {  	[smem:$0x3FA5] =	sst s0  }
0x9: {  	[smem:$0x3FA6] =	sst s1  }
0xa: {  	[smem:$0x3FA7] =	sst s2  }
0xb: {  	[smem:$0x3FA8] =	sst s3  }
0xc: {  	[smem:$0x3FA9] =	sst s4  }
0xd: {  	[smem:$0x3FAA] =	sst s5  }
0xe: {  	[smem:$0x3FAB] =	sst s6  }
0xf: {  	[smem:$0x3FAC] =	sst s7  }
0x10: {  	[smem:$0x3FAD] =	sst s8  }
0x11: {  	[smem:$0x3FAE] =	sst s9;
	s0 =	simm.s32 @!p0 $0x0  }
0x12: {  	s1 =	sld [smem:$0x3F94];
	s0 =	simm.s32 @p0 $0x1  }
0x13: {  	[smem:$0x3FAF] =	sst s0;
	s0 =	simm.s32 @!p1 $0x0  }
0x14: {  	s2 =	sld [smem:$0x3F93];
	s0 =	simm.s32 @p1 $0x1  }
0x15: {  	[smem:$0x3FB0] =	sst s0;
	s0 =	simm.s32 @!p2 $0x0  }
0x16: {  	s3 =	sld [smem:$0x3FDB];
	s0 =	simm.s32 @p2 $0x1  }
0x17: {  	s4 =	simm.s32 $0x1BF5;
	[smem:$0x3FB2] =	sst s0  }
0x18: {  	s0 =	sld [smem:$0x3F95];
	_ =	swait.ge [sflag:s4], $0x0  }
0x19: {  	s7 =	sld [smem:$0x3F96]  }
0x1a: {  	s8 =	sadd.s32 $0xFFFFE003, lr  }
0x1b: {  	s9 =	sadd.s32 $0xFFFFFEF7, lr;
	s5 =	simm.s32 $0xFFFFFFFF;
	p2 =	slt.u32 s8, $0xFFFFF086  }
0x1c: {  	p1 =	slt.u32 s9, $0xF7A;
	s5 =	simm.s32 @!p2 $0x0  }
0x1d: {  	s5 =	simm.s32 @p1 $0x1;
	p0 =	seq.s32 s7, s2  }
0x1e: {  	s7 =	smul.u32 @!p0 $0xF7A, s2;
	p2 =	seq.s32 @!p0 s5, $0x0  }
0x1f: {  	s9 =	smul.u32 $0xF7A, s1;
	s8 =	simm.s32 @!p0 $0x1BF5;
	p2 =	por !p2, p0  }
0x20: {  	[sflag:s8] =	ssyncset.s32 @!p0 $0xFFFFF086;
	s6 =	sadd.s32 @!p0 s3, s7;
	s7 =	simm.s32 @!p0 $0x108  }
0x21: {  	s3 =	sadd.s32 s3, s9;
	s6 =	sadd.s32 @!p0 $0x88, s6;
	s7 =	simm.s32 @p2 $0x1082  }
0x22: {  	[simem:s7], [sflag:s8] =	dma.local @!p0 [hbm:s6], $0xF7A  }
0x23: {  	s9 =	sor.u32 $0xD0000000, s2;
	s6 =	simm.s32 $0x108;
	_ =	swait.ge @!p0 [sflag:s8], $0x0  }
0x24: {  	s3 =	sadd.s32 $0x88, s3;
	s6 =	simm.s32 @!p1 $0x1082;
	[sflag:s4] =	ssyncset.s32 $0xFFFFF086  }
0x25: {  	[simem:s6], [sflag:s4] =	dma.local [hbm:s3], $0xF7A  }
0x26: {  	[smem:$0x3F96] =	sst s1;
	(tag) =	ssettag s2;
	_ =	strace s9  }
0x27: {  	s1 =	sld [smem:$0x3FA6]  }
0x28: {  	s2 =	sld [smem:$0x3FA7]  }
0x29: {  	s4 =	sld [smem:$0x3FA9]  }
0x2a: {  	p0 =	seq.s32 s5, $0x0;
	s5 =	sld [smem:$0x3FAA]  }
0x2b: {  	s6 =	sld [smem:$0x3FAB]  }
0x2c: {  	s7 =	sld [smem:$0x3FAC]  }
0x2d: {  	s3 =	simm.s32 $0x108;
	s8 =	sld [smem:$0x3FAD]  }
0x2e: {  	s3 =	simm.s32 @!p0 $0x1082;
	s9 =	sld [smem:$0x3FAE]  }
0x2f: {  	lr =	sadd.s32 s0, s3;
	s0 =	sld [smem:$0x3FA5]  }
0x30: {  	s3 =	sld [smem:$0x3FA8]  }
0x31: {  	[smem:$0x3FB1] =	sst s10  }
0x32: {  	s10 =	sld [smem:$0x3FAF];
	_ =	sdelay $0x3  }
0x33: {  	p0 =	seq.s32 s10, $0x1;
	s10 =	sld [smem:$0x3FB1];
	_ =	sdelay $0x3  }
0x34: {  	[smem:$0x3FB1] =	sst s10  }
0x35: {  	s10 =	sld [smem:$0x3FB0];
	_ =	sdelay $0x3  }
0x36: {  	p1 =	seq.s32 s10, $0x1;
	s10 =	sld [smem:$0x3FB1];
	_ =	sdelay $0x3  }
0x37: {  	[smem:$0x3FB1] =	sst s10  }
0x38: {  	s10 =	sld [smem:$0x3FB2]  }
0x39: {  	_ = 	snop;
	(pc) =	sbr.ind lr, $3  }
0x3a: {  	_ = 	snop  }
0x3b: {  	_ = 	snop  }
0x3c: {  	p2 =	seq.s32 s10, $0x1;
	s10 =	sld [smem:$0x3FB1]  }
0x3d: {  	_ =	shalt  }
0x3e: {  	_ =	shalt  }
0x3f: {  	_ =	shalt  }
0x40: {  	_ =	shalt  }
0x41: {  	_ =	shalt  }
0x42: {  	_ =	shalt  }
0x43: {  	_ =	shalt  }
0x44: {  	_ =	shalt  }
0x45: {  	_ =	shalt  }
0x46: {  	_ =	shalt  }
0x47: {  	_ =	shalt  }
0x48: {  	_ =	shalt  }
0x49: {  	_ =	shalt  }
0x4a: {  	_ =	shalt  }
0x4b: {  	_ =	shalt  }
0x4c: {  	_ =	shalt  }
0x4d: {  	_ =	shalt  }
0x4e: {  	_ =	shalt  }
0x4f: {  	_ =	shalt  }
0x50: {  	_ =	shalt  }
0x51: {  	_ =	shalt  }
0x52: {  	_ =	shalt  }
0x53: {  	_ =	shalt  }
0x54: {  	_ =	shalt  }
0x55: {  	_ =	shalt  }
0x56: {  	_ =	shalt  }
0x57: {  	_ =	shalt  }
0x58: {  	_ =	shalt  }
0x59: {  	_ =	shalt  }
0x5a: {  	_ =	shalt  }
0x5b: {  	_ =	shalt  }
0x5c: {  	_ =	shalt  }
0x5d: {  	_ =	shalt  }
0x5e: {  	_ =	shalt  }
0x5f: {  	_ =	shalt  }
0x60: {  	_ =	shalt  }
0x61: {  	_ =	shalt  }
0x62: {  	_ =	shalt  }
0x63: {  	_ =	shalt  }
0x64: {  	_ =	shalt  }
0x65: {  	_ =	shalt  }
0x66: {  	_ =	shalt  }
0x67: {  	_ =	shalt  }
0x68: {  	_ =	shalt  }
0x69: {  	_ =	shalt  }
0x6a: {  	_ =	shalt  }
0x6b: {  	_ =	shalt  }
0x6c: {  	_ =	shalt  }
0x6d: {  	_ =	shalt  }
0x6e: {  	_ =	shalt  }
0x6f: {  	_ =	shalt  }
0x70: {  	_ =	shalt  }
0x71: {  	_ =	shalt  }
0x72: {  	_ =	shalt  }
0x73: {  	_ =	shalt  }
0x74: {  	_ =	shalt  }
0x75: {  	_ =	shalt  }
0x76: {  	_ =	shalt  }
0x77: {  	_ =	shalt  }
0x78: {  	_ =	shalt  }
0x79: {  	_ =	shalt  }
0x7a: {  	_ =	shalt  }
0x7b: {  	_ =	shalt  }
0x7c: {  	_ =	shalt  }
0x7d: {  	_ =	shalt  }
0x7e: {  	_ =	shalt  }
0x7f: {  	_ =	shalt  }
0x80: {  	_ =	shalt  }
0x81: {  	_ =	shalt  }
0x82: {  	_ =	shalt  }
0x83: {  	_ =	shalt  }
0x84: {  	_ =	shalt  }
0x85: {  	_ =	shalt  }
0x86: {  	_ =	shalt  }
0x87: {  	_ =	shalt  }
.Lfunc_end0:
.L_simem_size_0:
called_computation_lowered:
.L_overlay_start_0:
0x88: {  	s2 =	sld [smem:$0x3FD9]  }
0x89: {  	s3 =	sld [smem:$0x3FFE];
	_ =	sdelay $0x1  }
0x8a: {  	s1 =	srdreg.scid  }
0x8b: {  	s0 =	sand.u32 $0x1, s1  }
0x8c: {  	s17 =	sshll.u32 s0, $0xA;
	s2 =	sadd.s32 s3, s2  }
0x8d: {  	s2 =	sadd.s32 s2, s17  }
0x8e: {  	[smem:$0x3FBD] =	sst s2  }
0x8f: {  	_ = 	snop  }
0x90: {  	s2 =	sld [smem:$0x3FC9]  }
0x91: {  	s18 =	sld [smem:$0x3FD0];
	(tm) =	ssettm $0x1  }
0x92: {  	s4 =	sld [smem:$0x3FFB];
	_ =	sdelay $0x3  }
0x93: {  	_ =	strace s4  }
0x94: {  	s4 =	sld [smem:$0x3FFC];
	_ =	sdelay $0x3  }
0x95: {  	_ =	strace s4  }
0x96: {  	s4 =	sld [smem:$0x3FFD];
	_ =	sdelay $0x3  }
0x97: {  	_ =	strace s4  }
0x98: {  	_ =	strace $0x8FFFFFFF  }
0x99: {  	s19 =	sld [smem:$0x3FDB];
	_ =	sdelay $0x1  }
0x9a: {  	s5 =	simm.s32 $_scs_section_size  }
0x9b: {  	s6 =	simm.s32 $_size__tile_overlayer_lowered;
	s7 =	simm.s32 $_tile_overlayer_lowered  }
0x9c: {  	s22 =	simm.s32 $0x1BFF;
	s21 =	sshll.u32 s7, $0x1;
	s4 =	sadd.s32 s5, s19  }
0x9d: {  	s8 =	simm.s32 $0x0;
	s20 =	sshll.u32 s6, $0x1;
	s6 =	sadd.s32 s21, s4  }
0x9e: {  	[timem:s8], [sflag:s22] =	dma.local [hbm:s6], s20  }
0x9f: {  	_ =	swait.ge [sflag:s22], s20  }
0xa0: {  	s5 =	ssub.s32 $0x0, s20;
	[sflag:s22] =	ssyncset.done $0x0  }
0xa1: {  	[sflag:s22] =	ssyncadd.s32 s5;
	_ =	sdelay $0x1  }
0xa2: {  	s23 =	simm.s32 $0x1B8B  }
0xa3: {  	_ =	swait.ge [sflag:s23], $0x1  }
0xa4: {  	[sflag:s23] =	ssyncset.done $0x0  }
0xa5: {  	s25 =	simm.s32 $0x1B8E;
	s24 =	sld [smem:$0x3FFE];
	[sflag:s23] =	ssyncadd.s32 $0xFFFFFFFF  }
0xa6: {  	s26 =	simm.s32 $execute0_lowered;
	[smem:$0x3FD2] =	sst s25  }
0xa7: {  	s6 =	sshll.u32 s26, $0x1;
	_ =	strace $0x80000046;
	[dreg:$0x1] =	wrdreg $0xFFFFFFFF  }
0xa8: {  	s28 =	simm.s32 $_size_execute0_lowered;
	s4 =	sadd.s32 s4, s6;
	[dreg:$0x0] =	wrdreg $0x0  }
0xa9: {  	s6 =	sshll.u32 s28, $0x1;
	[dreg:$0x2] =	wrdreg s4  }
0xaa: {  	[dreg:$0x3] =	wrdreg s6  }
0xab: {  	[dreg:$0x4] =	wrdreg $0xC0  }
0xac: {  	_ =	task [dreg:s8], $0x5FFFF  }
0xad: {  	[dreg:$0x1] =	wrdreg $0xFFFFFFFF  }
0xae: {  	[dreg:$0x0] =	wrdreg $0x60  }
0xaf: {  	[dreg:$0x2] =	wrdreg s18  }
0xb0: {  	[dreg:$0x3] =	wrdreg s2  }
0xb1: {  	[dreg:$0x4] =	wrdreg s24  }
0xb2: {  	[dreg:$0x5] =	wrdreg $0x9  }
0xb3: {  	_ =	task.clear_ibuf [dreg:s8], $0x6FFFF;
	_ =	strace $0x90000046  }
0xb4: {  	s29 =	simm.s32 $0x9;
	_ =	strace $0x80000048  }
0xb5: {  	_ =	swait.ge [sflag:s29], $0x1  }
0xb6: {  	[sflag:s29] =	ssyncadd.s32 $0xFFFFFFFF  }
0xb7: {  	_ =	strace $0x90000048  }
0xb8: {  	_ =	sfence  }
0xb9: {  	s30 =	sld [smem:$0x0];
	_ =	sdelay $0x2  }
0xba: {  	s31 =	sshll.u32 s1, $0xD;
	s1 =	sshrl.u32 s1, $0x2  }
0xbb: {  	s3 =	sand.u32 $0x4000, s31;
	s1 =	sadd.s32 s1, s30  }
0xbc: {  	s0 =	sor.u32 s3, s0;
	s1 =	sshll.u32 s1, $0x11  }
0xbd: {  	s0 =	sor.u32 s1, s0  }
0xbe: {  	s0 =	sadd.s32 $0x8F2B, s0  }
0xbf: {  	[sflag:s0] =	ssyncadd.remote.s32 $0x1  }
0xc0: {  	_ =	sfence.sel $0xFFFF  }
0xc1: {  	[dreg:$0x0] =	wrdreg $0xFFFFFFFF;
	(pc) =	sbr.abs _section_cstart, $3  }
0xc2: {  	[dreg:$0x1] =	wrdreg $0xFFFFFFFF  }
0xc3: {  	_ =	task.clear_ibuf [dreg:s8], $0x2FFFF;
	_ =	strace $0x9FFFFFFF  }
0xc4: {  	(tm) =	ssettm $0x7FFFFFFF  }
0xc5: {  	_ =	shalt  }
tec
execute0_lowered:
.L_overlay_start_1:
0x0: {  	(tag) =	ssettag $0x1  }
0x1: {  	s4 =	rddreg [dreg:$0x0]  }
0x2: {  	s1 =	srdreg.scid;
	s2 =	rddreg [dreg:$0x1]  }
0x3: {  	s0 =	stileid.u32;
	s6 =	rddreg [dreg:$0x2]  }
0x4: {  	s3 =	simm.s32 $0x0;
	s9 =	simm.s32 $0x80;
	s10 =	simm.s32 $0x880  }
0x5: {  	s11 =	simm.s32 $0x1080;
	s12 =	simm.s32 $0x1880;
	s13 =	simm.s32 $0x2080  }
0x6: {  	s14 =	simm.s32 $0x2880;
	s15 =	simm.s32 $0x3080;
	s16 =	simm.s32 $0x3880  }
0x7: {  	s17 =	simm.s32 $0x4080;
	s18 =	simm.s32 $0x4880;
	s19 =	simm.s32 $0x5080  }
0x8: {  	s20 =	simm.s32 $0x5880;
	s21 =	simm.s32 $0x6080;
	s22 =	simm.s32 $0x6880  }
0x9: {  	s23 =	simm.s32 $0x7080;
	s24 =	simm.s32 $0x7880;
	s25 =	simm.s32 $0x8080  }
0xa: {  	s28 =	simm.s32 $0x9080;
	s5 =	sand.u32 $0x1, s1;
	s26 =	sshll.u32 s0, $0x1  }
0xb: {  	s29 =	simm.s32 $0x9880;
	s1 =	rddreg [dreg:$0x3];
	s7 =	sor.u32 s5, s26  }
0xc: {  	s30 =	simm.s32 $0x1;
	[smem:$0x7FF] =	sst s3;
	s8 =	smul.u32 $0x1400, s7  }
0xd: {  	s5 =	ssub.s32 $0x2, s5;
	_ =	strace $0x80000047;
	s7 =	smul.u32 $0xA, s7  }
0xe: {  	v2 =	vlaneseq.u32;
	s26 =	simm.s32 $0x8880;
	s31 =	sshrl.u32 s5, $0x1;
	s6 =	sadd.s32 s8, s6  }
0xf: {  	vm0 =	vmmov $0xffff;
	v1 =	vshrl.u32 v2, $0x3;
	s8 =	ssub.s32 s5, s31;
	s4 =	sadd.s32 s4, s7;
	s5 =	sadd.s32 $0x100, s2  }
0x10: {  	v0 =	vand.u32 $0x7, v2;
	v2 =	vor.u32 $0x8, v2;
	v1 =	vmul.u32 $0x8, v1;
	s6 =	sadd.s32 $0x1400, s6;
	s7 =	smax.u32 s8, $0x1;
	s8 =	simm.s32 $0x2  }
.LBB2_1:
0x11: {  	[tilespmem:s3], [sflag:$0x2] =	stream.linear.gather [hbm4b:s4+s3], $0x50, $0x38;
	[tilespmem:$0xA080] =	vst v63  }
0x12: {  	_ =	swait.ge [sflag:s8], $0x50  }
0x13: {  	[sflag:s8] =	ssyncset.done $0x0  }
0x14: {  	[sflag:s8] =	ssyncadd.s32 $0xFFFFFFB0  }
0x15: {  	v3 =	vld [tilespmem:$0x0];
	_ =	sdelay $0x4  }
0x16: {  	v4 =	vshll.u32 v3, $0x2  }
0x17: {  	v3 =	vand.u32 $0x7, v3;
	v4 =	vand.u32 $0xFFFFFFE0, v4  }
0x18: {  	v3 =	vor.u32 v3, v4  }
0x19: {  	v4 =	vperm.xlane v3, v0;
	_ =	sdelay $0x1  }
0x1a: {  	v4 =	vadd.s32 v1, v4;
	_ =	sdelay $0x1  }
0x1b: {  	v3 =	vperm.xlane v3, v2;
	_ =	sdelay $0x1  }
0x1c: {  	v3 =	vadd.s32 v1, v3  }
0x1d: {  	[tilespmem:s9], [sflag:$0x1] =	stream.indirect_vreg.gather [hbm4b:s2+s3], $0x80, v4, vm0, $0xb8;
	[tilespmem:$0xA080] =	vst v63  }
0x1e: {  	_ = 	snop  }
0x1f: {  	[tilespmem:s10], [sflag:$0x1] =	stream.indirect_vreg.gather [hbm4b:s5+s3], $0x80, v4, vm0, $0xb8;
	[tilespmem:$0xA080] =	vst v63  }
0x20: {  	_ = 	snop  }
0x21: {  	[tilespmem:s11], [sflag:$0x1] =	stream.indirect_vreg.gather [hbm4b:s2+s3], $0x80, v3, vm0, $0xb8;
	[tilespmem:$0xA080] =	vst v63  }
0x22: {  	_ = 	snop  }
0x23: {  	[tilespmem:s12], [sflag:$0x1] =	stream.indirect_vreg.gather [hbm4b:s5+s3], $0x80, v3, vm0, $0xb8;
	[tilespmem:$0xA080] =	vst v63  }
0x24: {  	v3 =	vld [tilespmem:$0x10];
	_ =	sdelay $0x4  }
0x25: {  	v60 =	vshll.u32 v3, $0x2  }
0x26: {  	v3 =	vand.u32 $0x7, v3;
	v4 =	vand.u32 $0xFFFFFFE0, v60  }
0x27: {  	v3 =	vor.u32 v3, v4  }
0x28: {  	v4 =	vperm.xlane v3, v0;
	_ =	sdelay $0x1  }
0x29: {  	v4 =	vadd.s32 v1, v4;
	_ =	sdelay $0x1  }
0x2a: {  	v3 =	vperm.xlane v3, v2;
	_ =	sdelay $0x1  }
0x2b: {  	v3 =	vadd.s32 v1, v3  }
0x2c: {  	[tilespmem:s13], [sflag:$0x1] =	stream.indirect_vreg.gather [hbm4b:s2+s3], $0x80, v4, vm0, $0xb8;
	[tilespmem:$0xA080] =	vst v63  }
0x2d: {  	_ = 	snop  }
0x2e: {  	[tilespmem:s14], [sflag:$0x1] =	stream.indirect_vreg.gather [hbm4b:s5+s3], $0x80, v4, vm0, $0xb8;
	[tilespmem:$0xA080] =	vst v63  }
0x2f: {  	_ = 	snop  }
0x30: {  	[tilespmem:s15], [sflag:$0x1] =	stream.indirect_vreg.gather [hbm4b:s2+s3], $0x80, v3, vm0, $0xb8;
	[tilespmem:$0xA080] =	vst v63  }
0x31: {  	_ = 	snop  }
0x32: {  	[tilespmem:s16], [sflag:$0x1] =	stream.indirect_vreg.gather [hbm4b:s5+s3], $0x80, v3, vm0, $0xb8;
	[tilespmem:$0xA080] =	vst v63  }
0x33: {  	v3 =	vld [tilespmem:$0x20];
	_ =	sdelay $0x4  }
0x34: {  	v61 =	vshll.u32 v3, $0x2  }
0x35: {  	v3 =	vand.u32 $0x7, v3;
	v4 =	vand.u32 $0xFFFFFFE0, v61  }
0x36: {  	v3 =	vor.u32 v3, v4  }
0x37: {  	v4 =	vperm.xlane v3, v0;
	_ =	sdelay $0x1  }
0x38: {  	v4 =	vadd.s32 v1, v4;
	_ =	sdelay $0x1  }
0x39: {  	v3 =	vperm.xlane v3, v2;
	_ =	sdelay $0x1  }
0x3a: {  	v3 =	vadd.s32 v1, v3  }
0x3b: {  	[tilespmem:s17], [sflag:$0x1] =	stream.indirect_vreg.gather [hbm4b:s2+s3], $0x80, v4, vm0, $0xb8;
	[tilespmem:$0xA080] =	vst v63  }
0x3c: {  	_ = 	snop  }
0x3d: {  	[tilespmem:s18], [sflag:$0x1] =	stream.indirect_vreg.gather [hbm4b:s5+s3], $0x80, v4, vm0, $0xb8;
	[tilespmem:$0xA080] =	vst v63  }
0x3e: {  	_ = 	snop  }
0x3f: {  	[tilespmem:s19], [sflag:$0x1] =	stream.indirect_vreg.gather [hbm4b:s2+s3], $0x80, v3, vm0, $0xb8;
	[tilespmem:$0xA080] =	vst v63  }
0x40: {  	_ = 	snop  }
0x41: {  	[tilespmem:s20], [sflag:$0x1] =	stream.indirect_vreg.gather [hbm4b:s5+s3], $0x80, v3, vm0, $0xb8;
	[tilespmem:$0xA080] =	vst v63  }
0x42: {  	v3 =	vld [tilespmem:$0x30];
	_ =	sdelay $0x4  }
0x43: {  	v62 =	vshll.u32 v3, $0x2  }
0x44: {  	v3 =	vand.u32 $0x7, v3;
	v4 =	vand.u32 $0xFFFFFFE0, v62  }
0x45: {  	v3 =	vor.u32 v3, v4  }
0x46: {  	v4 =	vperm.xlane v3, v0;
	_ =	sdelay $0x1  }
0x47: {  	v4 =	vadd.s32 v1, v4;
	_ =	sdelay $0x1  }
0x48: {  	v3 =	vperm.xlane v3, v2;
	_ =	sdelay $0x1  }
0x49: {  	v3 =	vadd.s32 v1, v3  }
0x4a: {  	[tilespmem:s21], [sflag:$0x1] =	stream.indirect_vreg.gather [hbm4b:s2+s3], $0x80, v4, vm0, $0xb8;
	[tilespmem:$0xA080] =	vst v63  }
0x4b: {  	_ = 	snop  }
0x4c: {  	[tilespmem:s22], [sflag:$0x1] =	stream.indirect_vreg.gather [hbm4b:s5+s3], $0x80, v4, vm0, $0xb8;
	[tilespmem:$0xA080] =	vst v63  }
0x4d: {  	_ = 	snop  }
0x4e: {  	[tilespmem:s23], [sflag:$0x1] =	stream.indirect_vreg.gather [hbm4b:s2+s3], $0x80, v3, vm0, $0xb8;
	[tilespmem:$0xA080] =	vst v63  }
0x4f: {  	_ = 	snop  }
0x50: {  	[tilespmem:s24], [sflag:$0x1] =	stream.indirect_vreg.gather [hbm4b:s5+s3], $0x80, v3, vm0, $0xb8;
	[tilespmem:$0xA080] =	vst v63  }
0x51: {  	v3 =	vld [tilespmem:$0x40];
	_ =	sdelay $0x4  }
0x52: {  	v63 =	vshll.u32 v3, $0x2  }
0x53: {  	v3 =	vand.u32 $0x7, v3;
	v4 =	vand.u32 $0xFFFFFFE0, v63  }
0x54: {  	v3 =	vor.u32 v3, v4  }
0x55: {  	v4 =	vperm.xlane v3, v0;
	_ =	sdelay $0x1  }
0x56: {  	v4 =	vadd.s32 v1, v4;
	_ =	sdelay $0x1  }
0x57: {  	v3 =	vperm.xlane v3, v2;
	_ =	sdelay $0x1  }
0x58: {  	v3 =	vadd.s32 v1, v3  }
0x59: {  	[tilespmem:s25], [sflag:$0x1] =	stream.indirect_vreg.gather [hbm4b:s2+s3], $0x80, v4, vm0, $0xb8;
	[tilespmem:$0xA080] =	vst v63  }
0x5a: {  	_ = 	snop  }
0x5b: {  	[tilespmem:s26], [sflag:$0x1] =	stream.indirect_vreg.gather [hbm4b:s5+s3], $0x80, v4, vm0, $0xb8;
	[tilespmem:$0xA080] =	vst v63  }
0x5c: {  	_ = 	snop  }
0x5d: {  	[tilespmem:s28], [sflag:$0x1] =	stream.indirect_vreg.gather [hbm4b:s2+s3], $0x80, v3, vm0, $0xb8;
	[tilespmem:$0xA080] =	vst v63  }
0x5e: {  	_ = 	snop  }
0x5f: {  	[tilespmem:s29], [sflag:$0x1] =	stream.indirect_vreg.gather [hbm4b:s5+s3], $0x80, v3, vm0, $0xb8;
	[tilespmem:$0xA080] =	vst v63  }
0x60: {  	_ =	swait.ge [sflag:s30], $0xA000  }
0x61: {  	p0 =	sne.s32 s7, $0x1;
	[sflag:s30] =	ssyncset.done $0x0  }
.Ltmp0:
0x62: {  	[sflag:s30] =	ssyncadd.s32 $0xFFFF6000;
	(pc) =	sbr.rel @p0 .LBB2_1-.Ltmp0, $4  }
0x63: {  	[hbm4b:s6+s3] =	stream.linear.scatter [tilespmem:s9], [sflag:$0x2], $0xA000, $0x38;
	[tilespmem:$0xA080] =	vst v63  }
0x64: {  	_ =	swait.ge [sflag:s8], $0xA000  }
0x65: {  	[sflag:s8] =	ssyncset.done $0x0  }
0x66: {  	s7 =	sadd.s32 $0xFFFFFFFF, s7;
	[sflag:s8] =	ssyncadd.s32 $0xFFFF6000  }
0x67: {  	_ =	sfence.sel $0x180000  }
0x68: {  	[bflag:$0x0] =	sbarrier.arrive $0xFFFF  }
0x69: {  	p0 =	sne.s32 s0, $0x0;
	_ =	strace $0x90000047  }
0x6a: {  	s0 =	sadd.s32 @!p0 $0x100000, s1;
	[bflag:$0x2] =	sbarrier.arrive $0xFFFF  }
0x6b: {  	[sflag:s0] =	ssyncadd.tile.s32 @!p0 $0x1;
	_ =	shalt  }
.Lfunc_end2:
_tile_overlayer_lowered:
.L_overlay_start_2:
0x6c: {  	(tag) =	ssettag $0x2  }
0x6d: {  	s0 =	rddreg [dreg:$0x0];
	s2 =	stileid.u32  }
0x6e: {  	s1 =	rddreg [dreg:$0x1];
	p0 =	sne.s32 s2, $0x0  }
0x6f: {  	s3 =	rddreg [dreg:$0x2];
	[bflag:$0x3] =	sbarrier.arrive $0xFFFF;
	s2 =	simm.s32 @!p0 $0x1C02  }
0x70: {  	[timem:s3], [sflag:s2] =	dma.local @!p0 [hbm:s0], s1  }
0x71: {  	s0 =	simm.s32 @!p0 $0x2  }
0x72: {  	_ =	swait.ge @!p0 [sflag:s0], s1  }
0x73: {  	s1 =	ssub.s32 @!p0 $0x0, s1;
	[sflag:s0] =	ssyncset.done @!p0 $0x0  }
0x74: {  	[sflag:s0] =	ssyncadd.s32 @!p0 s1  }
0x75: {  	[bflag:$0x3] =	sbarrier.arrive $0xFFFF  }
0x76: {  	_ =	shalt  }

</sc_bundles>
